<compile_context>
chip_gen: v7x
topology: tpu7x:2x2x1
jax: 0.10.2.dev20260603
libtpu: 0.0.44.dev20260713+nightly
codegen_flags: <defaults>
</compile_context>

<pallas_src>
import jax
import jax.numpy as jnp
from jax import lax
from jax.experimental import pallas as pl
from jax.experimental.pallas import tpu as pltpu
from jax.experimental.pallas import tpu_sc as plsc

M = 8
NSYM = 2 ** M
BATCH = 262144

NC, NS, L = 2, 16, 16
NW = NC * NS
CHUNK = BATCH // NW
BLOCKS = CHUNK // 128
BWORDS = 128 * M


def _rsqrt16(x):
    i = plsc.bitcast(x, jnp.int32)
    y = plsc.bitcast(jnp.int32(0x5F3759DF) - (i >> 1), jnp.float32)
    half = x * 0.5
    for _ in range(3):
        y = y * (1.5 - half * y * y)
    return y


def _allsum16(v, scratch):
    iota = lax.iota(jnp.int32, L)
    for k in (8, 4, 2, 1):
        scratch[pl.ds(0, L)] = v
        v = v + plsc.load_gather(scratch, [iota ^ k])
    return v


NSUB = 2
SBLK = BLOCKS // NSUB


def _sc_body(bits_hbm, w_hbm, out_hbm, bits_v, tbl_v, out_v, red_v, *sems):
    wid = lax.axis_index("s") * NC + lax.axis_index("c")
    ibase = wid * (CHUNK * M)

    copies = [
        pltpu.async_copy(
            bits_hbm.at[pl.ds(ibase + s * SBLK * BWORDS, SBLK * BWORDS)],
            bits_v.at[pl.ds(s * SBLK * BWORDS, SBLK * BWORDS)],
            sems[s],
        )
        for s in range(NSUB)
    ]
    pltpu.sync_copy(w_hbm, tbl_v)

    acc = jnp.zeros((L,), jnp.float32)
    for i in range(2 * NSYM // L):
        v = tbl_v[pl.ds(i * L, L)]
        acc = acc + v * v
    inv = _rsqrt16(_allsum16(acc, red_v) * (1.0 / NSYM))
    for i in range(2 * NSYM // L):
        tbl_v[pl.ds(i * L, L)] = tbl_v[pl.ds(i * L, L)] * inv

    obase = wid * (CHUNK * 2)
    out_copies = []
    for s in range(NSUB):
        copies[s].wait()

        @plsc.parallel_loop(s * SBLK * 2, (s + 1) * SBLK * 2, unroll=2)
        def _(h):
            bin_ = (h >> 1) * BWORDS + (h & 1) * 64
            bout = (h >> 1) * 256 + (h & 1) * 64
            for gb in range(4):
                r0 = gb * L
                b = [bits_v[pl.ds(bin_ + j * 128 + r0, L)] for j in range(M)]
                t01 = (b[0] << 1) | b[1]
                t23 = (b[2] << 1) | b[3]
                t45 = (b[4] << 1) | b[5]
                t67 = (b[6] << 1) | b[7]
                idx = ((t01 << 6) | (t23 << 4)) | ((t45 << 2) | t67)
                pos = idx + ((idx >> 7) << 7)
                out_v[pl.ds(bout + r0, L)] = plsc.load_gather(tbl_v, [pos])
                out_v[pl.ds(bout + 128 + r0, L)] = plsc.load_gather(
                    tbl_v, [pos + 128]
                )

        out_copies.append(
            pltpu.async_copy(
                out_v.at[pl.ds(s * SBLK * 256, SBLK * 256)],
                out_hbm.at[pl.ds(obase + s * SBLK * 256, SBLK * 256)],
                sems[NSUB + s],
            )
        )
    for c in out_copies:
        c.wait()


@jax.jit
def _mapper(bits_blocked, w_blocked):
    mesh = plsc.VectorSubcoreMesh(core_axis_name="c", subcore_axis_name="s")
    fn = pl.kernel(
        _sc_body,
        out_type=jax.ShapeDtypeStruct((2 * BATCH,), jnp.float32),
        mesh=mesh,
        scratch_types=[
            pltpu.VMEM((CHUNK * M,), jnp.int32),
            pltpu.VMEM((2 * NSYM,), jnp.float32),
            pltpu.VMEM((CHUNK * 2,), jnp.float32),
            pltpu.VMEM((128,), jnp.float32),
        ] + [pltpu.SemaphoreType.DMA] * (2 * NSUB),
        compiler_params=pltpu.CompilerParams(needs_layout_passes=False),
    )
    return fn(bits_blocked, w_blocked)


def kernel(b, weights):
    bits = b.reshape(BATCH // 128, 128, M).transpose(0, 2, 1).reshape(-1)
    w = weights.reshape(2, 128, 2).transpose(0, 2, 1).reshape(-1)
    out = _mapper(bits, w)
    return (
        out.reshape(BATCH // 128, 2, 128)
        .transpose(0, 2, 1)
        .reshape(BATCH, 1, 2)
    )

# --- scband reference (transcript-rebuilt; emitter-appended) ---
"""Pipeline reference for scband-simple-constellation-mapper-29351806501268 (READ-ONLY COPY).

The authoritative reference and input builder live on the scoring server;
editing this copy changes nothing except your own understanding.
"""

import jax, jax.numpy as jnp
import numpy as np

M = 8
NSYM = 2 ** M
BATCH = 262144


def setup_inputs(seed: int = 0) -> dict:
    key = jax.random.key(seed)
    kb, kw = jax.random.split(key)
    # bit vectors in {0,1}
    b = jax.random.randint(kb, (BATCH, M), 0, 2).astype(jnp.int32)
    # xavier_normal init for weights of shape (2^m, 2): std = sqrt(2/(fan_in+fan_out))
    std = float(np.sqrt(2.0 / (NSYM + 2)))
    weights = jax.random.normal(kw, (NSYM, 2), dtype=jnp.float32) * std
    return {"b": b, "weights": weights}


def reference(b, weights):
    # bits_to_onehot: interpret each bit vector as an index (MSB first) and one-hot encode
    powers = jnp.asarray([2 ** (M - 1 - i) for i in range(M)], dtype=jnp.int32)
    idx = jnp.sum(b * powers, axis=-1)  # [BATCH]
    B_hot = jax.nn.one_hot(idx, NSYM, dtype=jnp.float32)  # [BATCH, NSYM]
    # view_as_complex(weights) -> complex constellation; energy normalization:
    # c / sqrt(mean(|c|^2)). Done in real/imag pair representation (mathematically identical).
    energy = jnp.mean(jnp.sum(weights ** 2, axis=-1))
    c = weights / jnp.sqrt(energy)  # [NSYM, 2]
    # x = sum(B_hot * c, -1) over constellation axis == one-hot matmul (gather)
    x = B_hot @ c  # [BATCH, 2] (real, imag)
    x = x[:, None, :]  # unsqueeze dim 1 -> [BATCH, 1, 2]
    return x

if __name__ == "__main__":
    import jax
    _d = setup_inputs()
    print(jax.jit(kernel)(*tuple(_d.values())))

</pallas_src>

<mosaic_0001>
#map = affine_map<(d0, d1) -> (0)>
module attributes {stable_mosaic.version = 14 : i64} {
  func.func @_sc_body(%arg0: i32, %arg1: i32, %arg2: memref<2097152xi32, #tpu.memory_space<hbm>>, %arg3: memref<512xf32, #tpu.memory_space<hbm>>, %arg4: memref<524288xf32, #tpu.memory_space<hbm>>, %arg5: memref<65536xi32, #tpu.memory_space<vmem>>, %arg6: memref<512xf32, #tpu.memory_space<vmem>>, %arg7: memref<16384xf32, #tpu.memory_space<vmem>>, %arg8: memref<128xf32, #tpu.memory_space<vmem>>, %arg9: memref<!tpu.dma_semaphore, #tpu.memory_space<semaphore_mem>>, %arg10: memref<!tpu.dma_semaphore, #tpu.memory_space<semaphore_mem>>, %arg11: memref<!tpu.dma_semaphore, #tpu.memory_space<semaphore_mem>>, %arg12: memref<!tpu.dma_semaphore, #tpu.memory_space<semaphore_mem>>) attributes {dimension_semantics = [#tpu.dimension_semantics<core_parallel>, #tpu.dimension_semantics<subcore_parallel>], iteration_bounds = array<i64: 2, 16>, scalar_prefetch = 0 : i64, scratch_operands = 8 : i64, tpu.core_type = #tpu.core_type<sc_vector_subcore>, window_params = [{transform_indices = #map}, {transform_indices = #map}, {transform_indices = #map}]} {
    %mul3A = arith.constant 2 : i32
    %mul3A_0 = arith.muli %arg1, %mul3A : i32
    %add3A = arith.addi %mul3A_0, %arg0 : i32
    %mul3A_1 = arith.constant 65536 : i32
    %mul3A_2 = arith.muli %add3A, %mul3A_1 : i32
    %add3A_3 = arith.constant 0 : i32
    %add3A_4 = arith.addi %mul3A_2, %add3A_3 : i32
    %dma_start3A = arith.constant 0 : i32
    %dma_start3A_5 = tpu.memref_slice %arg5[%dma_start3A] : memref<65536xi32, #tpu.memory_space<vmem>> -> memref<32768xi32, #tpu.memory_space<vmem>>
    %dma_start3A_6 = tpu.memref_slice %arg2[%add3A_4] : memref<2097152xi32, #tpu.memory_space<hbm>> -> memref<32768xi32, #tpu.memory_space<hbm>>
    %dma_start3A_7 = arith.constant 0 : i32
    %dma_start3A_8 = tpu.memref_slice %arg5[%dma_start3A_7] : memref<65536xi32, #tpu.memory_space<vmem>> -> memref<32768xi32, #tpu.memory_space<vmem>>
    %dma_start3A_9 = tpu.memref_slice %arg2[%add3A_4] : memref<2097152xi32, #tpu.memory_space<hbm>> -> memref<32768xi32, #tpu.memory_space<hbm>>
    tpu.enqueue_dma source(%dma_start3A_9 : memref<32768xi32, #tpu.memory_space<hbm>>) target(%dma_start3A_8 : memref<32768xi32, #tpu.memory_space<vmem>>) target_semaphore(%arg9 : memref<!tpu.dma_semaphore, #tpu.memory_space<semaphore_mem>>)
    %add3A_10 = arith.constant 32768 : i32
    %add3A_11 = arith.addi %mul3A_2, %add3A_10 : i32
    %dma_start3A_12 = arith.constant 32768 : i32
    %dma_start3A_13 = tpu.memref_slice %arg5[%dma_start3A_12] : memref<65536xi32, #tpu.memory_space<vmem>> -> memref<32768xi32, #tpu.memory_space<vmem>>
    %dma_start3A_14 = tpu.memref_slice %arg2[%add3A_11] : memref<2097152xi32, #tpu.memory_space<hbm>> -> memref<32768xi32, #tpu.memory_space<hbm>>
    %dma_start3A_15 = arith.constant 32768 : i32
    %dma_start3A_16 = tpu.memref_slice %arg5[%dma_start3A_15] : memref<65536xi32, #tpu.memory_space<vmem>> -> memref<32768xi32, #tpu.memory_space<vmem>>
    %dma_start3A_17 = tpu.memref_slice %arg2[%add3A_11] : memref<2097152xi32, #tpu.memory_space<hbm>> -> memref<32768xi32, #tpu.memory_space<hbm>>
    tpu.enqueue_dma source(%dma_start3A_17 : memref<32768xi32, #tpu.memory_space<hbm>>) target(%dma_start3A_16 : memref<32768xi32, #tpu.memory_space<vmem>>) target_semaphore(%arg10 : memref<!tpu.dma_semaphore, #tpu.memory_space<semaphore_mem>>)
    "tpu.region"() ({
      %run_scoped3A = tpu.sem_alloc : memref<!tpu.dma_semaphore, #tpu.memory_space<semaphore_mem>>
      tpu.enqueue_dma source(%arg3 : memref<512xf32, #tpu.memory_space<hbm>>) target(%arg6 : memref<512xf32, #tpu.memory_space<vmem>>) target_semaphore(%run_scoped3A : memref<!tpu.dma_semaphore, #tpu.memory_space<semaphore_mem>>)
      tpu.wait_dma2 semaphore(%run_scoped3A : memref<!tpu.dma_semaphore, #tpu.memory_space<semaphore_mem>>) src(%arg3 : memref<512xf32, #tpu.memory_space<hbm>>) dst(%arg6 : memref<512xf32, #tpu.memory_space<vmem>>)
      tpu.yield
    }) : () -> ()
    %broadcast_in_dim3A = arith.constant 0.000000e+00 : f32
    %broadcast_in_dim3A_18 = vector.broadcast %broadcast_in_dim3A : f32 to vector<16xf32>
    %get3A = arith.constant 0 : index
    %get3A_19 = tpu.vector_load %arg6[%get3A] {strides = array<i32>} : memref<512xf32, #tpu.memory_space<vmem>>, vector<16xf32>,
    %mul3A_20 = arith.mulf %get3A_19, %get3A_19 : vector<16xf32>
    %add3A_21 = arith.addf %broadcast_in_dim3A_18, %mul3A_20 : vector<16xf32>
    %get3A_22 = arith.constant 16 : index
    %get3A_23 = tpu.vector_load %arg6[%get3A_22] {strides = array<i32>} : memref<512xf32, #tpu.memory_space<vmem>>, vector<16xf32>,
    %mul3A_24 = arith.mulf %get3A_23, %get3A_23 : vector<16xf32>
    %add3A_25 = arith.addf %add3A_21, %mul3A_24 : vector<16xf32>
    %get3A_26 = arith.constant 32 : index
    %get3A_27 = tpu.vector_load %arg6[%get3A_26] {strides = array<i32>} : memref<512xf32, #tpu.memory_space<vmem>>, vector<16xf32>,
    %mul3A_28 = arith.mulf %get3A_27, %get3A_27 : vector<16xf32>
    %add3A_29 = arith.addf %add3A_25, %mul3A_28 : vector<16xf32>
    %get3A_30 = arith.constant 48 : index
    %get3A_31 = tpu.vector_load %arg6[%get3A_30] {strides = array<i32>} : memref<512xf32, #tpu.memory_space<vmem>>, vector<16xf32>,
    %mul3A_32 = arith.mulf %get3A_31, %get3A_31 : vector<16xf32>
    %add3A_33 = arith.addf %add3A_29, %mul3A_32 : vector<16xf32>
    %get3A_34 = arith.constant 64 : index
    %get3A_35 = tpu.vector_load %arg6[%get3A_34] {strides = array<i32>} : memref<512xf32, #tpu.memory_space<vmem>>, vector<16xf32>,
    %mul3A_36 = arith.mulf %get3A_35, %get3A_35 : vector<16xf32>
    %add3A_37 = arith.addf %add3A_33, %mul3A_36 : vector<16xf32>
    %get3A_38 = arith.constant 80 : index
    %get3A_39 = tpu.vector_load %arg6[%get3A_38] {strides = array<i32>} : memref<512xf32, #tpu.memory_space<vmem>>, vector<16xf32>,
    %mul3A_40 = arith.mulf %get3A_39, %get3A_39 : vector<16xf32>
    %add3A_41 = arith.addf %add3A_37, %mul3A_40 : vector<16xf32>
    %get3A_42 = arith.constant 96 : index
    %get3A_43 = tpu.vector_load %arg6[%get3A_42] {strides = array<i32>} : memref<512xf32, #tpu.memory_space<vmem>>, vector<16xf32>,
    %mul3A_44 = arith.mulf %get3A_43, %get3A_43 : vector<16xf32>
    %add3A_45 = arith.addf %add3A_41, %mul3A_44 : vector<16xf32>
    %get3A_46 = arith.constant 112 : index
    %get3A_47 = tpu.vector_load %arg6[%get3A_46] {strides = array<i32>} : memref<512xf32, #tpu.memory_space<vmem>>, vector<16xf32>,
    %mul3A_48 = arith.mulf %get3A_47, %get3A_47 : vector<16xf32>
    %add3A_49 = arith.addf %add3A_45, %mul3A_48 : vector<16xf32>
    %get3A_50 = arith.constant 128 : index
    %get3A_51 = tpu.vector_load %arg6[%get3A_50] {strides = array<i32>} : memref<512xf32, #tpu.memory_space<vmem>>, vector<16xf32>,
    %mul3A_52 = arith.mulf %get3A_51, %get3A_51 : vector<16xf32>
    %add3A_53 = arith.addf %add3A_49, %mul3A_52 : vector<16xf32>
    %get3A_54 = arith.constant 144 : index
    %get3A_55 = tpu.vector_load %arg6[%get3A_54] {strides = array<i32>} : memref<512xf32, #tpu.memory_space<vmem>>, vector<16xf32>,
    %mul3A_56 = arith.mulf %get3A_55, %get3A_55 : vector<16xf32>
    %add3A_57 = arith.addf %add3A_53, %mul3A_56 : vector<16xf32>
    %get3A_58 = arith.constant 160 : index
    %get3A_59 = tpu.vector_load %arg6[%get3A_58] {strides = array<i32>} : memref<512xf32, #tpu.memory_space<vmem>>, vector<16xf32>,
    %mul3A_60 = arith.mulf %get3A_59, %get3A_59 : vector<16xf32>
    %add3A_61 = arith.addf %add3A_57, %mul3A_60 : vector<16xf32>
    %get3A_62 = arith.constant 176 : index
    %get3A_63 = tpu.vector_load %arg6[%get3A_62] {strides = array<i32>} : memref<512xf32, #tpu.memory_space<vmem>>, vector<16xf32>,
    %mul3A_64 = arith.mulf %get3A_63, %get3A_63 : vector<16xf32>
    %add3A_65 = arith.addf %add3A_61, %mul3A_64 : vector<16xf32>
    %get3A_66 = arith.constant 192 : index
    %get3A_67 = tpu.vector_load %arg6[%get3A_66] {strides = array<i32>} : memref<512xf32, #tpu.memory_space<vmem>>, vector<16xf32>,
    %mul3A_68 = arith.mulf %get3A_67, %get3A_67 : vector<16xf32>
    %add3A_69 = arith.addf %add3A_65, %mul3A_68 : vector<16xf32>
    %get3A_70 = arith.constant 208 : index
    %get3A_71 = tpu.vector_load %arg6[%get3A_70] {strides = array<i32>} : memref<512xf32, #tpu.memory_space<vmem>>, vector<16xf32>,
    %mul3A_72 = arith.mulf %get3A_71, %get3A_71 : vector<16xf32>
    %add3A_73 = arith.addf %add3A_69, %mul3A_72 : vector<16xf32>
    %get3A_74 = arith.constant 224 : index
    %get3A_75 = tpu.vector_load %arg6[%get3A_74] {strides = array<i32>} : memref<512xf32, #tpu.memory_space<vmem>>, vector<16xf32>,
    %mul3A_76 = arith.mulf %get3A_75, %get3A_75 : vector<16xf32>
    %add3A_77 = arith.addf %add3A_73, %mul3A_76 : vector<16xf32>
    %get3A_78 = arith.constant 240 : index
    %get3A_79 = tpu.vector_load %arg6[%get3A_78] {strides = array<i32>} : memref<512xf32, #tpu.memory_space<vmem>>, vector<16xf32>,
    %mul3A_80 = arith.mulf %get3A_79, %get3A_79 : vector<16xf32>
    %add3A_81 = arith.addf %add3A_77, %mul3A_80 : vector<16xf32>
    %get3A_82 = arith.constant 256 : index
    %get3A_83 = tpu.vector_load %arg6[%get3A_82] {strides = array<i32>} : memref<512xf32, #tpu.memory_space<vmem>>, vector<16xf32>,
    %mul3A_84 = arith.mulf %get3A_83, %get3A_83 : vector<16xf32>
    %add3A_85 = arith.addf %add3A_81, %mul3A_84 : vector<16xf32>
    %get3A_86 = arith.constant 272 : index
    %get3A_87 = tpu.vector_load %arg6[%get3A_86] {strides = array<i32>} : memref<512xf32, #tpu.memory_space<vmem>>, vector<16xf32>,
    %mul3A_88 = arith.mulf %get3A_87, %get3A_87 : vector<16xf32>
    %add3A_89 = arith.addf %add3A_85, %mul3A_88 : vector<16xf32>
    %get3A_90 = arith.constant 288 : index
    %get3A_91 = tpu.vector_load %arg6[%get3A_90] {strides = array<i32>} : memref<512xf32, #tpu.memory_space<vmem>>, vector<16xf32>,
    %mul3A_92 = arith.mulf %get3A_91, %get3A_91 : vector<16xf32>
    %add3A_93 = arith.addf %add3A_89, %mul3A_92 : vector<16xf32>
    %get3A_94 = arith.constant 304 : index
    %get3A_95 = tpu.vector_load %arg6[%get3A_94] {strides = array<i32>} : memref<512xf32, #tpu.memory_space<vmem>>, vector<16xf32>,
    %mul3A_96 = arith.mulf %get3A_95, %get3A_95 : vector<16xf32>
    %add3A_97 = arith.addf %add3A_93, %mul3A_96 : vector<16xf32>
    %get3A_98 = arith.constant 320 : index
    %get3A_99 = tpu.vector_load %arg6[%get3A_98] {strides = array<i32>} : memref<512xf32, #tpu.memory_space<vmem>>, vector<16xf32>,
    %mul3A_100 = arith.mulf %get3A_99, %get3A_99 : vector<16xf32>
    %add3A_101 = arith.addf %add3A_97, %mul3A_100 : vector<16xf32>
    %get3A_102 = arith.constant 336 : index
    %get3A_103 = tpu.vector_load %arg6[%get3A_102] {strides = array<i32>} : memref<512xf32, #tpu.memory_space<vmem>>, vector<16xf32>,
    %mul3A_104 = arith.mulf %get3A_103, %get3A_103 : vector<16xf32>
    %add3A_105 = arith.addf %add3A_101, %mul3A_104 : vector<16xf32>
    %get3A_106 = arith.constant 352 : index
    %get3A_107 = tpu.vector_load %arg6[%get3A_106] {strides = array<i32>} : memref<512xf32, #tpu.memory_space<vmem>>, vector<16xf32>,
    %mul3A_108 = arith.mulf %get3A_107, %get3A_107 : vector<16xf32>
    %add3A_109 = arith.addf %add3A_105, %mul3A_108 : vector<16xf32>
    %get3A_110 = arith.constant 368 : index
    %get3A_111 = tpu.vector_load %arg6[%get3A_110] {strides = array<i32>} : memref<512xf32, #tpu.memory_space<vmem>>, vector<16xf32>,
    %mul3A_112 = arith.mulf %get3A_111, %get3A_111 : vector<16xf32>
    %add3A_113 = arith.addf %add3A_109, %mul3A_112 : vector<16xf32>
    %get3A_114 = arith.constant 384 : index
    %get3A_115 = tpu.vector_load %arg6[%get3A_114] {strides = array<i32>} : memref<512xf32, #tpu.memory_space<vmem>>, vector<16xf32>,
    %mul3A_116 = arith.mulf %get3A_115, %get3A_115 : vector<16xf32>
    %add3A_117 = arith.addf %add3A_113, %mul3A_116 : vector<16xf32>
    %get3A_118 = arith.constant 400 : index
    %get3A_119 = tpu.vector_load %arg6[%get3A_118] {strides = array<i32>} : memref<512xf32, #tpu.memory_space<vmem>>, vector<16xf32>,
    %mul3A_120 = arith.mulf %get3A_119, %get3A_119 : vector<16xf32>
    %add3A_121 = arith.addf %add3A_117, %mul3A_120 : vector<16xf32>
    %get3A_122 = arith.constant 416 : index
    %get3A_123 = tpu.vector_load %arg6[%get3A_122] {strides = array<i32>} : memref<512xf32, #tpu.memory_space<vmem>>, vector<16xf32>,
    %mul3A_124 = arith.mulf %get3A_123, %get3A_123 : vector<16xf32>
    %add3A_125 = arith.addf %add3A_121, %mul3A_124 : vector<16xf32>
    %get3A_126 = arith.constant 432 : index
    %get3A_127 = tpu.vector_load %arg6[%get3A_126] {strides = array<i32>} : memref<512xf32, #tpu.memory_space<vmem>>, vector<16xf32>,
    %mul3A_128 = arith.mulf %get3A_127, %get3A_127 : vector<16xf32>
    %add3A_129 = arith.addf %add3A_125, %mul3A_128 : vector<16xf32>
    %get3A_130 = arith.constant 448 : index
    %get3A_131 = tpu.vector_load %arg6[%get3A_130] {strides = array<i32>} : memref<512xf32, #tpu.memory_space<vmem>>, vector<16xf32>,
    %mul3A_132 = arith.mulf %get3A_131, %get3A_131 : vector<16xf32>
    %add3A_133 = arith.addf %add3A_129, %mul3A_132 : vector<16xf32>
    %get3A_134 = arith.constant 464 : index
    %get3A_135 = tpu.vector_load %arg6[%get3A_134] {strides = array<i32>} : memref<512xf32, #tpu.memory_space<vmem>>, vector<16xf32>,
    %mul3A_136 = arith.mulf %get3A_135, %get3A_135 : vector<16xf32>
    %add3A_137 = arith.addf %add3A_133, %mul3A_136 : vector<16xf32>
    %get3A_138 = arith.constant 480 : index
    %get3A_139 = tpu.vector_load %arg6[%get3A_138] {strides = array<i32>} : memref<512xf32, #tpu.memory_space<vmem>>, vector<16xf32>,
    %mul3A_140 = arith.mulf %get3A_139, %get3A_139 : vector<16xf32>
    %add3A_141 = arith.addf %add3A_137, %mul3A_140 : vector<16xf32>
    %get3A_142 = arith.constant 496 : index
    %get3A_143 = tpu.vector_load %arg6[%get3A_142] {strides = array<i32>} : memref<512xf32, #tpu.memory_space<vmem>>, vector<16xf32>,
    %mul3A_144 = arith.mulf %get3A_143, %get3A_143 : vector<16xf32>
    %add3A_145 = arith.addf %add3A_141, %mul3A_144 : vector<16xf32>
    %iota3A = tpu.iota {dimensions = array<i32: 0>} : vector<16xi32>
    %swap3A = arith.constant 0 : index
    %swap3A_146 = tpu.vector_load %arg8[%swap3A] {strides = array<i32>} : memref<128xf32, #tpu.memory_space<vmem>>, vector<16xf32>,
    tpu.vector_store %arg8[%swap3A], %add3A_145 {strides = array<i32>} : memref<128xf32, #tpu.memory_space<vmem>>, vector<16xf32>,
    %xor3A = arith.constant 8 : i32
    %xor3A_147 = vector.broadcast %xor3A : i32 to vector<16xi32>
    %xor3A_148 = arith.xori %iota3A, %xor3A_147 : vector<16xi32>
    %gather3A = tpu.vector_load_idx %arg8[%xor3A_148] : memref<128xf32, #tpu.memory_space<vmem>>[vector<16xi32>], vector<16xf32>,
    %add3A_149 = arith.addf %add3A_145, %gather3A : vector<16xf32>
    %swap3A_150 = arith.constant 0 : index
    %swap3A_151 = tpu.vector_load %arg8[%swap3A_150] {strides = array<i32>} : memref<128xf32, #tpu.memory_space<vmem>>, vector<16xf32>,
    tpu.vector_store %arg8[%swap3A_150], %add3A_149 {strides = array<i32>} : memref<128xf32, #tpu.memory_space<vmem>>, vector<16xf32>,
    %xor3A_152 = arith.constant 4 : i32
    %xor3A_153 = vector.broadcast %xor3A_152 : i32 to vector<16xi32>
    %xor3A_154 = arith.xori %iota3A, %xor3A_153 : vector<16xi32>
    %gather3A_155 = tpu.vector_load_idx %arg8[%xor3A_154] : memref<128xf32, #tpu.memory_space<vmem>>[vector<16xi32>], vector<16xf32>,
    %add3A_156 = arith.addf %add3A_149, %gather3A_155 : vector<16xf32>
    %swap3A_157 = arith.constant 0 : index
    %swap3A_158 = tpu.vector_load %arg8[%swap3A_157] {strides = array<i32>} : memref<128xf32, #tpu.memory_space<vmem>>, vector<16xf32>,
    tpu.vector_store %arg8[%swap3A_157], %add3A_156 {strides = array<i32>} : memref<128xf32, #tpu.memory_space<vmem>>, vector<16xf32>,
    %xor3A_159 = arith.constant 2 : i32
    %xor3A_160 = vector.broadcast %xor3A_159 : i32 to vector<16xi32>
    %xor3A_161 = arith.xori %iota3A, %xor3A_160 : vector<16xi32>
    %gather3A_162 = tpu.vector_load_idx %arg8[%xor3A_161] : memref<128xf32, #tpu.memory_space<vmem>>[vector<16xi32>], vector<16xf32>,
    %add3A_163 = arith.addf %add3A_156, %gather3A_162 : vector<16xf32>
    %swap3A_164 = arith.constant 0 : index
    %swap3A_165 = tpu.vector_load %arg8[%swap3A_164] {strides = array<i32>} : memref<128xf32, #tpu.memory_space<vmem>>, vector<16xf32>,
    tpu.vector_store %arg8[%swap3A_164], %add3A_163 {strides = array<i32>} : memref<128xf32, #tpu.memory_space<vmem>>, vector<16xf32>,
    %xor3A_166 = arith.constant 1 : i32
    %xor3A_167 = vector.broadcast %xor3A_166 : i32 to vector<16xi32>
    %xor3A_168 = arith.xori %iota3A, %xor3A_167 : vector<16xi32>
    %gather3A_169 = tpu.vector_load_idx %arg8[%xor3A_168] : memref<128xf32, #tpu.memory_space<vmem>>[vector<16xi32>], vector<16xf32>,
    %add3A_170 = arith.addf %add3A_163, %gather3A_169 : vector<16xf32>
    %mul3A_171 = arith.constant 3.906250e-03 : f32
    %mul3A_172 = vector.broadcast %mul3A_171 : f32 to vector<16xf32>
    %mul3A_173 = arith.mulf %add3A_170, %mul3A_172 : vector<16xf32>
    %bitcast3A = vector.bitcast %mul3A_173 : vector<16xf32> to vector<16xi32>
    %shift_right_arithmetic3A = arith.constant 1 : i32
    %shift_right_arithmetic3A_174 = vector.broadcast %shift_right_arithmetic3A : i32 to vector<16xi32>
    %shift_right_arithmetic3A_175 = arith.shrsi %bitcast3A, %shift_right_arithmetic3A_174 : vector<16xi32>
    %sub3A = arith.constant 1597463007 : i32
    %sub3A_176 = vector.broadcast %sub3A : i32 to vector<16xi32>
    %sub3A_177 = arith.subi %sub3A_176, %shift_right_arithmetic3A_175 : vector<16xi32>
    %bitcast3A_178 = vector.bitcast %sub3A_177 : vector<16xi32> to vector<16xf32>
    %mul3A_179 = arith.constant 5.000000e-01 : f32
    %mul3A_180 = vector.broadcast %mul3A_179 : f32 to vector<16xf32>
    %mul3A_181 = arith.mulf %mul3A_173, %mul3A_180 : vector<16xf32>
    %mul3A_182 = arith.mulf %mul3A_181, %bitcast3A_178 : vector<16xf32>
    %mul3A_183 = arith.mulf %mul3A_182, %bitcast3A_178 : vector<16xf32>
    %sub3A_184 = arith.constant 1.500000e+00 : f32
    %sub3A_185 = vector.broadcast %sub3A_184 : f32 to vector<16xf32>
    %sub3A_186 = arith.subf %sub3A_185, %mul3A_183 : vector<16xf32>
    %mul3A_187 = arith.mulf %bitcast3A_178, %sub3A_186 : vector<16xf32>
    %mul3A_188 = arith.mulf %mul3A_181, %mul3A_187 : vector<16xf32>
    %mul3A_189 = arith.mulf %mul3A_188, %mul3A_187 : vector<16xf32>
    %sub3A_190 = arith.constant 1.500000e+00 : f32
    %sub3A_191 = vector.broadcast %sub3A_190 : f32 to vector<16xf32>
    %sub3A_192 = arith.subf %sub3A_191, %mul3A_189 : vector<16xf32>
    %mul3A_193 = arith.mulf %mul3A_187, %sub3A_192 : vector<16xf32>
    %mul3A_194 = arith.mulf %mul3A_181, %mul3A_193 : vector<16xf32>
    %mul3A_195 = arith.mulf %mul3A_194, %mul3A_193 : vector<16xf32>
    %sub3A_196 = arith.constant 1.500000e+00 : f32
    %sub3A_197 = vector.broadcast %sub3A_196 : f32 to vector<16xf32>
    %sub3A_198 = arith.subf %sub3A_197, %mul3A_195 : vector<16xf32>
    %mul3A_199 = arith.mulf %mul3A_193, %sub3A_198 : vector<16xf32>
    %get3A_200 = arith.constant 0 : index
    %get3A_201 = tpu.vector_load %arg6[%get3A_200] {strides = array<i32>} : memref<512xf32, #tpu.memory_space<vmem>>, vector<16xf32>,
    %mul3A_202 = arith.mulf %get3A_201, %mul3A_199 : vector<16xf32>
    %swap3A_203 = arith.constant 0 : index
    %swap3A_204 = tpu.vector_load %arg6[%swap3A_203] {strides = array<i32>} : memref<512xf32, #tpu.memory_space<vmem>>, vector<16xf32>,
    tpu.vector_store %arg6[%swap3A_203], %mul3A_202 {strides = array<i32>} : memref<512xf32, #tpu.memory_space<vmem>>, vector<16xf32>,
    %get3A_205 = arith.constant 16 : index
    %get3A_206 = tpu.vector_load %arg6[%get3A_205] {strides = array<i32>} : memref<512xf32, #tpu.memory_space<vmem>>, vector<16xf32>,
    %mul3A_207 = arith.mulf %get3A_206, %mul3A_199 : vector<16xf32>
    %swap3A_208 = arith.constant 16 : index
    %swap3A_209 = tpu.vector_load %arg6[%swap3A_208] {strides = array<i32>} : memref<512xf32, #tpu.memory_space<vmem>>, vector<16xf32>,
    tpu.vector_store %arg6[%swap3A_208], %mul3A_207 {strides = array<i32>} : memref<512xf32, #tpu.memory_space<vmem>>, vector<16xf32>,
    %get3A_210 = arith.constant 32 : index
    %get3A_211 = tpu.vector_load %arg6[%get3A_210] {strides = array<i32>} : memref<512xf32, #tpu.memory_space<vmem>>, vector<16xf32>,
    %mul3A_212 = arith.mulf %get3A_211, %mul3A_199 : vector<16xf32>
    %swap3A_213 = arith.constant 32 : index
    %swap3A_214 = tpu.vector_load %arg6[%swap3A_213] {strides = array<i32>} : memref<512xf32, #tpu.memory_space<vmem>>, vector<16xf32>,
    tpu.vector_store %arg6[%swap3A_213], %mul3A_212 {strides = array<i32>} : memref<512xf32, #tpu.memory_space<vmem>>, vector<16xf32>,
    %get3A_215 = arith.constant 48 : index
    %get3A_216 = tpu.vector_load %arg6[%get3A_215] {strides = array<i32>} : memref<512xf32, #tpu.memory_space<vmem>>, vector<16xf32>,
    %mul3A_217 = arith.mulf %get3A_216, %mul3A_199 : vector<16xf32>
    %swap3A_218 = arith.constant 48 : index
    %swap3A_219 = tpu.vector_load %arg6[%swap3A_218] {strides = array<i32>} : memref<512xf32, #tpu.memory_space<vmem>>, vector<16xf32>,
    tpu.vector_store %arg6[%swap3A_218], %mul3A_217 {strides = array<i32>} : memref<512xf32, #tpu.memory_space<vmem>>, vector<16xf32>,
    %get3A_220 = arith.constant 64 : index
    %get3A_221 = tpu.vector_load %arg6[%get3A_220] {strides = array<i32>} : memref<512xf32, #tpu.memory_space<vmem>>, vector<16xf32>,
    %mul3A_222 = arith.mulf %get3A_221, %mul3A_199 : vector<16xf32>
    %swap3A_223 = arith.constant 64 : index
    %swap3A_224 = tpu.vector_load %arg6[%swap3A_223] {strides = array<i32>} : memref<512xf32, #tpu.memory_space<vmem>>, vector<16xf32>,
    tpu.vector_store %arg6[%swap3A_223], %mul3A_222 {strides = array<i32>} : memref<512xf32, #tpu.memory_space<vmem>>, vector<16xf32>,
    %get3A_225 = arith.constant 80 : index
    %get3A_226 = tpu.vector_load %arg6[%get3A_225] {strides = array<i32>} : memref<512xf32, #tpu.memory_space<vmem>>, vector<16xf32>,
    %mul3A_227 = arith.mulf %get3A_226, %mul3A_199 : vector<16xf32>
    %swap3A_228 = arith.constant 80 : index
    %swap3A_229 = tpu.vector_load %arg6[%swap3A_228] {strides = array<i32>} : memref<512xf32, #tpu.memory_space<vmem>>, vector<16xf32>,
    tpu.vector_store %arg6[%swap3A_228], %mul3A_227 {strides = array<i32>} : memref<512xf32, #tpu.memory_space<vmem>>, vector<16xf32>,
    %get3A_230 = arith.constant 96 : index
    %get3A_231 = tpu.vector_load %arg6[%get3A_230] {strides = array<i32>} : memref<512xf32, #tpu.memory_space<vmem>>, vector<16xf32>,
    %mul3A_232 = arith.mulf %get3A_231, %mul3A_199 : vector<16xf32>
    %swap3A_233 = arith.constant 96 : index
    %swap3A_234 = tpu.vector_load %arg6[%swap3A_233] {strides = array<i32>} : memref<512xf32, #tpu.memory_space<vmem>>, vector<16xf32>,
    tpu.vector_store %arg6[%swap3A_233], %mul3A_232 {strides = array<i32>} : memref<512xf32, #tpu.memory_space<vmem>>, vector<16xf32>,
    %get3A_235 = arith.constant 112 : index
    %get3A_236 = tpu.vector_load %arg6[%get3A_235] {strides = array<i32>} : memref<512xf32, #tpu.memory_space<vmem>>, vector<16xf32>,
    %mul3A_237 = arith.mulf %get3A_236, %mul3A_199 : vector<16xf32>
    %swap3A_238 = arith.constant 112 : index
    %swap3A_239 = tpu.vector_load %arg6[%swap3A_238] {strides = array<i32>} : memref<512xf32, #tpu.memory_space<vmem>>, vector<16xf32>,
    tpu.vector_store %arg6[%swap3A_238], %mul3A_237 {strides = array<i32>} : memref<512xf32, #tpu.memory_space<vmem>>, vector<16xf32>,
    %get3A_240 = arith.constant 128 : index
    %get3A_241 = tpu.vector_load %arg6[%get3A_240] {strides = array<i32>} : memref<512xf32, #tpu.memory_space<vmem>>, vector<16xf32>,
    %mul3A_242 = arith.mulf %get3A_241, %mul3A_199 : vector<16xf32>
    %swap3A_243 = arith.constant 128 : index
    %swap3A_244 = tpu.vector_load %arg6[%swap3A_243] {strides = array<i32>} : memref<512xf32, #tpu.memory_space<vmem>>, vector<16xf32>,
    tpu.vector_store %arg6[%swap3A_243], %mul3A_242 {strides = array<i32>} : memref<512xf32, #tpu.memory_space<vmem>>, vector<16xf32>,
    %get3A_245 = arith.constant 144 : index
    %get3A_246 = tpu.vector_load %arg6[%get3A_245] {strides = array<i32>} : memref<512xf32, #tpu.memory_space<vmem>>, vector<16xf32>,
    %mul3A_247 = arith.mulf %get3A_246, %mul3A_199 : vector<16xf32>
    %swap3A_248 = arith.constant 144 : index
    %swap3A_249 = tpu.vector_load %arg6[%swap3A_248] {strides = array<i32>} : memref<512xf32, #tpu.memory_space<vmem>>, vector<16xf32>,
    tpu.vector_store %arg6[%swap3A_248], %mul3A_247 {strides = array<i32>} : memref<512xf32, #tpu.memory_space<vmem>>, vector<16xf32>,
    %get3A_250 = arith.constant 160 : index
    %get3A_251 = tpu.vector_load %arg6[%get3A_250] {strides = array<i32>} : memref<512xf32, #tpu.memory_space<vmem>>, vector<16xf32>,
    %mul3A_252 = arith.mulf %get3A_251, %mul3A_199 : vector<16xf32>
    %swap3A_253 = arith.constant 160 : index
    %swap3A_254 = tpu.vector_load %arg6[%swap3A_253] {strides = array<i32>} : memref<512xf32, #tpu.memory_space<vmem>>, vector<16xf32>,
    tpu.vector_store %arg6[%swap3A_253], %mul3A_252 {strides = array<i32>} : memref<512xf32, #tpu.memory_space<vmem>>, vector<16xf32>,
    %get3A_255 = arith.constant 176 : index
    %get3A_256 = tpu.vector_load %arg6[%get3A_255] {strides = array<i32>} : memref<512xf32, #tpu.memory_space<vmem>>, vector<16xf32>,
    %mul3A_257 = arith.mulf %get3A_256, %mul3A_199 : vector<16xf32>
    %swap3A_258 = arith.constant 176 : index
    %swap3A_259 = tpu.vector_load %arg6[%swap3A_258] {strides = array<i32>} : memref<512xf32, #tpu.memory_space<vmem>>, vector<16xf32>,
    tpu.vector_store %arg6[%swap3A_258], %mul3A_257 {strides = array<i32>} : memref<512xf32, #tpu.memory_space<vmem>>, vector<16xf32>,
    %get3A_260 = arith.constant 192 : index
    %get3A_261 = tpu.vector_load %arg6[%get3A_260] {strides = array<i32>} : memref<512xf32, #tpu.memory_space<vmem>>, vector<16xf32>,
    %mul3A_262 = arith.mulf %get3A_261, %mul3A_199 : vector<16xf32>
    %swap3A_263 = arith.constant 192 : index
    %swap3A_264 = tpu.vector_load %arg6[%swap3A_263] {strides = array<i32>} : memref<512xf32, #tpu.memory_space<vmem>>, vector<16xf32>,
    tpu.vector_store %arg6[%swap3A_263], %mul3A_262 {strides = array<i32>} : memref<512xf32, #tpu.memory_space<vmem>>, vector<16xf32>,
    %get3A_265 = arith.constant 208 : index
    %get3A_266 = tpu.vector_load %arg6[%get3A_265] {strides = array<i32>} : memref<512xf32, #tpu.memory_space<vmem>>, vector<16xf32>,
    %mul3A_267 = arith.mulf %get3A_266, %mul3A_199 : vector<16xf32>
    %swap3A_268 = arith.constant 208 : index
    %swap3A_269 = tpu.vector_load %arg6[%swap3A_268] {strides = array<i32>} : memref<512xf32, #tpu.memory_space<vmem>>, vector<16xf32>,
    tpu.vector_store %arg6[%swap3A_268], %mul3A_267 {strides = array<i32>} : memref<512xf32, #tpu.memory_space<vmem>>, vector<16xf32>,
    %get3A_270 = arith.constant 224 : index
    %get3A_271 = tpu.vector_load %arg6[%get3A_270] {strides = array<i32>} : memref<512xf32, #tpu.memory_space<vmem>>, vector<16xf32>,
    %mul3A_272 = arith.mulf %get3A_271, %mul3A_199 : vector<16xf32>
    %swap3A_273 = arith.constant 224 : index
    %swap3A_274 = tpu.vector_load %arg6[%swap3A_273] {strides = array<i32>} : memref<512xf32, #tpu.memory_space<vmem>>, vector<16xf32>,
    tpu.vector_store %arg6[%swap3A_273], %mul3A_272 {strides = array<i32>} : memref<512xf32, #tpu.memory_space<vmem>>, vector<16xf32>,
    %get3A_275 = arith.constant 240 : index
    %get3A_276 = tpu.vector_load %arg6[%get3A_275] {strides = array<i32>} : memref<512xf32, #tpu.memory_space<vmem>>, vector<16xf32>,
    %mul3A_277 = arith.mulf %get3A_276, %mul3A_199 : vector<16xf32>
    %swap3A_278 = arith.constant 240 : index
    %swap3A_279 = tpu.vector_load %arg6[%swap3A_278] {strides = array<i32>} : memref<512xf32, #tpu.memory_space<vmem>>, vector<16xf32>,
    tpu.vector_store %arg6[%swap3A_278], %mul3A_277 {strides = array<i32>} : memref<512xf32, #tpu.memory_space<vmem>>, vector<16xf32>,
    %get3A_280 = arith.constant 256 : index
    %get3A_281 = tpu.vector_load %arg6[%get3A_280] {strides = array<i32>} : memref<512xf32, #tpu.memory_space<vmem>>, vector<16xf32>,
    %mul3A_282 = arith.mulf %get3A_281, %mul3A_199 : vector<16xf32>
    %swap3A_283 = arith.constant 256 : index
    %swap3A_284 = tpu.vector_load %arg6[%swap3A_283] {strides = array<i32>} : memref<512xf32, #tpu.memory_space<vmem>>, vector<16xf32>,
    tpu.vector_store %arg6[%swap3A_283], %mul3A_282 {strides = array<i32>} : memref<512xf32, #tpu.memory_space<vmem>>, vector<16xf32>,
    %get3A_285 = arith.constant 272 : index
    %get3A_286 = tpu.vector_load %arg6[%get3A_285] {strides = array<i32>} : memref<512xf32, #tpu.memory_space<vmem>>, vector<16xf32>,
    %mul3A_287 = arith.mulf %get3A_286, %mul3A_199 : vector<16xf32>
    %swap3A_288 = arith.constant 272 : index
    %swap3A_289 = tpu.vector_load %arg6[%swap3A_288] {strides = array<i32>} : memref<512xf32, #tpu.memory_space<vmem>>, vector<16xf32>,
    tpu.vector_store %arg6[%swap3A_288], %mul3A_287 {strides = array<i32>} : memref<512xf32, #tpu.memory_space<vmem>>, vector<16xf32>,
    %get3A_290 = arith.constant 288 : index
    %get3A_291 = tpu.vector_load %arg6[%get3A_290] {strides = array<i32>} : memref<512xf32, #tpu.memory_space<vmem>>, vector<16xf32>,
    %mul3A_292 = arith.mulf %get3A_291, %mul3A_199 : vector<16xf32>
    %swap3A_293 = arith.constant 288 : index
    %swap3A_294 = tpu.vector_load %arg6[%swap3A_293] {strides = array<i32>} : memref<512xf32, #tpu.memory_space<vmem>>, vector<16xf32>,
    tpu.vector_store %arg6[%swap3A_293], %mul3A_292 {strides = array<i32>} : memref<512xf32, #tpu.memory_space<vmem>>, vector<16xf32>,
    %get3A_295 = arith.constant 304 : index
    %get3A_296 = tpu.vector_load %arg6[%get3A_295] {strides = array<i32>} : memref<512xf32, #tpu.memory_space<vmem>>, vector<16xf32>,
    %mul3A_297 = arith.mulf %get3A_296, %mul3A_199 : vector<16xf32>
    %swap3A_298 = arith.constant 304 : index
    %swap3A_299 = tpu.vector_load %arg6[%swap3A_298] {strides = array<i32>} : memref<512xf32, #tpu.memory_space<vmem>>, vector<16xf32>,
    tpu.vector_store %arg6[%swap3A_298], %mul3A_297 {strides = array<i32>} : memref<512xf32, #tpu.memory_space<vmem>>, vector<16xf32>,
    %get3A_300 = arith.constant 320 : index
    %get3A_301 = tpu.vector_load %arg6[%get3A_300] {strides = array<i32>} : memref<512xf32, #tpu.memory_space<vmem>>, vector<16xf32>,
    %mul3A_302 = arith.mulf %get3A_301, %mul3A_199 : vector<16xf32>
    %swap3A_303 = arith.constant 320 : index
    %swap3A_304 = tpu.vector_load %arg6[%swap3A_303] {strides = array<i32>} : memref<512xf32, #tpu.memory_space<vmem>>, vector<16xf32>,
    tpu.vector_store %arg6[%swap3A_303], %mul3A_302 {strides = array<i32>} : memref<512xf32, #tpu.memory_space<vmem>>, vector<16xf32>,
    %get3A_305 = arith.constant 336 : index
    %get3A_306 = tpu.vector_load %arg6[%get3A_305] {strides = array<i32>} : memref<512xf32, #tpu.memory_space<vmem>>, vector<16xf32>,
    %mul3A_307 = arith.mulf %get3A_306, %mul3A_199 : vector<16xf32>
    %swap3A_308 = arith.constant 336 : index
    %swap3A_309 = tpu.vector_load %arg6[%swap3A_308] {strides = array<i32>} : memref<512xf32, #tpu.memory_space<vmem>>, vector<16xf32>,
    tpu.vector_store %arg6[%swap3A_308], %mul3A_307 {strides = array<i32>} : memref<512xf32, #tpu.memory_space<vmem>>, vector<16xf32>,
    %get3A_310 = arith.constant 352 : index
    %get3A_311 = tpu.vector_load %arg6[%get3A_310] {strides = array<i32>} : memref<512xf32, #tpu.memory_space<vmem>>, vector<16xf32>,
    %mul3A_312 = arith.mulf %get3A_311, %mul3A_199 : vector<16xf32>
    %swap3A_313 = arith.constant 352 : index
    %swap3A_314 = tpu.vector_load %arg6[%swap3A_313] {strides = array<i32>} : memref<512xf32, #tpu.memory_space<vmem>>, vector<16xf32>,
    tpu.vector_store %arg6[%swap3A_313], %mul3A_312 {strides = array<i32>} : memref<512xf32, #tpu.memory_space<vmem>>, vector<16xf32>,
    %get3A_315 = arith.constant 368 : index
    %get3A_316 = tpu.vector_load %arg6[%get3A_315] {strides = array<i32>} : memref<512xf32, #tpu.memory_space<vmem>>, vector<16xf32>,
    %mul3A_317 = arith.mulf %get3A_316, %mul3A_199 : vector<16xf32>
    %swap3A_318 = arith.constant 368 : index
    %swap3A_319 = tpu.vector_load %arg6[%swap3A_318] {strides = array<i32>} : memref<512xf32, #tpu.memory_space<vmem>>, vector<16xf32>,
    tpu.vector_store %arg6[%swap3A_318], %mul3A_317 {strides = array<i32>} : memref<512xf32, #tpu.memory_space<vmem>>, vector<16xf32>,
    %get3A_320 = arith.constant 384 : index
    %get3A_321 = tpu.vector_load %arg6[%get3A_320] {strides = array<i32>} : memref<512xf32, #tpu.memory_space<vmem>>, vector<16xf32>,
    %mul3A_322 = arith.mulf %get3A_321, %mul3A_199 : vector<16xf32>
    %swap3A_323 = arith.constant 384 : index
    %swap3A_324 = tpu.vector_load %arg6[%swap3A_323] {strides = array<i32>} : memref<512xf32, #tpu.memory_space<vmem>>, vector<16xf32>,
    tpu.vector_store %arg6[%swap3A_323], %mul3A_322 {strides = array<i32>} : memref<512xf32, #tpu.memory_space<vmem>>, vector<16xf32>,
    %get3A_325 = arith.constant 400 : index
    %get3A_326 = tpu.vector_load %arg6[%get3A_325] {strides = array<i32>} : memref<512xf32, #tpu.memory_space<vmem>>, vector<16xf32>,
    %mul3A_327 = arith.mulf %get3A_326, %mul3A_199 : vector<16xf32>
    %swap3A_328 = arith.constant 400 : index
    %swap3A_329 = tpu.vector_load %arg6[%swap3A_328] {strides = array<i32>} : memref<512xf32, #tpu.memory_space<vmem>>, vector<16xf32>,
    tpu.vector_store %arg6[%swap3A_328], %mul3A_327 {strides = array<i32>} : memref<512xf32, #tpu.memory_space<vmem>>, vector<16xf32>,
    %get3A_330 = arith.constant 416 : index
    %get3A_331 = tpu.vector_load %arg6[%get3A_330] {strides = array<i32>} : memref<512xf32, #tpu.memory_space<vmem>>, vector<16xf32>,
    %mul3A_332 = arith.mulf %get3A_331, %mul3A_199 : vector<16xf32>
    %swap3A_333 = arith.constant 416 : index
    %swap3A_334 = tpu.vector_load %arg6[%swap3A_333] {strides = array<i32>} : memref<512xf32, #tpu.memory_space<vmem>>, vector<16xf32>,
    tpu.vector_store %arg6[%swap3A_333], %mul3A_332 {strides = array<i32>} : memref<512xf32, #tpu.memory_space<vmem>>, vector<16xf32>,
    %get3A_335 = arith.constant 432 : index
    %get3A_336 = tpu.vector_load %arg6[%get3A_335] {strides = array<i32>} : memref<512xf32, #tpu.memory_space<vmem>>, vector<16xf32>,
    %mul3A_337 = arith.mulf %get3A_336, %mul3A_199 : vector<16xf32>
    %swap3A_338 = arith.constant 432 : index
    %swap3A_339 = tpu.vector_load %arg6[%swap3A_338] {strides = array<i32>} : memref<512xf32, #tpu.memory_space<vmem>>, vector<16xf32>,
    tpu.vector_store %arg6[%swap3A_338], %mul3A_337 {strides = array<i32>} : memref<512xf32, #tpu.memory_space<vmem>>, vector<16xf32>,
    %get3A_340 = arith.constant 448 : index
    %get3A_341 = tpu.vector_load %arg6[%get3A_340] {strides = array<i32>} : memref<512xf32, #tpu.memory_space<vmem>>, vector<16xf32>,
    %mul3A_342 = arith.mulf %get3A_341, %mul3A_199 : vector<16xf32>
    %swap3A_343 = arith.constant 448 : index
    %swap3A_344 = tpu.vector_load %arg6[%swap3A_343] {strides = array<i32>} : memref<512xf32, #tpu.memory_space<vmem>>, vector<16xf32>,
    tpu.vector_store %arg6[%swap3A_343], %mul3A_342 {strides = array<i32>} : memref<512xf32, #tpu.memory_space<vmem>>, vector<16xf32>,
    %get3A_345 = arith.constant 464 : index
    %get3A_346 = tpu.vector_load %arg6[%get3A_345] {strides = array<i32>} : memref<512xf32, #tpu.memory_space<vmem>>, vector<16xf32>,
    %mul3A_347 = arith.mulf %get3A_346, %mul3A_199 : vector<16xf32>
    %swap3A_348 = arith.constant 464 : index
    %swap3A_349 = tpu.vector_load %arg6[%swap3A_348] {strides = array<i32>} : memref<512xf32, #tpu.memory_space<vmem>>, vector<16xf32>,
    tpu.vector_store %arg6[%swap3A_348], %mul3A_347 {strides = array<i32>} : memref<512xf32, #tpu.memory_space<vmem>>, vector<16xf32>,
    %get3A_350 = arith.constant 480 : index
    %get3A_351 = tpu.vector_load %arg6[%get3A_350] {strides = array<i32>} : memref<512xf32, #tpu.memory_space<vmem>>, vector<16xf32>,
    %mul3A_352 = arith.mulf %get3A_351, %mul3A_199 : vector<16xf32>
    %swap3A_353 = arith.constant 480 : index
    %swap3A_354 = tpu.vector_load %arg6[%swap3A_353] {strides = array<i32>} : memref<512xf32, #tpu.memory_space<vmem>>, vector<16xf32>,
    tpu.vector_store %arg6[%swap3A_353], %mul3A_352 {strides = array<i32>} : memref<512xf32, #tpu.memory_space<vmem>>, vector<16xf32>,
    %get3A_355 = arith.constant 496 : index
    %get3A_356 = tpu.vector_load %arg6[%get3A_355] {strides = array<i32>} : memref<512xf32, #tpu.memory_space<vmem>>, vector<16xf32>,
    %mul3A_357 = arith.mulf %get3A_356, %mul3A_199 : vector<16xf32>
    %swap3A_358 = arith.constant 496 : index
    %swap3A_359 = tpu.vector_load %arg6[%swap3A_358] {strides = array<i32>} : memref<512xf32, #tpu.memory_space<vmem>>, vector<16xf32>,
    tpu.vector_store %arg6[%swap3A_358], %mul3A_357 {strides = array<i32>} : memref<512xf32, #tpu.memory_space<vmem>>, vector<16xf32>,
    %mul3A_360 = arith.constant 16384 : i32
    %mul3A_361 = arith.muli %add3A, %mul3A_360 : i32
    %dma_wait3A = arith.constant 0 : i32
    %dma_wait3A_362 = tpu.memref_slice %arg5[%dma_wait3A] : memref<65536xi32, #tpu.memory_space<vmem>> -> memref<32768xi32, #tpu.memory_space<vmem>>
    %dma_wait3A_363 = tpu.memref_slice %arg2[%add3A_4] : memref<2097152xi32, #tpu.memory_space<hbm>> -> memref<32768xi32, #tpu.memory_space<hbm>>
    %dma_wait3A_364 = arith.constant 0 : i32
    %dma_wait3A_365 = tpu.memref_slice %arg5[%dma_wait3A_364] : memref<65536xi32, #tpu.memory_space<vmem>> -> memref<32768xi32, #tpu.memory_space<vmem>>
    %dma_wait3A_366 = tpu.memref_slice %arg2[%add3A_4] : memref<2097152xi32, #tpu.memory_space<hbm>> -> memref<32768xi32, #tpu.memory_space<hbm>>
    tpu.wait_dma2 semaphore(%arg9 : memref<!tpu.dma_semaphore, #tpu.memory_space<semaphore_mem>>) src(%dma_wait3A_366 : memref<32768xi32, #tpu.memory_space<hbm>>) dst(%dma_wait3A_365 : memref<32768xi32, #tpu.memory_space<vmem>>)
    %parallel_loop3A = arith.constant 0 : i32
    %parallel_loop3A_367 = arith.constant 64 : i32
    %parallel_loop3A_368 = arith.constant 1 : i32
    scf.for %parallel_loop3A_406 = %parallel_loop3A to %parallel_loop3A_367 step %parallel_loop3A_368  : i32 {
      %parallel_loop3A_407 = arith.constant 1 : i32
      %parallel_loop3A_408 = arith.shrsi %parallel_loop3A_406, %parallel_loop3A_407 : i32
      %parallel_loop3A_409 = arith.constant 1024 : i32
      %parallel_loop3A_410 = arith.muli %parallel_loop3A_408, %parallel_loop3A_409 : i32
      %parallel_loop3A_411 = arith.constant 1 : i32
      %parallel_loop3A_412 = arith.andi %parallel_loop3A_406, %parallel_loop3A_411 : i32
      %parallel_loop3A_413 = arith.constant 64 : i32
      %parallel_loop3A_414 = arith.muli %parallel_loop3A_412, %parallel_loop3A_413 : i32
      %parallel_loop3A_415 = arith.addi %parallel_loop3A_410, %parallel_loop3A_414 : i32
      %parallel_loop3A_416 = arith.constant 1 : i32
      %parallel_loop3A_417 = arith.shrsi %parallel_loop3A_406, %parallel_loop3A_416 : i32
      %parallel_loop3A_418 = arith.constant 256 : i32
      %parallel_loop3A_419 = arith.muli %parallel_loop3A_417, %parallel_loop3A_418 : i32
      %parallel_loop3A_420 = arith.constant 1 : i32
      %parallel_loop3A_421 = arith.andi %parallel_loop3A_406, %parallel_loop3A_420 : i32
      %parallel_loop3A_422 = arith.constant 64 : i32
      %parallel_loop3A_423 = arith.muli %parallel_loop3A_421, %parallel_loop3A_422 : i32
      %parallel_loop3A_424 = arith.addi %parallel_loop3A_419, %parallel_loop3A_423 : i32
      %parallel_loop3A_425 = arith.constant 0 : i32
      %parallel_loop3A_426 = arith.addi %parallel_loop3A_415, %parallel_loop3A_425 : i32
      %parallel_loop3A_427 = arith.constant 0 : i32
      %parallel_loop3A_428 = arith.addi %parallel_loop3A_426, %parallel_loop3A_427 : i32
      %parallel_loop3A_429 = arith.index_cast %parallel_loop3A_428 : i32 to index
      %parallel_loop3A_430 = tpu.vector_load %arg5[%parallel_loop3A_429] {strides = array<i32>} : memref<65536xi32, #tpu.memory_space<vmem>>, vector<16xi32>,
      %parallel_loop3A_431 = arith.constant 128 : i32
      %parallel_loop3A_432 = arith.addi %parallel_loop3A_415, %parallel_loop3A_431 : i32
      %parallel_loop3A_433 = arith.constant 0 : i32
      %parallel_loop3A_434 = arith.addi %parallel_loop3A_432, %parallel_loop3A_433 : i32
      %parallel_loop3A_435 = arith.index_cast %parallel_loop3A_434 : i32 to index
      %parallel_loop3A_436 = tpu.vector_load %arg5[%parallel_loop3A_435] {strides = array<i32>} : memref<65536xi32, #tpu.memory_space<vmem>>, vector<16xi32>,
      %parallel_loop3A_437 = arith.constant 256 : i32
      %parallel_loop3A_438 = arith.addi %parallel_loop3A_415, %parallel_loop3A_437 : i32
      %parallel_loop3A_439 = arith.constant 0 : i32
      %parallel_loop3A_440 = arith.addi %parallel_loop3A_438, %parallel_loop3A_439 : i32
      %parallel_loop3A_441 = arith.index_cast %parallel_loop3A_440 : i32 to index
      %parallel_loop3A_442 = tpu.vector_load %arg5[%parallel_loop3A_441] {strides = array<i32>} : memref<65536xi32, #tpu.memory_space<vmem>>, vector<16xi32>,
      %parallel_loop3A_443 = arith.constant 384 : i32
      %parallel_loop3A_444 = arith.addi %parallel_loop3A_415, %parallel_loop3A_443 : i32
      %parallel_loop3A_445 = arith.constant 0 : i32
      %parallel_loop3A_446 = arith.addi %parallel_loop3A_444, %parallel_loop3A_445 : i32
      %parallel_loop3A_447 = arith.index_cast %parallel_loop3A_446 : i32 to index
      %parallel_loop3A_448 = tpu.vector_load %arg5[%parallel_loop3A_447] {strides = array<i32>} : memref<65536xi32, #tpu.memory_space<vmem>>, vector<16xi32>,
      %parallel_loop3A_449 = arith.constant 512 : i32
      %parallel_loop3A_450 = arith.addi %parallel_loop3A_415, %parallel_loop3A_449 : i32
      %parallel_loop3A_451 = arith.constant 0 : i32
      %parallel_loop3A_452 = arith.addi %parallel_loop3A_450, %parallel_loop3A_451 : i32
      %parallel_loop3A_453 = arith.index_cast %parallel_loop3A_452 : i32 to index
      %parallel_loop3A_454 = tpu.vector_load %arg5[%parallel_loop3A_453] {strides = array<i32>} : memref<65536xi32, #tpu.memory_space<vmem>>, vector<16xi32>,
      %parallel_loop3A_455 = arith.constant 640 : i32
      %parallel_loop3A_456 = arith.addi %parallel_loop3A_415, %parallel_loop3A_455 : i32
      %parallel_loop3A_457 = arith.constant 0 : i32
      %parallel_loop3A_458 = arith.addi %parallel_loop3A_456, %parallel_loop3A_457 : i32
      %parallel_loop3A_459 = arith.index_cast %parallel_loop3A_458 : i32 to index
      %parallel_loop3A_460 = tpu.vector_load %arg5[%parallel_loop3A_459] {strides = array<i32>} : memref<65536xi32, #tpu.memory_space<vmem>>, vector<16xi32>,
      %parallel_loop3A_461 = arith.constant 768 : i32
      %parallel_loop3A_462 = arith.addi %parallel_loop3A_415, %parallel_loop3A_461 : i32
      %parallel_loop3A_463 = arith.constant 0 : i32
      %parallel_loop3A_464 = arith.addi %parallel_loop3A_462, %parallel_loop3A_463 : i32
      %parallel_loop3A_465 = arith.index_cast %parallel_loop3A_464 : i32 to index
      %parallel_loop3A_466 = tpu.vector_load %arg5[%parallel_loop3A_465] {strides = array<i32>} : memref<65536xi32, #tpu.memory_space<vmem>>, vector<16xi32>,
      %parallel_loop3A_467 = arith.constant 896 : i32
      %parallel_loop3A_468 = arith.addi %parallel_loop3A_415, %parallel_loop3A_467 : i32
      %parallel_loop3A_469 = arith.constant 0 : i32
      %parallel_loop3A_470 = arith.addi %parallel_loop3A_468, %parallel_loop3A_469 : i32
      %parallel_loop3A_471 = arith.index_cast %parallel_loop3A_470 : i32 to index
      %parallel_loop3A_472 = tpu.vector_load %arg5[%parallel_loop3A_471] {strides = array<i32>} : memref<65536xi32, #tpu.memory_space<vmem>>, vector<16xi32>,
      %parallel_loop3A_473 = arith.constant 1 : i32
      %parallel_loop3A_474 = vector.broadcast %parallel_loop3A_473 : i32 to vector<16xi32>
      %parallel_loop3A_475 = arith.shli %parallel_loop3A_430, %parallel_loop3A_474 : vector<16xi32>
      %parallel_loop3A_476 = arith.ori %parallel_loop3A_475, %parallel_loop3A_436 : vector<16xi32>
      %parallel_loop3A_477 = arith.constant 1 : i32
      %parallel_loop3A_478 = vector.broadcast %parallel_loop3A_477 : i32 to vector<16xi32>
      %parallel_loop3A_479 = arith.shli %parallel_loop3A_442, %parallel_loop3A_478 : vector<16xi32>
      %parallel_loop3A_480 = arith.ori %parallel_loop3A_479, %parallel_loop3A_448 : vector<16xi32>
      %parallel_loop3A_481 = arith.constant 1 : i32
      %parallel_loop3A_482 = vector.broadcast %parallel_loop3A_481 : i32 to vector<16xi32>
      %parallel_loop3A_483 = arith.shli %parallel_loop3A_454, %parallel_loop3A_482 : vector<16xi32>
      %parallel_loop3A_484 = arith.ori %parallel_loop3A_483, %parallel_loop3A_460 : vector<16xi32>
      %parallel_loop3A_485 = arith.constant 1 : i32
      %parallel_loop3A_486 = vector.broadcast %parallel_loop3A_485 : i32 to vector<16xi32>
      %parallel_loop3A_487 = arith.shli %parallel_loop3A_466, %parallel_loop3A_486 : vector<16xi32>
      %parallel_loop3A_488 = arith.ori %parallel_loop3A_487, %parallel_loop3A_472 : vector<16xi32>
      %parallel_loop3A_489 = arith.constant 6 : i32
      %parallel_loop3A_490 = vector.broadcast %parallel_loop3A_489 : i32 to vector<16xi32>
      %parallel_loop3A_491 = arith.shli %parallel_loop3A_476, %parallel_loop3A_490 : vector<16xi32>
      %parallel_loop3A_492 = arith.constant 4 : i32
      %parallel_loop3A_493 = vector.broadcast %parallel_loop3A_492 : i32 to vector<16xi32>
      %parallel_loop3A_494 = arith.shli %parallel_loop3A_480, %parallel_loop3A_493 : vector<16xi32>
      %parallel_loop3A_495 = arith.ori %parallel_loop3A_491, %parallel_loop3A_494 : vector<16xi32>
      %parallel_loop3A_496 = arith.constant 2 : i32
      %parallel_loop3A_497 = vector.broadcast %parallel_loop3A_496 : i32 to vector<16xi32>
      %parallel_loop3A_498 = arith.shli %parallel_loop3A_484, %parallel_loop3A_497 : vector<16xi32>
      %parallel_loop3A_499 = arith.ori %parallel_loop3A_498, %parallel_loop3A_488 : vector<16xi32>
      %parallel_loop3A_500 = arith.ori %parallel_loop3A_495, %parallel_loop3A_499 : vector<16xi32>
      %parallel_loop3A_501 = arith.constant 7 : i32
      %parallel_loop3A_502 = vector.broadcast %parallel_loop3A_501 : i32 to vector<16xi32>
      %parallel_loop3A_503 = arith.shrsi %parallel_loop3A_500, %parallel_loop3A_502 : vector<16xi32>
      %parallel_loop3A_504 = arith.constant 7 : i32
      %parallel_loop3A_505 = vector.broadcast %parallel_loop3A_504 : i32 to vector<16xi32>
      %parallel_loop3A_506 = arith.shli %parallel_loop3A_503, %parallel_loop3A_505 : vector<16xi32>
      %parallel_loop3A_507 = arith.addi %parallel_loop3A_500, %parallel_loop3A_506 : vector<16xi32>
      %parallel_loop3A_508 = tpu.vector_load_idx %arg6[%parallel_loop3A_507] : memref<512xf32, #tpu.memory_space<vmem>>[vector<16xi32>], vector<16xf32>,
      %parallel_loop3A_509 = arith.constant 0 : i32
      %parallel_loop3A_510 = arith.addi %parallel_loop3A_424, %parallel_loop3A_509 : i32
      %parallel_loop3A_511 = arith.index_cast %parallel_loop3A_510 : i32 to index
      %parallel_loop3A_512 = tpu.vector_load %arg7[%parallel_loop3A_511] {strides = array<i32>} : memref<16384xf32, #tpu.memory_space<vmem>>, vector<16xf32>,
      tpu.vector_store %arg7[%parallel_loop3A_511], %parallel_loop3A_508 {strides = array<i32>} : memref<16384xf32, #tpu.memory_space<vmem>>, vector<16xf32>,
      %parallel_loop3A_513 = arith.constant 128 : i32
      %parallel_loop3A_514 = vector.broadcast %parallel_loop3A_513 : i32 to vector<16xi32>
      %parallel_loop3A_515 = arith.addi %parallel_loop3A_507, %parallel_loop3A_514 : vector<16xi32>
      %parallel_loop3A_516 = tpu.vector_load_idx %arg6[%parallel_loop3A_515] : memref<512xf32, #tpu.memory_space<vmem>>[vector<16xi32>], vector<16xf32>,
      %parallel_loop3A_517 = arith.constant 128 : i32
      %parallel_loop3A_518 = arith.addi %parallel_loop3A_424, %parallel_loop3A_517 : i32
      %parallel_loop3A_519 = arith.constant 0 : i32
      %parallel_loop3A_520 = arith.addi %parallel_loop3A_518, %parallel_loop3A_519 : i32
      %parallel_loop3A_521 = arith.index_cast %parallel_loop3A_520 : i32 to index
      %parallel_loop3A_522 = tpu.vector_load %arg7[%parallel_loop3A_521] {strides = array<i32>} : memref<16384xf32, #tpu.memory_space<vmem>>, vector<16xf32>,
      tpu.vector_store %arg7[%parallel_loop3A_521], %parallel_loop3A_516 {strides = array<i32>} : memref<16384xf32, #tpu.memory_space<vmem>>, vector<16xf32>,
      %parallel_loop3A_523 = arith.constant 0 : i32
      %parallel_loop3A_524 = arith.addi %parallel_loop3A_415, %parallel_loop3A_523 : i32
      %parallel_loop3A_525 = arith.constant 16 : i32
      %parallel_loop3A_526 = arith.addi %parallel_loop3A_524, %parallel_loop3A_525 : i32
      %parallel_loop3A_527 = arith.index_cast %parallel_loop3A_526 : i32 to index
      %parallel_loop3A_528 = tpu.vector_load %arg5[%parallel_loop3A_527] {strides = array<i32>} : memref<65536xi32, #tpu.memory_space<vmem>>, vector<16xi32>,
      %parallel_loop3A_529 = arith.constant 128 : i32
      %parallel_loop3A_530 = arith.addi %parallel_loop3A_415, %parallel_loop3A_529 : i32
      %parallel_loop3A_531 = arith.constant 16 : i32
      %parallel_loop3A_532 = arith.addi %parallel_loop3A_530, %parallel_loop3A_531 : i32
      %parallel_loop3A_533 = arith.index_cast %parallel_loop3A_532 : i32 to index
      %parallel_loop3A_534 = tpu.vector_load %arg5[%parallel_loop3A_533] {strides = array<i32>} : memref<65536xi32, #tpu.memory_space<vmem>>, vector<16xi32>,
      %parallel_loop3A_535 = arith.constant 256 : i32
      %parallel_loop3A_536 = arith.addi %parallel_loop3A_415, %parallel_loop3A_535 : i32
      %parallel_loop3A_537 = arith.constant 16 : i32
      %parallel_loop3A_538 = arith.addi %parallel_loop3A_536, %parallel_loop3A_537 : i32
      %parallel_loop3A_539 = arith.index_cast %parallel_loop3A_538 : i32 to index
      %parallel_loop3A_540 = tpu.vector_load %arg5[%parallel_loop3A_539] {strides = array<i32>} : memref<65536xi32, #tpu.memory_space<vmem>>, vector<16xi32>,
      %parallel_loop3A_541 = arith.constant 384 : i32
      %parallel_loop3A_542 = arith.addi %parallel_loop3A_415, %parallel_loop3A_541 : i32
      %parallel_loop3A_543 = arith.constant 16 : i32
      %parallel_loop3A_544 = arith.addi %parallel_loop3A_542, %parallel_loop3A_543 : i32
      %parallel_loop3A_545 = arith.index_cast %parallel_loop3A_544 : i32 to index
      %parallel_loop3A_546 = tpu.vector_load %arg5[%parallel_loop3A_545] {strides = array<i32>} : memref<65536xi32, #tpu.memory_space<vmem>>, vector<16xi32>,
      %parallel_loop3A_547 = arith.constant 512 : i32
      %parallel_loop3A_548 = arith.addi %parallel_loop3A_415, %parallel_loop3A_547 : i32
      %parallel_loop3A_549 = arith.constant 16 : i32
      %parallel_loop3A_550 = arith.addi %parallel_loop3A_548, %parallel_loop3A_549 : i32
      %parallel_loop3A_551 = arith.index_cast %parallel_loop3A_550 : i32 to index
      %parallel_loop3A_552 = tpu.vector_load %arg5[%parallel_loop3A_551] {strides = array<i32>} : memref<65536xi32, #tpu.memory_space<vmem>>, vector<16xi32>,
      %parallel_loop3A_553 = arith.constant 640 : i32
      %parallel_loop3A_554 = arith.addi %parallel_loop3A_415, %parallel_loop3A_553 : i32
      %parallel_loop3A_555 = arith.constant 16 : i32
      %parallel_loop3A_556 = arith.addi %parallel_loop3A_554, %parallel_loop3A_555 : i32
      %parallel_loop3A_557 = arith.index_cast %parallel_loop3A_556 : i32 to index
      %parallel_loop3A_558 = tpu.vector_load %arg5[%parallel_loop3A_557] {strides = array<i32>} : memref<65536xi32, #tpu.memory_space<vmem>>, vector<16xi32>,
      %parallel_loop3A_559 = arith.constant 768 : i32
      %parallel_loop3A_560 = arith.addi %parallel_loop3A_415, %parallel_loop3A_559 : i32
      %parallel_loop3A_561 = arith.constant 16 : i32
      %parallel_loop3A_562 = arith.addi %parallel_loop3A_560, %parallel_loop3A_561 : i32
      %parallel_loop3A_563 = arith.index_cast %parallel_loop3A_562 : i32 to index
      %parallel_loop3A_564 = tpu.vector_load %arg5[%parallel_loop3A_563] {strides = array<i32>} : memref<65536xi32, #tpu.memory_space<vmem>>, vector<16xi32>,
      %parallel_loop3A_565 = arith.constant 896 : i32
      %parallel_loop3A_566 = arith.addi %parallel_loop3A_415, %parallel_loop3A_565 : i32
      %parallel_loop3A_567 = arith.constant 16 : i32
      %parallel_loop3A_568 = arith.addi %parallel_loop3A_566, %parallel_loop3A_567 : i32
      %parallel_loop3A_569 = arith.index_cast %parallel_loop3A_568 : i32 to index
      %parallel_loop3A_570 = tpu.vector_load %arg5[%parallel_loop3A_569] {strides = array<i32>} : memref<65536xi32, #tpu.memory_space<vmem>>, vector<16xi32>,
      %parallel_loop3A_571 = arith.constant 1 : i32
      %parallel_loop3A_572 = vector.broadcast %parallel_loop3A_571 : i32 to vector<16xi32>
      %parallel_loop3A_573 = arith.shli %parallel_loop3A_528, %parallel_loop3A_572 : vector<16xi32>
      %parallel_loop3A_574 = arith.ori %parallel_loop3A_573, %parallel_loop3A_534 : vector<16xi32>
      %parallel_loop3A_575 = arith.constant 1 : i32
      %parallel_loop3A_576 = vector.broadcast %parallel_loop3A_575 : i32 to vector<16xi32>
      %parallel_loop3A_577 = arith.shli %parallel_loop3A_540, %parallel_loop3A_576 : vector<16xi32>
      %parallel_loop3A_578 = arith.ori %parallel_loop3A_577, %parallel_loop3A_546 : vector<16xi32>
      %parallel_loop3A_579 = arith.constant 1 : i32
      %parallel_loop3A_580 = vector.broadcast %parallel_loop3A_579 : i32 to vector<16xi32>
      %parallel_loop3A_581 = arith.shli %parallel_loop3A_552, %parallel_loop3A_580 : vector<16xi32>
      %parallel_loop3A_582 = arith.ori %parallel_loop3A_581, %parallel_loop3A_558 : vector<16xi32>
      %parallel_loop3A_583 = arith.constant 1 : i32
      %parallel_loop3A_584 = vector.broadcast %parallel_loop3A_583 : i32 to vector<16xi32>
      %parallel_loop3A_585 = arith.shli %parallel_loop3A_564, %parallel_loop3A_584 : vector<16xi32>
      %parallel_loop3A_586 = arith.ori %parallel_loop3A_585, %parallel_loop3A_570 : vector<16xi32>
      %parallel_loop3A_587 = arith.constant 6 : i32
      %parallel_loop3A_588 = vector.broadcast %parallel_loop3A_587 : i32 to vector<16xi32>
      %parallel_loop3A_589 = arith.shli %parallel_loop3A_574, %parallel_loop3A_588 : vector<16xi32>
      %parallel_loop3A_590 = arith.constant 4 : i32
      %parallel_loop3A_591 = vector.broadcast %parallel_loop3A_590 : i32 to vector<16xi32>
      %parallel_loop3A_592 = arith.shli %parallel_loop3A_578, %parallel_loop3A_591 : vector<16xi32>
      %parallel_loop3A_593 = arith.ori %parallel_loop3A_589, %parallel_loop3A_592 : vector<16xi32>
      %parallel_loop3A_594 = arith.constant 2 : i32
      %parallel_loop3A_595 = vector.broadcast %parallel_loop3A_594 : i32 to vector<16xi32>
      %parallel_loop3A_596 = arith.shli %parallel_loop3A_582, %parallel_loop3A_595 : vector<16xi32>
      %parallel_loop3A_597 = arith.ori %parallel_loop3A_596, %parallel_loop3A_586 : vector<16xi32>
      %parallel_loop3A_598 = arith.ori %parallel_loop3A_593, %parallel_loop3A_597 : vector<16xi32>
      %parallel_loop3A_599 = arith.constant 7 : i32
      %parallel_loop3A_600 = vector.broadcast %parallel_loop3A_599 : i32 to vector<16xi32>
      %parallel_loop3A_601 = arith.shrsi %parallel_loop3A_598, %parallel_loop3A_600 : vector<16xi32>
      %parallel_loop3A_602 = arith.constant 7 : i32
      %parallel_loop3A_603 = vector.broadcast %parallel_loop3A_602 : i32 to vector<16xi32>
      %parallel_loop3A_604 = arith.shli %parallel_loop3A_601, %parallel_loop3A_603 : vector<16xi32>
      %parallel_loop3A_605 = arith.addi %parallel_loop3A_598, %parallel_loop3A_604 : vector<16xi32>
      %parallel_loop3A_606 = tpu.vector_load_idx %arg6[%parallel_loop3A_605] : memref<512xf32, #tpu.memory_space<vmem>>[vector<16xi32>], vector<16xf32>,
      %parallel_loop3A_607 = arith.constant 16 : i32
      %parallel_loop3A_608 = arith.addi %parallel_loop3A_424, %parallel_loop3A_607 : i32
      %parallel_loop3A_609 = arith.index_cast %parallel_loop3A_608 : i32 to index
      %parallel_loop3A_610 = tpu.vector_load %arg7[%parallel_loop3A_609] {strides = array<i32>} : memref<16384xf32, #tpu.memory_space<vmem>>, vector<16xf32>,
      tpu.vector_store %arg7[%parallel_loop3A_609], %parallel_loop3A_606 {strides = array<i32>} : memref<16384xf32, #tpu.memory_space<vmem>>, vector<16xf32>,
      %parallel_loop3A_611 = arith.constant 128 : i32
      %parallel_loop3A_612 = vector.broadcast %parallel_loop3A_611 : i32 to vector<16xi32>
      %parallel_loop3A_613 = arith.addi %parallel_loop3A_605, %parallel_loop3A_612 : vector<16xi32>
      %parallel_loop3A_614 = tpu.vector_load_idx %arg6[%parallel_loop3A_613] : memref<512xf32, #tpu.memory_space<vmem>>[vector<16xi32>], vector<16xf32>,
      %parallel_loop3A_615 = arith.constant 128 : i32
      %parallel_loop3A_616 = arith.addi %parallel_loop3A_424, %parallel_loop3A_615 : i32
      %parallel_loop3A_617 = arith.constant 16 : i32
      %parallel_loop3A_618 = arith.addi %parallel_loop3A_616, %parallel_loop3A_617 : i32
      %parallel_loop3A_619 = arith.index_cast %parallel_loop3A_618 : i32 to index
      %parallel_loop3A_620 = tpu.vector_load %arg7[%parallel_loop3A_619] {strides = array<i32>} : memref<16384xf32, #tpu.memory_space<vmem>>, vector<16xf32>,
      tpu.vector_store %arg7[%parallel_loop3A_619], %parallel_loop3A_614 {strides = array<i32>} : memref<16384xf32, #tpu.memory_space<vmem>>, vector<16xf32>,
      %parallel_loop3A_621 = arith.constant 0 : i32
      %parallel_loop3A_622 = arith.addi %parallel_loop3A_415, %parallel_loop3A_621 : i32
      %parallel_loop3A_623 = arith.constant 32 : i32
      %parallel_loop3A_624 = arith.addi %parallel_loop3A_622, %parallel_loop3A_623 : i32
      %parallel_loop3A_625 = arith.index_cast %parallel_loop3A_624 : i32 to index
      %parallel_loop3A_626 = tpu.vector_load %arg5[%parallel_loop3A_625] {strides = array<i32>} : memref<65536xi32, #tpu.memory_space<vmem>>, vector<16xi32>,
      %parallel_loop3A_627 = arith.constant 128 : i32
      %parallel_loop3A_628 = arith.addi %parallel_loop3A_415, %parallel_loop3A_627 : i32
      %parallel_loop3A_629 = arith.constant 32 : i32
      %parallel_loop3A_630 = arith.addi %parallel_loop3A_628, %parallel_loop3A_629 : i32
      %parallel_loop3A_631 = arith.index_cast %parallel_loop3A_630 : i32 to index
      %parallel_loop3A_632 = tpu.vector_load %arg5[%parallel_loop3A_631] {strides = array<i32>} : memref<65536xi32, #tpu.memory_space<vmem>>, vector<16xi32>,
      %parallel_loop3A_633 = arith.constant 256 : i32
      %parallel_loop3A_634 = arith.addi %parallel_loop3A_415, %parallel_loop3A_633 : i32
      %parallel_loop3A_635 = arith.constant 32 : i32
      %parallel_loop3A_636 = arith.addi %parallel_loop3A_634, %parallel_loop3A_635 : i32
      %parallel_loop3A_637 = arith.index_cast %parallel_loop3A_636 : i32 to index
      %parallel_loop3A_638 = tpu.vector_load %arg5[%parallel_loop3A_637] {strides = array<i32>} : memref<65536xi32, #tpu.memory_space<vmem>>, vector<16xi32>,
      %parallel_loop3A_639 = arith.constant 384 : i32
      %parallel_loop3A_640 = arith.addi %parallel_loop3A_415, %parallel_loop3A_639 : i32
      %parallel_loop3A_641 = arith.constant 32 : i32
      %parallel_loop3A_642 = arith.addi %parallel_loop3A_640, %parallel_loop3A_641 : i32
      %parallel_loop3A_643 = arith.index_cast %parallel_loop3A_642 : i32 to index
      %parallel_loop3A_644 = tpu.vector_load %arg5[%parallel_loop3A_643] {strides = array<i32>} : memref<65536xi32, #tpu.memory_space<vmem>>, vector<16xi32>,
      %parallel_loop3A_645 = arith.constant 512 : i32
      %parallel_loop3A_646 = arith.addi %parallel_loop3A_415, %parallel_loop3A_645 : i32
      %parallel_loop3A_647 = arith.constant 32 : i32
      %parallel_loop3A_648 = arith.addi %parallel_loop3A_646, %parallel_loop3A_647 : i32
      %parallel_loop3A_649 = arith.index_cast %parallel_loop3A_648 : i32 to index
      %parallel_loop3A_650 = tpu.vector_load %arg5[%parallel_loop3A_649] {strides = array<i32>} : memref<65536xi32, #tpu.memory_space<vmem>>, vector<16xi32>,
      %parallel_loop3A_651 = arith.constant 640 : i32
      %parallel_loop3A_652 = arith.addi %parallel_loop3A_415, %parallel_loop3A_651 : i32
      %parallel_loop3A_653 = arith.constant 32 : i32
      %parallel_loop3A_654 = arith.addi %parallel_loop3A_652, %parallel_loop3A_653 : i32
      %parallel_loop3A_655 = arith.index_cast %parallel_loop3A_654 : i32 to index
      %parallel_loop3A_656 = tpu.vector_load %arg5[%parallel_loop3A_655] {strides = array<i32>} : memref<65536xi32, #tpu.memory_space<vmem>>, vector<16xi32>,
      %parallel_loop3A_657 = arith.constant 768 : i32
      %parallel_loop3A_658 = arith.addi %parallel_loop3A_415, %parallel_loop3A_657 : i32
      %parallel_loop3A_659 = arith.constant 32 : i32
      %parallel_loop3A_660 = arith.addi %parallel_loop3A_658, %parallel_loop3A_659 : i32
      %parallel_loop3A_661 = arith.index_cast %parallel_loop3A_660 : i32 to index
      %parallel_loop3A_662 = tpu.vector_load %arg5[%parallel_loop3A_661] {strides = array<i32>} : memref<65536xi32, #tpu.memory_space<vmem>>, vector<16xi32>,
      %parallel_loop3A_663 = arith.constant 896 : i32
      %parallel_loop3A_664 = arith.addi %parallel_loop3A_415, %parallel_loop3A_663 : i32
      %parallel_loop3A_665 = arith.constant 32 : i32
      %parallel_loop3A_666 = arith.addi %parallel_loop3A_664, %parallel_loop3A_665 : i32
      %parallel_loop3A_667 = arith.index_cast %parallel_loop3A_666 : i32 to index
      %parallel_loop3A_668 = tpu.vector_load %arg5[%parallel_loop3A_667] {strides = array<i32>} : memref<65536xi32, #tpu.memory_space<vmem>>, vector<16xi32>,
      %parallel_loop3A_669 = arith.constant 1 : i32
      %parallel_loop3A_670 = vector.broadcast %parallel_loop3A_669 : i32 to vector<16xi32>
      %parallel_loop3A_671 = arith.shli %parallel_loop3A_626, %parallel_loop3A_670 : vector<16xi32>
      %parallel_loop3A_672 = arith.ori %parallel_loop3A_671, %parallel_loop3A_632 : vector<16xi32>
      %parallel_loop3A_673 = arith.constant 1 : i32
      %parallel_loop3A_674 = vector.broadcast %parallel_loop3A_673 : i32 to vector<16xi32>
      %parallel_loop3A_675 = arith.shli %parallel_loop3A_638, %parallel_loop3A_674 : vector<16xi32>
      %parallel_loop3A_676 = arith.ori %parallel_loop3A_675, %parallel_loop3A_644 : vector<16xi32>
      %parallel_loop3A_677 = arith.constant 1 : i32
      %parallel_loop3A_678 = vector.broadcast %parallel_loop3A_677 : i32 to vector<16xi32>
      %parallel_loop3A_679 = arith.shli %parallel_loop3A_650, %parallel_loop3A_678 : vector<16xi32>
      %parallel_loop3A_680 = arith.ori %parallel_loop3A_679, %parallel_loop3A_656 : vector<16xi32>
      %parallel_loop3A_681 = arith.constant 1 : i32
      %parallel_loop3A_682 = vector.broadcast %parallel_loop3A_681 : i32 to vector<16xi32>
      %parallel_loop3A_683 = arith.shli %parallel_loop3A_662, %parallel_loop3A_682 : vector<16xi32>
      %parallel_loop3A_684 = arith.ori %parallel_loop3A_683, %parallel_loop3A_668 : vector<16xi32>
      %parallel_loop3A_685 = arith.constant 6 : i32
      %parallel_loop3A_686 = vector.broadcast %parallel_loop3A_685 : i32 to vector<16xi32>
      %parallel_loop3A_687 = arith.shli %parallel_loop3A_672, %parallel_loop3A_686 : vector<16xi32>
      %parallel_loop3A_688 = arith.constant 4 : i32
      %parallel_loop3A_689 = vector.broadcast %parallel_loop3A_688 : i32 to vector<16xi32>
      %parallel_loop3A_690 = arith.shli %parallel_loop3A_676, %parallel_loop3A_689 : vector<16xi32>
      %parallel_loop3A_691 = arith.ori %parallel_loop3A_687, %parallel_loop3A_690 : vector<16xi32>
      %parallel_loop3A_692 = arith.constant 2 : i32
      %parallel_loop3A_693 = vector.broadcast %parallel_loop3A_692 : i32 to vector<16xi32>
      %parallel_loop3A_694 = arith.shli %parallel_loop3A_680, %parallel_loop3A_693 : vector<16xi32>
      %parallel_loop3A_695 = arith.ori %parallel_loop3A_694, %parallel_loop3A_684 : vector<16xi32>
      %parallel_loop3A_696 = arith.ori %parallel_loop3A_691, %parallel_loop3A_695 : vector<16xi32>
      %parallel_loop3A_697 = arith.constant 7 : i32
      %parallel_loop3A_698 = vector.broadcast %parallel_loop3A_697 : i32 to vector<16xi32>
      %parallel_loop3A_699 = arith.shrsi %parallel_loop3A_696, %parallel_loop3A_698 : vector<16xi32>
      %parallel_loop3A_700 = arith.constant 7 : i32
      %parallel_loop3A_701 = vector.broadcast %parallel_loop3A_700 : i32 to vector<16xi32>
      %parallel_loop3A_702 = arith.shli %parallel_loop3A_699, %parallel_loop3A_701 : vector<16xi32>
      %parallel_loop3A_703 = arith.addi %parallel_loop3A_696, %parallel_loop3A_702 : vector<16xi32>
      %parallel_loop3A_704 = tpu.vector_load_idx %arg6[%parallel_loop3A_703] : memref<512xf32, #tpu.memory_space<vmem>>[vector<16xi32>], vector<16xf32>,
      %parallel_loop3A_705 = arith.constant 32 : i32
      %parallel_loop3A_706 = arith.addi %parallel_loop3A_424, %parallel_loop3A_705 : i32
      %parallel_loop3A_707 = arith.index_cast %parallel_loop3A_706 : i32 to index
      %parallel_loop3A_708 = tpu.vector_load %arg7[%parallel_loop3A_707] {strides = array<i32>} : memref<16384xf32, #tpu.memory_space<vmem>>, vector<16xf32>,
      tpu.vector_store %arg7[%parallel_loop3A_707], %parallel_loop3A_704 {strides = array<i32>} : memref<16384xf32, #tpu.memory_space<vmem>>, vector<16xf32>,
      %parallel_loop3A_709 = arith.constant 128 : i32
      %parallel_loop3A_710 = vector.broadcast %parallel_loop3A_709 : i32 to vector<16xi32>
      %parallel_loop3A_711 = arith.addi %parallel_loop3A_703, %parallel_loop3A_710 : vector<16xi32>
      %parallel_loop3A_712 = tpu.vector_load_idx %arg6[%parallel_loop3A_711] : memref<512xf32, #tpu.memory_space<vmem>>[vector<16xi32>], vector<16xf32>,
      %parallel_loop3A_713 = arith.constant 128 : i32
      %parallel_loop3A_714 = arith.addi %parallel_loop3A_424, %parallel_loop3A_713 : i32
      %parallel_loop3A_715 = arith.constant 32 : i32
      %parallel_loop3A_716 = arith.addi %parallel_loop3A_714, %parallel_loop3A_715 : i32
      %parallel_loop3A_717 = arith.index_cast %parallel_loop3A_716 : i32 to index
      %parallel_loop3A_718 = tpu.vector_load %arg7[%parallel_loop3A_717] {strides = array<i32>} : memref<16384xf32, #tpu.memory_space<vmem>>, vector<16xf32>,
      tpu.vector_store %arg7[%parallel_loop3A_717], %parallel_loop3A_712 {strides = array<i32>} : memref<16384xf32, #tpu.memory_space<vmem>>, vector<16xf32>,
      %parallel_loop3A_719 = arith.constant 0 : i32
      %parallel_loop3A_720 = arith.addi %parallel_loop3A_415, %parallel_loop3A_719 : i32
      %parallel_loop3A_721 = arith.constant 48 : i32
      %parallel_loop3A_722 = arith.addi %parallel_loop3A_720, %parallel_loop3A_721 : i32
      %parallel_loop3A_723 = arith.index_cast %parallel_loop3A_722 : i32 to index
      %parallel_loop3A_724 = tpu.vector_load %arg5[%parallel_loop3A_723] {strides = array<i32>} : memref<65536xi32, #tpu.memory_space<vmem>>, vector<16xi32>,
      %parallel_loop3A_725 = arith.constant 128 : i32
      %parallel_loop3A_726 = arith.addi %parallel_loop3A_415, %parallel_loop3A_725 : i32
      %parallel_loop3A_727 = arith.constant 48 : i32
      %parallel_loop3A_728 = arith.addi %parallel_loop3A_726, %parallel_loop3A_727 : i32
      %parallel_loop3A_729 = arith.index_cast %parallel_loop3A_728 : i32 to index
      %parallel_loop3A_730 = tpu.vector_load %arg5[%parallel_loop3A_729] {strides = array<i32>} : memref<65536xi32, #tpu.memory_space<vmem>>, vector<16xi32>,
      %parallel_loop3A_731 = arith.constant 256 : i32
      %parallel_loop3A_732 = arith.addi %parallel_loop3A_415, %parallel_loop3A_731 : i32
      %parallel_loop3A_733 = arith.constant 48 : i32
      %parallel_loop3A_734 = arith.addi %parallel_loop3A_732, %parallel_loop3A_733 : i32
      %parallel_loop3A_735 = arith.index_cast %parallel_loop3A_734 : i32 to index
      %parallel_loop3A_736 = tpu.vector_load %arg5[%parallel_loop3A_735] {strides = array<i32>} : memref<65536xi32, #tpu.memory_space<vmem>>, vector<16xi32>,
      %parallel_loop3A_737 = arith.constant 384 : i32
      %parallel_loop3A_738 = arith.addi %parallel_loop3A_415, %parallel_loop3A_737 : i32
      %parallel_loop3A_739 = arith.constant 48 : i32
      %parallel_loop3A_740 = arith.addi %parallel_loop3A_738, %parallel_loop3A_739 : i32
      %parallel_loop3A_741 = arith.index_cast %parallel_loop3A_740 : i32 to index
      %parallel_loop3A_742 = tpu.vector_load %arg5[%parallel_loop3A_741] {strides = array<i32>} : memref<65536xi32, #tpu.memory_space<vmem>>, vector<16xi32>,
      %parallel_loop3A_743 = arith.constant 512 : i32
      %parallel_loop3A_744 = arith.addi %parallel_loop3A_415, %parallel_loop3A_743 : i32
      %parallel_loop3A_745 = arith.constant 48 : i32
      %parallel_loop3A_746 = arith.addi %parallel_loop3A_744, %parallel_loop3A_745 : i32
      %parallel_loop3A_747 = arith.index_cast %parallel_loop3A_746 : i32 to index
      %parallel_loop3A_748 = tpu.vector_load %arg5[%parallel_loop3A_747] {strides = array<i32>} : memref<65536xi32, #tpu.memory_space<vmem>>, vector<16xi32>,
      %parallel_loop3A_749 = arith.constant 640 : i32
      %parallel_loop3A_750 = arith.addi %parallel_loop3A_415, %parallel_loop3A_749 : i32
      %parallel_loop3A_751 = arith.constant 48 : i32
      %parallel_loop3A_752 = arith.addi %parallel_loop3A_750, %parallel_loop3A_751 : i32
      %parallel_loop3A_753 = arith.index_cast %parallel_loop3A_752 : i32 to index
      %parallel_loop3A_754 = tpu.vector_load %arg5[%parallel_loop3A_753] {strides = array<i32>} : memref<65536xi32, #tpu.memory_space<vmem>>, vector<16xi32>,
      %parallel_loop3A_755 = arith.constant 768 : i32
      %parallel_loop3A_756 = arith.addi %parallel_loop3A_415, %parallel_loop3A_755 : i32
      %parallel_loop3A_757 = arith.constant 48 : i32
      %parallel_loop3A_758 = arith.addi %parallel_loop3A_756, %parallel_loop3A_757 : i32
      %parallel_loop3A_759 = arith.index_cast %parallel_loop3A_758 : i32 to index
      %parallel_loop3A_760 = tpu.vector_load %arg5[%parallel_loop3A_759] {strides = array<i32>} : memref<65536xi32, #tpu.memory_space<vmem>>, vector<16xi32>,
      %parallel_loop3A_761 = arith.constant 896 : i32
      %parallel_loop3A_762 = arith.addi %parallel_loop3A_415, %parallel_loop3A_761 : i32
      %parallel_loop3A_763 = arith.constant 48 : i32
      %parallel_loop3A_764 = arith.addi %parallel_loop3A_762, %parallel_loop3A_763 : i32
      %parallel_loop3A_765 = arith.index_cast %parallel_loop3A_764 : i32 to index
      %parallel_loop3A_766 = tpu.vector_load %arg5[%parallel_loop3A_765] {strides = array<i32>} : memref<65536xi32, #tpu.memory_space<vmem>>, vector<16xi32>,
      %parallel_loop3A_767 = arith.constant 1 : i32
      %parallel_loop3A_768 = vector.broadcast %parallel_loop3A_767 : i32 to vector<16xi32>
      %parallel_loop3A_769 = arith.shli %parallel_loop3A_724, %parallel_loop3A_768 : vector<16xi32>
      %parallel_loop3A_770 = arith.ori %parallel_loop3A_769, %parallel_loop3A_730 : vector<16xi32>
      %parallel_loop3A_771 = arith.constant 1 : i32
      %parallel_loop3A_772 = vector.broadcast %parallel_loop3A_771 : i32 to vector<16xi32>
      %parallel_loop3A_773 = arith.shli %parallel_loop3A_736, %parallel_loop3A_772 : vector<16xi32>
      %parallel_loop3A_774 = arith.ori %parallel_loop3A_773, %parallel_loop3A_742 : vector<16xi32>
      %parallel_loop3A_775 = arith.constant 1 : i32
      %parallel_loop3A_776 = vector.broadcast %parallel_loop3A_775 : i32 to vector<16xi32>
      %parallel_loop3A_777 = arith.shli %parallel_loop3A_748, %parallel_loop3A_776 : vector<16xi32>
      %parallel_loop3A_778 = arith.ori %parallel_loop3A_777, %parallel_loop3A_754 : vector<16xi32>
      %parallel_loop3A_779 = arith.constant 1 : i32
      %parallel_loop3A_780 = vector.broadcast %parallel_loop3A_779 : i32 to vector<16xi32>
      %parallel_loop3A_781 = arith.shli %parallel_loop3A_760, %parallel_loop3A_780 : vector<16xi32>
      %parallel_loop3A_782 = arith.ori %parallel_loop3A_781, %parallel_loop3A_766 : vector<16xi32>
      %parallel_loop3A_783 = arith.constant 6 : i32
      %parallel_loop3A_784 = vector.broadcast %parallel_loop3A_783 : i32 to vector<16xi32>
      %parallel_loop3A_785 = arith.shli %parallel_loop3A_770, %parallel_loop3A_784 : vector<16xi32>
      %parallel_loop3A_786 = arith.constant 4 : i32
      %parallel_loop3A_787 = vector.broadcast %parallel_loop3A_786 : i32 to vector<16xi32>
      %parallel_loop3A_788 = arith.shli %parallel_loop3A_774, %parallel_loop3A_787 : vector<16xi32>
      %parallel_loop3A_789 = arith.ori %parallel_loop3A_785, %parallel_loop3A_788 : vector<16xi32>
      %parallel_loop3A_790 = arith.constant 2 : i32
      %parallel_loop3A_791 = vector.broadcast %parallel_loop3A_790 : i32 to vector<16xi32>
      %parallel_loop3A_792 = arith.shli %parallel_loop3A_778, %parallel_loop3A_791 : vector<16xi32>
      %parallel_loop3A_793 = arith.ori %parallel_loop3A_792, %parallel_loop3A_782 : vector<16xi32>
      %parallel_loop3A_794 = arith.ori %parallel_loop3A_789, %parallel_loop3A_793 : vector<16xi32>
      %parallel_loop3A_795 = arith.constant 7 : i32
      %parallel_loop3A_796 = vector.broadcast %parallel_loop3A_795 : i32 to vector<16xi32>
      %parallel_loop3A_797 = arith.shrsi %parallel_loop3A_794, %parallel_loop3A_796 : vector<16xi32>
      %parallel_loop3A_798 = arith.constant 7 : i32
      %parallel_loop3A_799 = vector.broadcast %parallel_loop3A_798 : i32 to vector<16xi32>
      %parallel_loop3A_800 = arith.shli %parallel_loop3A_797, %parallel_loop3A_799 : vector<16xi32>
      %parallel_loop3A_801 = arith.addi %parallel_loop3A_794, %parallel_loop3A_800 : vector<16xi32>
      %parallel_loop3A_802 = tpu.vector_load_idx %arg6[%parallel_loop3A_801] : memref<512xf32, #tpu.memory_space<vmem>>[vector<16xi32>], vector<16xf32>,
      %parallel_loop3A_803 = arith.constant 48 : i32
      %parallel_loop3A_804 = arith.addi %parallel_loop3A_424, %parallel_loop3A_803 : i32
      %parallel_loop3A_805 = arith.index_cast %parallel_loop3A_804 : i32 to index
      %parallel_loop3A_806 = tpu.vector_load %arg7[%parallel_loop3A_805] {strides = array<i32>} : memref<16384xf32, #tpu.memory_space<vmem>>, vector<16xf32>,
      tpu.vector_store %arg7[%parallel_loop3A_805], %parallel_loop3A_802 {strides = array<i32>} : memref<16384xf32, #tpu.memory_space<vmem>>, vector<16xf32>,
      %parallel_loop3A_807 = arith.constant 128 : i32
      %parallel_loop3A_808 = vector.broadcast %parallel_loop3A_807 : i32 to vector<16xi32>
      %parallel_loop3A_809 = arith.addi %parallel_loop3A_801, %parallel_loop3A_808 : vector<16xi32>
      %parallel_loop3A_810 = tpu.vector_load_idx %arg6[%parallel_loop3A_809] : memref<512xf32, #tpu.memory_space<vmem>>[vector<16xi32>], vector<16xf32>,
      %parallel_loop3A_811 = arith.constant 128 : i32
      %parallel_loop3A_812 = arith.addi %parallel_loop3A_424, %parallel_loop3A_811 : i32
      %parallel_loop3A_813 = arith.constant 48 : i32
      %parallel_loop3A_814 = arith.addi %parallel_loop3A_812, %parallel_loop3A_813 : i32
      %parallel_loop3A_815 = arith.index_cast %parallel_loop3A_814 : i32 to index
      %parallel_loop3A_816 = tpu.vector_load %arg7[%parallel_loop3A_815] {strides = array<i32>} : memref<16384xf32, #tpu.memory_space<vmem>>, vector<16xf32>,
      tpu.vector_store %arg7[%parallel_loop3A_815], %parallel_loop3A_810 {strides = array<i32>} : memref<16384xf32, #tpu.memory_space<vmem>>, vector<16xf32>,
    } {sc.loop_unroll_factor = 2 : i64, sc.parallel_access}
    %add3A_369 = arith.constant 0 : i32
    %add3A_370 = arith.addi %mul3A_361, %add3A_369 : i32
    %dma_start3A_371 = arith.constant 0 : i32
    %dma_start3A_372 = tpu.memref_slice %arg7[%dma_start3A_371] : memref<16384xf32, #tpu.memory_space<vmem>> -> memref<8192xf32, #tpu.memory_space<vmem>>
    %dma_start3A_373 = tpu.memref_slice %arg4[%add3A_370] : memref<524288xf32, #tpu.memory_space<hbm>> -> memref<8192xf32, #tpu.memory_space<hbm>>
    %dma_start3A_374 = tpu.memref_slice %arg4[%add3A_370] : memref<524288xf32, #tpu.memory_space<hbm>> -> memref<8192xf32, #tpu.memory_space<hbm>>
    %dma_start3A_375 = arith.constant 0 : i32
    %dma_start3A_376 = tpu.memref_slice %arg7[%dma_start3A_375] : memref<16384xf32, #tpu.memory_space<vmem>> -> memref<8192xf32, #tpu.memory_space<vmem>>
    tpu.enqueue_dma source(%dma_start3A_376 : memref<8192xf32, #tpu.memory_space<vmem>>) target(%dma_start3A_374 : memref<8192xf32, #tpu.memory_space<hbm>>) target_semaphore(%arg11 : memref<!tpu.dma_semaphore, #tpu.memory_space<semaphore_mem>>)
    %dma_wait3A_377 = arith.constant 32768 : i32
    %dma_wait3A_378 = tpu.memref_slice %arg5[%dma_wait3A_377] : memref<65536xi32, #tpu.memory_space<vmem>> -> memref<32768xi32, #tpu.memory_space<vmem>>
    %dma_wait3A_379 = tpu.memref_slice %arg2[%add3A_11] : memref<2097152xi32, #tpu.memory_space<hbm>> -> memref<32768xi32, #tpu.memory_space<hbm>>
    %dma_wait3A_380 = arith.constant 32768 : i32
    %dma_wait3A_381 = tpu.memref_slice %arg5[%dma_wait3A_380] : memref<65536xi32, #tpu.memory_space<vmem>> -> memref<32768xi32, #tpu.memory_space<vmem>>
    %dma_wait3A_382 = tpu.memref_slice %arg2[%add3A_11] : memref<2097152xi32, #tpu.memory_space<hbm>> -> memref<32768xi32, #tpu.memory_space<hbm>>
    tpu.wait_dma2 semaphore(%arg10 : memref<!tpu.dma_semaphore, #tpu.memory_space<semaphore_mem>>) src(%dma_wait3A_382 : memref<32768xi32, #tpu.memory_space<hbm>>) dst(%dma_wait3A_381 : memref<32768xi32, #tpu.memory_space<vmem>>)
    %parallel_loop3A_383 = arith.constant 64 : i32
    %parallel_loop3A_384 = arith.constant 128 : i32
    %parallel_loop3A_385 = arith.constant 1 : i32
    scf.for %parallel_loop3A_406 = %parallel_loop3A_383 to %parallel_loop3A_384 step %parallel_loop3A_385  : i32 {
      %parallel_loop3A_407 = arith.constant 1 : i32
      %parallel_loop3A_408 = arith.shrsi %parallel_loop3A_406, %parallel_loop3A_407 : i32
      %parallel_loop3A_409 = arith.constant 1024 : i32
      %parallel_loop3A_410 = arith.muli %parallel_loop3A_408, %parallel_loop3A_409 : i32
      %parallel_loop3A_411 = arith.constant 1 : i32
      %parallel_loop3A_412 = arith.andi %parallel_loop3A_406, %parallel_loop3A_411 : i32
      %parallel_loop3A_413 = arith.constant 64 : i32
      %parallel_loop3A_414 = arith.muli %parallel_loop3A_412, %parallel_loop3A_413 : i32
      %parallel_loop3A_415 = arith.addi %parallel_loop3A_410, %parallel_loop3A_414 : i32
      %parallel_loop3A_416 = arith.constant 1 : i32
      %parallel_loop3A_417 = arith.shrsi %parallel_loop3A_406, %parallel_loop3A_416 : i32
      %parallel_loop3A_418 = arith.constant 256 : i32
      %parallel_loop3A_419 = arith.muli %parallel_loop3A_417, %parallel_loop3A_418 : i32
      %parallel_loop3A_420 = arith.constant 1 : i32
      %parallel_loop3A_421 = arith.andi %parallel_loop3A_406, %parallel_loop3A_420 : i32
      %parallel_loop3A_422 = arith.constant 64 : i32
      %parallel_loop3A_423 = arith.muli %parallel_loop3A_421, %parallel_loop3A_422 : i32
      %parallel_loop3A_424 = arith.addi %parallel_loop3A_419, %parallel_loop3A_423 : i32
      %parallel_loop3A_425 = arith.constant 0 : i32
      %parallel_loop3A_426 = arith.addi %parallel_loop3A_415, %parallel_loop3A_425 : i32
      %parallel_loop3A_427 = arith.constant 0 : i32
      %parallel_loop3A_428 = arith.addi %parallel_loop3A_426, %parallel_loop3A_427 : i32
      %parallel_loop3A_429 = arith.index_cast %parallel_loop3A_428 : i32 to index
      %parallel_loop3A_430 = tpu.vector_load %arg5[%parallel_loop3A_429] {strides = array<i32>} : memref<65536xi32, #tpu.memory_space<vmem>>, vector<16xi32>,
      %parallel_loop3A_431 = arith.constant 128 : i32
      %parallel_loop3A_432 = arith.addi %parallel_loop3A_415, %parallel_loop3A_431 : i32
      %parallel_loop3A_433 = arith.constant 0 : i32
      %parallel_loop3A_434 = arith.addi %parallel_loop3A_432, %parallel_loop3A_433 : i32
      %parallel_loop3A_435 = arith.index_cast %parallel_loop3A_434 : i32 to index
      %parallel_loop3A_436 = tpu.vector_load %arg5[%parallel_loop3A_435] {strides = array<i32>} : memref<65536xi32, #tpu.memory_space<vmem>>, vector<16xi32>,
      %parallel_loop3A_437 = arith.constant 256 : i32
      %parallel_loop3A_438 = arith.addi %parallel_loop3A_415, %parallel_loop3A_437 : i32
      %parallel_loop3A_439 = arith.constant 0 : i32
      %parallel_loop3A_440 = arith.addi %parallel_loop3A_438, %parallel_loop3A_439 : i32
      %parallel_loop3A_441 = arith.index_cast %parallel_loop3A_440 : i32 to index
      %parallel_loop3A_442 = tpu.vector_load %arg5[%parallel_loop3A_441] {strides = array<i32>} : memref<65536xi32, #tpu.memory_space<vmem>>, vector<16xi32>,
      %parallel_loop3A_443 = arith.constant 384 : i32
      %parallel_loop3A_444 = arith.addi %parallel_loop3A_415, %parallel_loop3A_443 : i32
      %parallel_loop3A_445 = arith.constant 0 : i32
      %parallel_loop3A_446 = arith.addi %parallel_loop3A_444, %parallel_loop3A_445 : i32
      %parallel_loop3A_447 = arith.index_cast %parallel_loop3A_446 : i32 to index
      %parallel_loop3A_448 = tpu.vector_load %arg5[%parallel_loop3A_447] {strides = array<i32>} : memref<65536xi32, #tpu.memory_space<vmem>>, vector<16xi32>,
      %parallel_loop3A_449 = arith.constant 512 : i32
      %parallel_loop3A_450 = arith.addi %parallel_loop3A_415, %parallel_loop3A_449 : i32
      %parallel_loop3A_451 = arith.constant 0 : i32
      %parallel_loop3A_452 = arith.addi %parallel_loop3A_450, %parallel_loop3A_451 : i32
      %parallel_loop3A_453 = arith.index_cast %parallel_loop3A_452 : i32 to index
      %parallel_loop3A_454 = tpu.vector_load %arg5[%parallel_loop3A_453] {strides = array<i32>} : memref<65536xi32, #tpu.memory_space<vmem>>, vector<16xi32>,
      %parallel_loop3A_455 = arith.constant 640 : i32
      %parallel_loop3A_456 = arith.addi %parallel_loop3A_415, %parallel_loop3A_455 : i32
      %parallel_loop3A_457 = arith.constant 0 : i32
      %parallel_loop3A_458 = arith.addi %parallel_loop3A_456, %parallel_loop3A_457 : i32
      %parallel_loop3A_459 = arith.index_cast %parallel_loop3A_458 : i32 to index
      %parallel_loop3A_460 = tpu.vector_load %arg5[%parallel_loop3A_459] {strides = array<i32>} : memref<65536xi32, #tpu.memory_space<vmem>>, vector<16xi32>,
      %parallel_loop3A_461 = arith.constant 768 : i32
      %parallel_loop3A_462 = arith.addi %parallel_loop3A_415, %parallel_loop3A_461 : i32
      %parallel_loop3A_463 = arith.constant 0 : i32
      %parallel_loop3A_464 = arith.addi %parallel_loop3A_462, %parallel_loop3A_463 : i32
      %parallel_loop3A_465 = arith.index_cast %parallel_loop3A_464 : i32 to index
      %parallel_loop3A_466 = tpu.vector_load %arg5[%parallel_loop3A_465] {strides = array<i32>} : memref<65536xi32, #tpu.memory_space<vmem>>, vector<16xi32>,
      %parallel_loop3A_467 = arith.constant 896 : i32
      %parallel_loop3A_468 = arith.addi %parallel_loop3A_415, %parallel_loop3A_467 : i32
      %parallel_loop3A_469 = arith.constant 0 : i32
      %parallel_loop3A_470 = arith.addi %parallel_loop3A_468, %parallel_loop3A_469 : i32
      %parallel_loop3A_471 = arith.index_cast %parallel_loop3A_470 : i32 to index
      %parallel_loop3A_472 = tpu.vector_load %arg5[%parallel_loop3A_471] {strides = array<i32>} : memref<65536xi32, #tpu.memory_space<vmem>>, vector<16xi32>,
      %parallel_loop3A_473 = arith.constant 1 : i32
      %parallel_loop3A_474 = vector.broadcast %parallel_loop3A_473 : i32 to vector<16xi32>
      %parallel_loop3A_475 = arith.shli %parallel_loop3A_430, %parallel_loop3A_474 : vector<16xi32>
      %parallel_loop3A_476 = arith.ori %parallel_loop3A_475, %parallel_loop3A_436 : vector<16xi32>
      %parallel_loop3A_477 = arith.constant 1 : i32
      %parallel_loop3A_478 = vector.broadcast %parallel_loop3A_477 : i32 to vector<16xi32>
      %parallel_loop3A_479 = arith.shli %parallel_loop3A_442, %parallel_loop3A_478 : vector<16xi32>
      %parallel_loop3A_480 = arith.ori %parallel_loop3A_479, %parallel_loop3A_448 : vector<16xi32>
      %parallel_loop3A_481 = arith.constant 1 : i32
      %parallel_loop3A_482 = vector.broadcast %parallel_loop3A_481 : i32 to vector<16xi32>
      %parallel_loop3A_483 = arith.shli %parallel_loop3A_454, %parallel_loop3A_482 : vector<16xi32>
      %parallel_loop3A_484 = arith.ori %parallel_loop3A_483, %parallel_loop3A_460 : vector<16xi32>
      %parallel_loop3A_485 = arith.constant 1 : i32
      %parallel_loop3A_486 = vector.broadcast %parallel_loop3A_485 : i32 to vector<16xi32>
      %parallel_loop3A_487 = arith.shli %parallel_loop3A_466, %parallel_loop3A_486 : vector<16xi32>
      %parallel_loop3A_488 = arith.ori %parallel_loop3A_487, %parallel_loop3A_472 : vector<16xi32>
      %parallel_loop3A_489 = arith.constant 6 : i32
      %parallel_loop3A_490 = vector.broadcast %parallel_loop3A_489 : i32 to vector<16xi32>
      %parallel_loop3A_491 = arith.shli %parallel_loop3A_476, %parallel_loop3A_490 : vector<16xi32>
      %parallel_loop3A_492 = arith.constant 4 : i32
      %parallel_loop3A_493 = vector.broadcast %parallel_loop3A_492 : i32 to vector<16xi32>
      %parallel_loop3A_494 = arith.shli %parallel_loop3A_480, %parallel_loop3A_493 : vector<16xi32>
      %parallel_loop3A_495 = arith.ori %parallel_loop3A_491, %parallel_loop3A_494 : vector<16xi32>
      %parallel_loop3A_496 = arith.constant 2 : i32
      %parallel_loop3A_497 = vector.broadcast %parallel_loop3A_496 : i32 to vector<16xi32>
      %parallel_loop3A_498 = arith.shli %parallel_loop3A_484, %parallel_loop3A_497 : vector<16xi32>
      %parallel_loop3A_499 = arith.ori %parallel_loop3A_498, %parallel_loop3A_488 : vector<16xi32>
      %parallel_loop3A_500 = arith.ori %parallel_loop3A_495, %parallel_loop3A_499 : vector<16xi32>
      %parallel_loop3A_501 = arith.constant 7 : i32
      %parallel_loop3A_502 = vector.broadcast %parallel_loop3A_501 : i32 to vector<16xi32>
      %parallel_loop3A_503 = arith.shrsi %parallel_loop3A_500, %parallel_loop3A_502 : vector<16xi32>
      %parallel_loop3A_504 = arith.constant 7 : i32
      %parallel_loop3A_505 = vector.broadcast %parallel_loop3A_504 : i32 to vector<16xi32>
      %parallel_loop3A_506 = arith.shli %parallel_loop3A_503, %parallel_loop3A_505 : vector<16xi32>
      %parallel_loop3A_507 = arith.addi %parallel_loop3A_500, %parallel_loop3A_506 : vector<16xi32>
      %parallel_loop3A_508 = tpu.vector_load_idx %arg6[%parallel_loop3A_507] : memref<512xf32, #tpu.memory_space<vmem>>[vector<16xi32>], vector<16xf32>,
      %parallel_loop3A_509 = arith.constant 0 : i32
      %parallel_loop3A_510 = arith.addi %parallel_loop3A_424, %parallel_loop3A_509 : i32
      %parallel_loop3A_511 = arith.index_cast %parallel_loop3A_510 : i32 to index
      %parallel_loop3A_512 = tpu.vector_load %arg7[%parallel_loop3A_511] {strides = array<i32>} : memref<16384xf32, #tpu.memory_space<vmem>>, vector<16xf32>,
      tpu.vector_store %arg7[%parallel_loop3A_511], %parallel_loop3A_508 {strides = array<i32>} : memref<16384xf32, #tpu.memory_space<vmem>>, vector<16xf32>,
      %parallel_loop3A_513 = arith.constant 128 : i32
      %parallel_loop3A_514 = vector.broadcast %parallel_loop3A_513 : i32 to vector<16xi32>
      %parallel_loop3A_515 = arith.addi %parallel_loop3A_507, %parallel_loop3A_514 : vector<16xi32>
      %parallel_loop3A_516 = tpu.vector_load_idx %arg6[%parallel_loop3A_515] : memref<512xf32, #tpu.memory_space<vmem>>[vector<16xi32>], vector<16xf32>,
      %parallel_loop3A_517 = arith.constant 128 : i32
      %parallel_loop3A_518 = arith.addi %parallel_loop3A_424, %parallel_loop3A_517 : i32
      %parallel_loop3A_519 = arith.constant 0 : i32
      %parallel_loop3A_520 = arith.addi %parallel_loop3A_518, %parallel_loop3A_519 : i32
      %parallel_loop3A_521 = arith.index_cast %parallel_loop3A_520 : i32 to index
      %parallel_loop3A_522 = tpu.vector_load %arg7[%parallel_loop3A_521] {strides = array<i32>} : memref<16384xf32, #tpu.memory_space<vmem>>, vector<16xf32>,
      tpu.vector_store %arg7[%parallel_loop3A_521], %parallel_loop3A_516 {strides = array<i32>} : memref<16384xf32, #tpu.memory_space<vmem>>, vector<16xf32>,
      %parallel_loop3A_523 = arith.constant 0 : i32
      %parallel_loop3A_524 = arith.addi %parallel_loop3A_415, %parallel_loop3A_523 : i32
      %parallel_loop3A_525 = arith.constant 16 : i32
      %parallel_loop3A_526 = arith.addi %parallel_loop3A_524, %parallel_loop3A_525 : i32
      %parallel_loop3A_527 = arith.index_cast %parallel_loop3A_526 : i32 to index
      %parallel_loop3A_528 = tpu.vector_load %arg5[%parallel_loop3A_527] {strides = array<i32>} : memref<65536xi32, #tpu.memory_space<vmem>>, vector<16xi32>,
      %parallel_loop3A_529 = arith.constant 128 : i32
      %parallel_loop3A_530 = arith.addi %parallel_loop3A_415, %parallel_loop3A_529 : i32
      %parallel_loop3A_531 = arith.constant 16 : i32
      %parallel_loop3A_532 = arith.addi %parallel_loop3A_530, %parallel_loop3A_531 : i32
      %parallel_loop3A_533 = arith.index_cast %parallel_loop3A_532 : i32 to index
      %parallel_loop3A_534 = tpu.vector_load %arg5[%parallel_loop3A_533] {strides = array<i32>} : memref<65536xi32, #tpu.memory_space<vmem>>, vector<16xi32>,
      %parallel_loop3A_535 = arith.constant 256 : i32
      %parallel_loop3A_536 = arith.addi %parallel_loop3A_415, %parallel_loop3A_535 : i32
      %parallel_loop3A_537 = arith.constant 16 : i32
      %parallel_loop3A_538 = arith.addi %parallel_loop3A_536, %parallel_loop3A_537 : i32
      %parallel_loop3A_539 = arith.index_cast %parallel_loop3A_538 : i32 to index
      %parallel_loop3A_540 = tpu.vector_load %arg5[%parallel_loop3A_539] {strides = array<i32>} : memref<65536xi32, #tpu.memory_space<vmem>>, vector<16xi32>,
      %parallel_loop3A_541 = arith.constant 384 : i32
      %parallel_loop3A_542 = arith.addi %parallel_loop3A_415, %parallel_loop3A_541 : i32
      %parallel_loop3A_543 = arith.constant 16 : i32
      %parallel_loop3A_544 = arith.addi %parallel_loop3A_542, %parallel_loop3A_543 : i32
      %parallel_loop3A_545 = arith.index_cast %parallel_loop3A_544 : i32 to index
      %parallel_loop3A_546 = tpu.vector_load %arg5[%parallel_loop3A_545] {strides = array<i32>} : memref<65536xi32, #tpu.memory_space<vmem>>, vector<16xi32>,
      %parallel_loop3A_547 = arith.constant 512 : i32
      %parallel_loop3A_548 = arith.addi %parallel_loop3A_415, %parallel_loop3A_547 : i32
      %parallel_loop3A_549 = arith.constant 16 : i32
      %parallel_loop3A_550 = arith.addi %parallel_loop3A_548, %parallel_loop3A_549 : i32
      %parallel_loop3A_551 = arith.index_cast %parallel_loop3A_550 : i32 to index
      %parallel_loop3A_552 = tpu.vector_load %arg5[%parallel_loop3A_551] {strides = array<i32>} : memref<65536xi32, #tpu.memory_space<vmem>>, vector<16xi32>,
      %parallel_loop3A_553 = arith.constant 640 : i32
      %parallel_loop3A_554 = arith.addi %parallel_loop3A_415, %parallel_loop3A_553 : i32
      %parallel_loop3A_555 = arith.constant 16 : i32
      %parallel_loop3A_556 = arith.addi %parallel_loop3A_554, %parallel_loop3A_555 : i32
      %parallel_loop3A_557 = arith.index_cast %parallel_loop3A_556 : i32 to index
      %parallel_loop3A_558 = tpu.vector_load %arg5[%parallel_loop3A_557] {strides = array<i32>} : memref<65536xi32, #tpu.memory_space<vmem>>, vector<16xi32>,
      %parallel_loop3A_559 = arith.constant 768 : i32
      %parallel_loop3A_560 = arith.addi %parallel_loop3A_415, %parallel_loop3A_559 : i32
      %parallel_loop3A_561 = arith.constant 16 : i32
      %parallel_loop3A_562 = arith.addi %parallel_loop3A_560, %parallel_loop3A_561 : i32
      %parallel_loop3A_563 = arith.index_cast %parallel_loop3A_562 : i32 to index
      %parallel_loop3A_564 = tpu.vector_load %arg5[%parallel_loop3A_563] {strides = array<i32>} : memref<65536xi32, #tpu.memory_space<vmem>>, vector<16xi32>,
      %parallel_loop3A_565 = arith.constant 896 : i32
      %parallel_loop3A_566 = arith.addi %parallel_loop3A_415, %parallel_loop3A_565 : i32
      %parallel_loop3A_567 = arith.constant 16 : i32
      %parallel_loop3A_568 = arith.addi %parallel_loop3A_566, %parallel_loop3A_567 : i32
      %parallel_loop3A_569 = arith.index_cast %parallel_loop3A_568 : i32 to index
      %parallel_loop3A_570 = tpu.vector_load %arg5[%parallel_loop3A_569] {strides = array<i32>} : memref<65536xi32, #tpu.memory_space<vmem>>, vector<16xi32>,
      %parallel_loop3A_571 = arith.constant 1 : i32
      %parallel_loop3A_572 = vector.broadcast %parallel_loop3A_571 : i32 to vector<16xi32>
      %parallel_loop3A_573 = arith.shli %parallel_loop3A_528, %parallel_loop3A_572 : vector<16xi32>
      %parallel_loop3A_574 = arith.ori %parallel_loop3A_573, %parallel_loop3A_534 : vector<16xi32>
      %parallel_loop3A_575 = arith.constant 1 : i32
      %parallel_loop3A_576 = vector.broadcast %parallel_loop3A_575 : i32 to vector<16xi32>
      %parallel_loop3A_577 = arith.shli %parallel_loop3A_540, %parallel_loop3A_576 : vector<16xi32>
      %parallel_loop3A_578 = arith.ori %parallel_loop3A_577, %parallel_loop3A_546 : vector<16xi32>
      %parallel_loop3A_579 = arith.constant 1 : i32
      %parallel_loop3A_580 = vector.broadcast %parallel_loop3A_579 : i32 to vector<16xi32>
      %parallel_loop3A_581 = arith.shli %parallel_loop3A_552, %parallel_loop3A_580 : vector<16xi32>
      %parallel_loop3A_582 = arith.ori %parallel_loop3A_581, %parallel_loop3A_558 : vector<16xi32>
      %parallel_loop3A_583 = arith.constant 1 : i32
      %parallel_loop3A_584 = vector.broadcast %parallel_loop3A_583 : i32 to vector<16xi32>
      %parallel_loop3A_585 = arith.shli %parallel_loop3A_564, %parallel_loop3A_584 : vector<16xi32>
      %parallel_loop3A_586 = arith.ori %parallel_loop3A_585, %parallel_loop3A_570 : vector<16xi32>
      %parallel_loop3A_587 = arith.constant 6 : i32
      %parallel_loop3A_588 = vector.broadcast %parallel_loop3A_587 : i32 to vector<16xi32>
      %parallel_loop3A_589 = arith.shli %parallel_loop3A_574, %parallel_loop3A_588 : vector<16xi32>
      %parallel_loop3A_590 = arith.constant 4 : i32
      %parallel_loop3A_591 = vector.broadcast %parallel_loop3A_590 : i32 to vector<16xi32>
      %parallel_loop3A_592 = arith.shli %parallel_loop3A_578, %parallel_loop3A_591 : vector<16xi32>
      %parallel_loop3A_593 = arith.ori %parallel_loop3A_589, %parallel_loop3A_592 : vector<16xi32>
      %parallel_loop3A_594 = arith.constant 2 : i32
      %parallel_loop3A_595 = vector.broadcast %parallel_loop3A_594 : i32 to vector<16xi32>
      %parallel_loop3A_596 = arith.shli %parallel_loop3A_582, %parallel_loop3A_595 : vector<16xi32>
      %parallel_loop3A_597 = arith.ori %parallel_loop3A_596, %parallel_loop3A_586 : vector<16xi32>
      %parallel_loop3A_598 = arith.ori %parallel_loop3A_593, %parallel_loop3A_597 : vector<16xi32>
      %parallel_loop3A_599 = arith.constant 7 : i32
      %parallel_loop3A_600 = vector.broadcast %parallel_loop3A_599 : i32 to vector<16xi32>
      %parallel_loop3A_601 = arith.shrsi %parallel_loop3A_598, %parallel_loop3A_600 : vector<16xi32>
      %parallel_loop3A_602 = arith.constant 7 : i32
      %parallel_loop3A_603 = vector.broadcast %parallel_loop3A_602 : i32 to vector<16xi32>
      %parallel_loop3A_604 = arith.shli %parallel_loop3A_601, %parallel_loop3A_603 : vector<16xi32>
      %parallel_loop3A_605 = arith.addi %parallel_loop3A_598, %parallel_loop3A_604 : vector<16xi32>
      %parallel_loop3A_606 = tpu.vector_load_idx %arg6[%parallel_loop3A_605] : memref<512xf32, #tpu.memory_space<vmem>>[vector<16xi32>], vector<16xf32>,
      %parallel_loop3A_607 = arith.constant 16 : i32
      %parallel_loop3A_608 = arith.addi %parallel_loop3A_424, %parallel_loop3A_607 : i32
      %parallel_loop3A_609 = arith.index_cast %parallel_loop3A_608 : i32 to index
      %parallel_loop3A_610 = tpu.vector_load %arg7[%parallel_loop3A_609] {strides = array<i32>} : memref<16384xf32, #tpu.memory_space<vmem>>, vector<16xf32>,
      tpu.vector_store %arg7[%parallel_loop3A_609], %parallel_loop3A_606 {strides = array<i32>} : memref<16384xf32, #tpu.memory_space<vmem>>, vector<16xf32>,
      %parallel_loop3A_611 = arith.constant 128 : i32
      %parallel_loop3A_612 = vector.broadcast %parallel_loop3A_611 : i32 to vector<16xi32>
      %parallel_loop3A_613 = arith.addi %parallel_loop3A_605, %parallel_loop3A_612 : vector<16xi32>
      %parallel_loop3A_614 = tpu.vector_load_idx %arg6[%parallel_loop3A_613] : memref<512xf32, #tpu.memory_space<vmem>>[vector<16xi32>], vector<16xf32>,
      %parallel_loop3A_615 = arith.constant 128 : i32
      %parallel_loop3A_616 = arith.addi %parallel_loop3A_424, %parallel_loop3A_615 : i32
      %parallel_loop3A_617 = arith.constant 16 : i32
      %parallel_loop3A_618 = arith.addi %parallel_loop3A_616, %parallel_loop3A_617 : i32
      %parallel_loop3A_619 = arith.index_cast %parallel_loop3A_618 : i32 to index
      %parallel_loop3A_620 = tpu.vector_load %arg7[%parallel_loop3A_619] {strides = array<i32>} : memref<16384xf32, #tpu.memory_space<vmem>>, vector<16xf32>,
      tpu.vector_store %arg7[%parallel_loop3A_619], %parallel_loop3A_614 {strides = array<i32>} : memref<16384xf32, #tpu.memory_space<vmem>>, vector<16xf32>,
      %parallel_loop3A_621 = arith.constant 0 : i32
      %parallel_loop3A_622 = arith.addi %parallel_loop3A_415, %parallel_loop3A_621 : i32
      %parallel_loop3A_623 = arith.constant 32 : i32
      %parallel_loop3A_624 = arith.addi %parallel_loop3A_622, %parallel_loop3A_623 : i32
      %parallel_loop3A_625 = arith.index_cast %parallel_loop3A_624 : i32 to index
      %parallel_loop3A_626 = tpu.vector_load %arg5[%parallel_loop3A_625] {strides = array<i32>} : memref<65536xi32, #tpu.memory_space<vmem>>, vector<16xi32>,
      %parallel_loop3A_627 = arith.constant 128 : i32
      %parallel_loop3A_628 = arith.addi %parallel_loop3A_415, %parallel_loop3A_627 : i32
      %parallel_loop3A_629 = arith.constant 32 : i32
      %parallel_loop3A_630 = arith.addi %parallel_loop3A_628, %parallel_loop3A_629 : i32
      %parallel_loop3A_631 = arith.index_cast %parallel_loop3A_630 : i32 to index
      %parallel_loop3A_632 = tpu.vector_load %arg5[%parallel_loop3A_631] {strides = array<i32>} : memref<65536xi32, #tpu.memory_space<vmem>>, vector<16xi32>,
      %parallel_loop3A_633 = arith.constant 256 : i32
      %parallel_loop3A_634 = arith.addi %parallel_loop3A_415, %parallel_loop3A_633 : i32
      %parallel_loop3A_635 = arith.constant 32 : i32
      %parallel_loop3A_636 = arith.addi %parallel_loop3A_634, %parallel_loop3A_635 : i32
      %parallel_loop3A_637 = arith.index_cast %parallel_loop3A_636 : i32 to index
      %parallel_loop3A_638 = tpu.vector_load %arg5[%parallel_loop3A_637] {strides = array<i32>} : memref<65536xi32, #tpu.memory_space<vmem>>, vector<16xi32>,
      %parallel_loop3A_639 = arith.constant 384 : i32
      %parallel_loop3A_640 = arith.addi %parallel_loop3A_415, %parallel_loop3A_639 : i32
      %parallel_loop3A_641 = arith.constant 32 : i32
      %parallel_loop3A_642 = arith.addi %parallel_loop3A_640, %parallel_loop3A_641 : i32
      %parallel_loop3A_643 = arith.index_cast %parallel_loop3A_642 : i32 to index
      %parallel_loop3A_644 = tpu.vector_load %arg5[%parallel_loop3A_643] {strides = array<i32>} : memref<65536xi32, #tpu.memory_space<vmem>>, vector<16xi32>,
      %parallel_loop3A_645 = arith.constant 512 : i32
      %parallel_loop3A_646 = arith.addi %parallel_loop3A_415, %parallel_loop3A_645 : i32
      %parallel_loop3A_647 = arith.constant 32 : i32
      %parallel_loop3A_648 = arith.addi %parallel_loop3A_646, %parallel_loop3A_647 : i32
      %parallel_loop3A_649 = arith.index_cast %parallel_loop3A_648 : i32 to index
      %parallel_loop3A_650 = tpu.vector_load %arg5[%parallel_loop3A_649] {strides = array<i32>} : memref<65536xi32, #tpu.memory_space<vmem>>, vector<16xi32>,
      %parallel_loop3A_651 = arith.constant 640 : i32
      %parallel_loop3A_652 = arith.addi %parallel_loop3A_415, %parallel_loop3A_651 : i32
      %parallel_loop3A_653 = arith.constant 32 : i32
      %parallel_loop3A_654 = arith.addi %parallel_loop3A_652, %parallel_loop3A_653 : i32
      %parallel_loop3A_655 = arith.index_cast %parallel_loop3A_654 : i32 to index
      %parallel_loop3A_656 = tpu.vector_load %arg5[%parallel_loop3A_655] {strides = array<i32>} : memref<65536xi32, #tpu.memory_space<vmem>>, vector<16xi32>,
      %parallel_loop3A_657 = arith.constant 768 : i32
      %parallel_loop3A_658 = arith.addi %parallel_loop3A_415, %parallel_loop3A_657 : i32
      %parallel_loop3A_659 = arith.constant 32 : i32
      %parallel_loop3A_660 = arith.addi %parallel_loop3A_658, %parallel_loop3A_659 : i32
      %parallel_loop3A_661 = arith.index_cast %parallel_loop3A_660 : i32 to index
      %parallel_loop3A_662 = tpu.vector_load %arg5[%parallel_loop3A_661] {strides = array<i32>} : memref<65536xi32, #tpu.memory_space<vmem>>, vector<16xi32>,
      %parallel_loop3A_663 = arith.constant 896 : i32
      %parallel_loop3A_664 = arith.addi %parallel_loop3A_415, %parallel_loop3A_663 : i32
      %parallel_loop3A_665 = arith.constant 32 : i32
      %parallel_loop3A_666 = arith.addi %parallel_loop3A_664, %parallel_loop3A_665 : i32
      %parallel_loop3A_667 = arith.index_cast %parallel_loop3A_666 : i32 to index
      %parallel_loop3A_668 = tpu.vector_load %arg5[%parallel_loop3A_667] {strides = array<i32>} : memref<65536xi32, #tpu.memory_space<vmem>>, vector<16xi32>,
      %parallel_loop3A_669 = arith.constant 1 : i32
      %parallel_loop3A_670 = vector.broadcast %parallel_loop3A_669 : i32 to vector<16xi32>
      %parallel_loop3A_671 = arith.shli %parallel_loop3A_626, %parallel_loop3A_670 : vector<16xi32>
      %parallel_loop3A_672 = arith.ori %parallel_loop3A_671, %parallel_loop3A_632 : vector<16xi32>
      %parallel_loop3A_673 = arith.constant 1 : i32
      %parallel_loop3A_674 = vector.broadcast %parallel_loop3A_673 : i32 to vector<16xi32>
      %parallel_loop3A_675 = arith.shli %parallel_loop3A_638, %parallel_loop3A_674 : vector<16xi32>
      %parallel_loop3A_676 = arith.ori %parallel_loop3A_675, %parallel_loop3A_644 : vector<16xi32>
      %parallel_loop3A_677 = arith.constant 1 : i32
      %parallel_loop3A_678 = vector.broadcast %parallel_loop3A_677 : i32 to vector<16xi32>
      %parallel_loop3A_679 = arith.shli %parallel_loop3A_650, %parallel_loop3A_678 : vector<16xi32>
      %parallel_loop3A_680 = arith.ori %parallel_loop3A_679, %parallel_loop3A_656 : vector<16xi32>
      %parallel_loop3A_681 = arith.constant 1 : i32
      %parallel_loop3A_682 = vector.broadcast %parallel_loop3A_681 : i32 to vector<16xi32>
      %parallel_loop3A_683 = arith.shli %parallel_loop3A_662, %parallel_loop3A_682 : vector<16xi32>
      %parallel_loop3A_684 = arith.ori %parallel_loop3A_683, %parallel_loop3A_668 : vector<16xi32>
      %parallel_loop3A_685 = arith.constant 6 : i32
      %parallel_loop3A_686 = vector.broadcast %parallel_loop3A_685 : i32 to vector<16xi32>
      %parallel_loop3A_687 = arith.shli %parallel_loop3A_672, %parallel_loop3A_686 : vector<16xi32>
      %parallel_loop3A_688 = arith.constant 4 : i32
      %parallel_loop3A_689 = vector.broadcast %parallel_loop3A_688 : i32 to vector<16xi32>
      %parallel_loop3A_690 = arith.shli %parallel_loop3A_676, %parallel_loop3A_689 : vector<16xi32>
      %parallel_loop3A_691 = arith.ori %parallel_loop3A_687, %parallel_loop3A_690 : vector<16xi32>
      %parallel_loop3A_692 = arith.constant 2 : i32
      %parallel_loop3A_693 = vector.broadcast %parallel_loop3A_692 : i32 to vector<16xi32>
      %parallel_loop3A_694 = arith.shli %parallel_loop3A_680, %parallel_loop3A_693 : vector<16xi32>
      %parallel_loop3A_695 = arith.ori %parallel_loop3A_694, %parallel_loop3A_684 : vector<16xi32>
      %parallel_loop3A_696 = arith.ori %parallel_loop3A_691, %parallel_loop3A_695 : vector<16xi32>
      %parallel_loop3A_697 = arith.constant 7 : i32
      %parallel_loop3A_698 = vector.broadcast %parallel_loop3A_697 : i32 to vector<16xi32>
      %parallel_loop3A_699 = arith.shrsi %parallel_loop3A_696, %parallel_loop3A_698 : vector<16xi32>
      %parallel_loop3A_700 = arith.constant 7 : i32
      %parallel_loop3A_701 = vector.broadcast %parallel_loop3A_700 : i32 to vector<16xi32>
      %parallel_loop3A_702 = arith.shli %parallel_loop3A_699, %parallel_loop3A_701 : vector<16xi32>
      %parallel_loop3A_703 = arith.addi %parallel_loop3A_696, %parallel_loop3A_702 : vector<16xi32>
      %parallel_loop3A_704 = tpu.vector_load_idx %arg6[%parallel_loop3A_703] : memref<512xf32, #tpu.memory_space<vmem>>[vector<16xi32>], vector<16xf32>,
      %parallel_loop3A_705 = arith.constant 32 : i32
      %parallel_loop3A_706 = arith.addi %parallel_loop3A_424, %parallel_loop3A_705 : i32
      %parallel_loop3A_707 = arith.index_cast %parallel_loop3A_706 : i32 to index
      %parallel_loop3A_708 = tpu.vector_load %arg7[%parallel_loop3A_707] {strides = array<i32>} : memref<16384xf32, #tpu.memory_space<vmem>>, vector<16xf32>,
      tpu.vector_store %arg7[%parallel_loop3A_707], %parallel_loop3A_704 {strides = array<i32>} : memref<16384xf32, #tpu.memory_space<vmem>>, vector<16xf32>,
      %parallel_loop3A_709 = arith.constant 128 : i32
      %parallel_loop3A_710 = vector.broadcast %parallel_loop3A_709 : i32 to vector<16xi32>
      %parallel_loop3A_711 = arith.addi %parallel_loop3A_703, %parallel_loop3A_710 : vector<16xi32>
      %parallel_loop3A_712 = tpu.vector_load_idx %arg6[%parallel_loop3A_711] : memref<512xf32, #tpu.memory_space<vmem>>[vector<16xi32>], vector<16xf32>,
      %parallel_loop3A_713 = arith.constant 128 : i32
      %parallel_loop3A_714 = arith.addi %parallel_loop3A_424, %parallel_loop3A_713 : i32
      %parallel_loop3A_715 = arith.constant 32 : i32
      %parallel_loop3A_716 = arith.addi %parallel_loop3A_714, %parallel_loop3A_715 : i32
      %parallel_loop3A_717 = arith.index_cast %parallel_loop3A_716 : i32 to index
      %parallel_loop3A_718 = tpu.vector_load %arg7[%parallel_loop3A_717] {strides = array<i32>} : memref<16384xf32, #tpu.memory_space<vmem>>, vector<16xf32>,
      tpu.vector_store %arg7[%parallel_loop3A_717], %parallel_loop3A_712 {strides = array<i32>} : memref<16384xf32, #tpu.memory_space<vmem>>, vector<16xf32>,
      %parallel_loop3A_719 = arith.constant 0 : i32
      %parallel_loop3A_720 = arith.addi %parallel_loop3A_415, %parallel_loop3A_719 : i32
      %parallel_loop3A_721 = arith.constant 48 : i32
      %parallel_loop3A_722 = arith.addi %parallel_loop3A_720, %parallel_loop3A_721 : i32
      %parallel_loop3A_723 = arith.index_cast %parallel_loop3A_722 : i32 to index
      %parallel_loop3A_724 = tpu.vector_load %arg5[%parallel_loop3A_723] {strides = array<i32>} : memref<65536xi32, #tpu.memory_space<vmem>>, vector<16xi32>,
      %parallel_loop3A_725 = arith.constant 128 : i32
      %parallel_loop3A_726 = arith.addi %parallel_loop3A_415, %parallel_loop3A_725 : i32
      %parallel_loop3A_727 = arith.constant 48 : i32
      %parallel_loop3A_728 = arith.addi %parallel_loop3A_726, %parallel_loop3A_727 : i32
      %parallel_loop3A_729 = arith.index_cast %parallel_loop3A_728 : i32 to index
      %parallel_loop3A_730 = tpu.vector_load %arg5[%parallel_loop3A_729] {strides = array<i32>} : memref<65536xi32, #tpu.memory_space<vmem>>, vector<16xi32>,
      %parallel_loop3A_731 = arith.constant 256 : i32
      %parallel_loop3A_732 = arith.addi %parallel_loop3A_415, %parallel_loop3A_731 : i32
      %parallel_loop3A_733 = arith.constant 48 : i32
      %parallel_loop3A_734 = arith.addi %parallel_loop3A_732, %parallel_loop3A_733 : i32
      %parallel_loop3A_735 = arith.index_cast %parallel_loop3A_734 : i32 to index
      %parallel_loop3A_736 = tpu.vector_load %arg5[%parallel_loop3A_735] {strides = array<i32>} : memref<65536xi32, #tpu.memory_space<vmem>>, vector<16xi32>,
      %parallel_loop3A_737 = arith.constant 384 : i32
      %parallel_loop3A_738 = arith.addi %parallel_loop3A_415, %parallel_loop3A_737 : i32
      %parallel_loop3A_739 = arith.constant 48 : i32
      %parallel_loop3A_740 = arith.addi %parallel_loop3A_738, %parallel_loop3A_739 : i32
      %parallel_loop3A_741 = arith.index_cast %parallel_loop3A_740 : i32 to index
      %parallel_loop3A_742 = tpu.vector_load %arg5[%parallel_loop3A_741] {strides = array<i32>} : memref<65536xi32, #tpu.memory_space<vmem>>, vector<16xi32>,
      %parallel_loop3A_743 = arith.constant 512 : i32
      %parallel_loop3A_744 = arith.addi %parallel_loop3A_415, %parallel_loop3A_743 : i32
      %parallel_loop3A_745 = arith.constant 48 : i32
      %parallel_loop3A_746 = arith.addi %parallel_loop3A_744, %parallel_loop3A_745 : i32
      %parallel_loop3A_747 = arith.index_cast %parallel_loop3A_746 : i32 to index
      %parallel_loop3A_748 = tpu.vector_load %arg5[%parallel_loop3A_747] {strides = array<i32>} : memref<65536xi32, #tpu.memory_space<vmem>>, vector<16xi32>,
      %parallel_loop3A_749 = arith.constant 640 : i32
      %parallel_loop3A_750 = arith.addi %parallel_loop3A_415, %parallel_loop3A_749 : i32
      %parallel_loop3A_751 = arith.constant 48 : i32
      %parallel_loop3A_752 = arith.addi %parallel_loop3A_750, %parallel_loop3A_751 : i32
      %parallel_loop3A_753 = arith.index_cast %parallel_loop3A_752 : i32 to index
      %parallel_loop3A_754 = tpu.vector_load %arg5[%parallel_loop3A_753] {strides = array<i32>} : memref<65536xi32, #tpu.memory_space<vmem>>, vector<16xi32>,
      %parallel_loop3A_755 = arith.constant 768 : i32
      %parallel_loop3A_756 = arith.addi %parallel_loop3A_415, %parallel_loop3A_755 : i32
      %parallel_loop3A_757 = arith.constant 48 : i32
      %parallel_loop3A_758 = arith.addi %parallel_loop3A_756, %parallel_loop3A_757 : i32
      %parallel_loop3A_759 = arith.index_cast %parallel_loop3A_758 : i32 to index
      %parallel_loop3A_760 = tpu.vector_load %arg5[%parallel_loop3A_759] {strides = array<i32>} : memref<65536xi32, #tpu.memory_space<vmem>>, vector<16xi32>,
      %parallel_loop3A_761 = arith.constant 896 : i32
      %parallel_loop3A_762 = arith.addi %parallel_loop3A_415, %parallel_loop3A_761 : i32
      %parallel_loop3A_763 = arith.constant 48 : i32
      %parallel_loop3A_764 = arith.addi %parallel_loop3A_762, %parallel_loop3A_763 : i32
      %parallel_loop3A_765 = arith.index_cast %parallel_loop3A_764 : i32 to index
      %parallel_loop3A_766 = tpu.vector_load %arg5[%parallel_loop3A_765] {strides = array<i32>} : memref<65536xi32, #tpu.memory_space<vmem>>, vector<16xi32>,
      %parallel_loop3A_767 = arith.constant 1 : i32
      %parallel_loop3A_768 = vector.broadcast %parallel_loop3A_767 : i32 to vector<16xi32>
      %parallel_loop3A_769 = arith.shli %parallel_loop3A_724, %parallel_loop3A_768 : vector<16xi32>
      %parallel_loop3A_770 = arith.ori %parallel_loop3A_769, %parallel_loop3A_730 : vector<16xi32>
      %parallel_loop3A_771 = arith.constant 1 : i32
      %parallel_loop3A_772 = vector.broadcast %parallel_loop3A_771 : i32 to vector<16xi32>
      %parallel_loop3A_773 = arith.shli %parallel_loop3A_736, %parallel_loop3A_772 : vector<16xi32>
      %parallel_loop3A_774 = arith.ori %parallel_loop3A_773, %parallel_loop3A_742 : vector<16xi32>
      %parallel_loop3A_775 = arith.constant 1 : i32
      %parallel_loop3A_776 = vector.broadcast %parallel_loop3A_775 : i32 to vector<16xi32>
      %parallel_loop3A_777 = arith.shli %parallel_loop3A_748, %parallel_loop3A_776 : vector<16xi32>
      %parallel_loop3A_778 = arith.ori %parallel_loop3A_777, %parallel_loop3A_754 : vector<16xi32>
      %parallel_loop3A_779 = arith.constant 1 : i32
      %parallel_loop3A_780 = vector.broadcast %parallel_loop3A_779 : i32 to vector<16xi32>
      %parallel_loop3A_781 = arith.shli %parallel_loop3A_760, %parallel_loop3A_780 : vector<16xi32>
      %parallel_loop3A_782 = arith.ori %parallel_loop3A_781, %parallel_loop3A_766 : vector<16xi32>
      %parallel_loop3A_783 = arith.constant 6 : i32
      %parallel_loop3A_784 = vector.broadcast %parallel_loop3A_783 : i32 to vector<16xi32>
      %parallel_loop3A_785 = arith.shli %parallel_loop3A_770, %parallel_loop3A_784 : vector<16xi32>
      %parallel_loop3A_786 = arith.constant 4 : i32
      %parallel_loop3A_787 = vector.broadcast %parallel_loop3A_786 : i32 to vector<16xi32>
      %parallel_loop3A_788 = arith.shli %parallel_loop3A_774, %parallel_loop3A_787 : vector<16xi32>
      %parallel_loop3A_789 = arith.ori %parallel_loop3A_785, %parallel_loop3A_788 : vector<16xi32>
      %parallel_loop3A_790 = arith.constant 2 : i32
      %parallel_loop3A_791 = vector.broadcast %parallel_loop3A_790 : i32 to vector<16xi32>
      %parallel_loop3A_792 = arith.shli %parallel_loop3A_778, %parallel_loop3A_791 : vector<16xi32>
      %parallel_loop3A_793 = arith.ori %parallel_loop3A_792, %parallel_loop3A_782 : vector<16xi32>
      %parallel_loop3A_794 = arith.ori %parallel_loop3A_789, %parallel_loop3A_793 : vector<16xi32>
      %parallel_loop3A_795 = arith.constant 7 : i32
      %parallel_loop3A_796 = vector.broadcast %parallel_loop3A_795 : i32 to vector<16xi32>
      %parallel_loop3A_797 = arith.shrsi %parallel_loop3A_794, %parallel_loop3A_796 : vector<16xi32>
      %parallel_loop3A_798 = arith.constant 7 : i32
      %parallel_loop3A_799 = vector.broadcast %parallel_loop3A_798 : i32 to vector<16xi32>
      %parallel_loop3A_800 = arith.shli %parallel_loop3A_797, %parallel_loop3A_799 : vector<16xi32>
      %parallel_loop3A_801 = arith.addi %parallel_loop3A_794, %parallel_loop3A_800 : vector<16xi32>
      %parallel_loop3A_802 = tpu.vector_load_idx %arg6[%parallel_loop3A_801] : memref<512xf32, #tpu.memory_space<vmem>>[vector<16xi32>], vector<16xf32>,
      %parallel_loop3A_803 = arith.constant 48 : i32
      %parallel_loop3A_804 = arith.addi %parallel_loop3A_424, %parallel_loop3A_803 : i32
      %parallel_loop3A_805 = arith.index_cast %parallel_loop3A_804 : i32 to index
      %parallel_loop3A_806 = tpu.vector_load %arg7[%parallel_loop3A_805] {strides = array<i32>} : memref<16384xf32, #tpu.memory_space<vmem>>, vector<16xf32>,
      tpu.vector_store %arg7[%parallel_loop3A_805], %parallel_loop3A_802 {strides = array<i32>} : memref<16384xf32, #tpu.memory_space<vmem>>, vector<16xf32>,
      %parallel_loop3A_807 = arith.constant 128 : i32
      %parallel_loop3A_808 = vector.broadcast %parallel_loop3A_807 : i32 to vector<16xi32>
      %parallel_loop3A_809 = arith.addi %parallel_loop3A_801, %parallel_loop3A_808 : vector<16xi32>
      %parallel_loop3A_810 = tpu.vector_load_idx %arg6[%parallel_loop3A_809] : memref<512xf32, #tpu.memory_space<vmem>>[vector<16xi32>], vector<16xf32>,
      %parallel_loop3A_811 = arith.constant 128 : i32
      %parallel_loop3A_812 = arith.addi %parallel_loop3A_424, %parallel_loop3A_811 : i32
      %parallel_loop3A_813 = arith.constant 48 : i32
      %parallel_loop3A_814 = arith.addi %parallel_loop3A_812, %parallel_loop3A_813 : i32
      %parallel_loop3A_815 = arith.index_cast %parallel_loop3A_814 : i32 to index
      %parallel_loop3A_816 = tpu.vector_load %arg7[%parallel_loop3A_815] {strides = array<i32>} : memref<16384xf32, #tpu.memory_space<vmem>>, vector<16xf32>,
      tpu.vector_store %arg7[%parallel_loop3A_815], %parallel_loop3A_810 {strides = array<i32>} : memref<16384xf32, #tpu.memory_space<vmem>>, vector<16xf32>,
    } {sc.loop_unroll_factor = 2 : i64, sc.parallel_access}
    %add3A_386 = arith.constant 8192 : i32
    %add3A_387 = arith.addi %mul3A_361, %add3A_386 : i32
    %dma_start3A_388 = arith.constant 8192 : i32
    %dma_start3A_389 = tpu.memref_slice %arg7[%dma_start3A_388] : memref<16384xf32, #tpu.memory_space<vmem>> -> memref<8192xf32, #tpu.memory_space<vmem>>
    %dma_start3A_390 = tpu.memref_slice %arg4[%add3A_387] : memref<524288xf32, #tpu.memory_space<hbm>> -> memref<8192xf32, #tpu.memory_space<hbm>>
    %dma_start3A_391 = tpu.memref_slice %arg4[%add3A_387] : memref<524288xf32, #tpu.memory_space<hbm>> -> memref<8192xf32, #tpu.memory_space<hbm>>
    %dma_start3A_392 = arith.constant 8192 : i32
    %dma_start3A_393 = tpu.memref_slice %arg7[%dma_start3A_392] : memref<16384xf32, #tpu.memory_space<vmem>> -> memref<8192xf32, #tpu.memory_space<vmem>>
    tpu.enqueue_dma source(%dma_start3A_393 : memref<8192xf32, #tpu.memory_space<vmem>>) target(%dma_start3A_391 : memref<8192xf32, #tpu.memory_space<hbm>>) target_semaphore(%arg12 : memref<!tpu.dma_semaphore, #tpu.memory_space<semaphore_mem>>)
    %dma_wait3A_394 = arith.constant 0 : i32
    %dma_wait3A_395 = tpu.memref_slice %arg7[%dma_wait3A_394] : memref<16384xf32, #tpu.memory_space<vmem>> -> memref<8192xf32, #tpu.memory_space<vmem>>
    %dma_wait3A_396 = tpu.memref_slice %arg4[%add3A_370] : memref<524288xf32, #tpu.memory_space<hbm>> -> memref<8192xf32, #tpu.memory_space<hbm>>
    %dma_wait3A_397 = tpu.memref_slice %arg4[%add3A_370] : memref<524288xf32, #tpu.memory_space<hbm>> -> memref<8192xf32, #tpu.memory_space<hbm>>
    %dma_wait3A_398 = arith.constant 0 : i32
    %dma_wait3A_399 = tpu.memref_slice %arg7[%dma_wait3A_398] : memref<16384xf32, #tpu.memory_space<vmem>> -> memref<8192xf32, #tpu.memory_space<vmem>>
    tpu.wait_dma2 semaphore(%arg11 : memref<!tpu.dma_semaphore, #tpu.memory_space<semaphore_mem>>) src(%dma_wait3A_399 : memref<8192xf32, #tpu.memory_space<vmem>>) dst(%dma_wait3A_397 : memref<8192xf32, #tpu.memory_space<hbm>>)
    %dma_wait3A_400 = arith.constant 8192 : i32
    %dma_wait3A_401 = tpu.memref_slice %arg7[%dma_wait3A_400] : memref<16384xf32, #tpu.memory_space<vmem>> -> memref<8192xf32, #tpu.memory_space<vmem>>
    %dma_wait3A_402 = tpu.memref_slice %arg4[%add3A_387] : memref<524288xf32, #tpu.memory_space<hbm>> -> memref<8192xf32, #tpu.memory_space<hbm>>
    %dma_wait3A_403 = tpu.memref_slice %arg4[%add3A_387] : memref<524288xf32, #tpu.memory_space<hbm>> -> memref<8192xf32, #tpu.memory_space<hbm>>
    %dma_wait3A_404 = arith.constant 8192 : i32
    %dma_wait3A_405 = tpu.memref_slice %arg7[%dma_wait3A_404] : memref<16384xf32, #tpu.memory_space<vmem>> -> memref<8192xf32, #tpu.memory_space<vmem>>
    tpu.wait_dma2 semaphore(%arg12 : memref<!tpu.dma_semaphore, #tpu.memory_space<semaphore_mem>>) src(%dma_wait3A_405 : memref<8192xf32, #tpu.memory_space<vmem>>) dst(%dma_wait3A_403 : memref<8192xf32, #tpu.memory_space<hbm>>)
    return
  }
}

</mosaic_0001>

<sc_bundles>
// kernel: _mapper.3.cloned.1.call-start
scs
__scs_entry_jumppad:
0x0: {  	(pc) =	sbr.rel $0x88, $3  }
0x1: {  	(tag) =	ssettag $0x0;
	lr =	simm.s32 $0x1  }
0x2: {  	[smem:$0x3F9F] =	sst lr;
	_ =	strace $0xD0000000  }
0x3: {  	_ = 	snop  }
0x4: {  	_ = 	snop  }
0x5: {  	_ = 	snop  }
0x6: {  	_ = 	snop  }
0x7: {  	_ = 	snop  }
__scs_overlays_trampoline_lowered:
0x8: {  	[smem:$0x3FAE] =	sst s0  }
0x9: {  	[smem:$0x3FAF] =	sst s1  }
0xa: {  	[smem:$0x3FB0] =	sst s2  }
0xb: {  	[smem:$0x3FB1] =	sst s3  }
0xc: {  	[smem:$0x3FB2] =	sst s4  }
0xd: {  	[smem:$0x3FB3] =	sst s5  }
0xe: {  	[smem:$0x3FB4] =	sst s6  }
0xf: {  	[smem:$0x3FB5] =	sst s7  }
0x10: {  	[smem:$0x3FB6] =	sst s8  }
0x11: {  	[smem:$0x3FB7] =	sst s9;
	s0 =	simm.s32 @!p0 $0x0  }
0x12: {  	s1 =	sld [smem:$0x3F9D];
	s0 =	simm.s32 @p0 $0x1  }
0x13: {  	[smem:$0x3FB8] =	sst s0;
	s0 =	simm.s32 @!p1 $0x0  }
0x14: {  	s2 =	sld [smem:$0x3F9C];
	s0 =	simm.s32 @p1 $0x1  }
0x15: {  	[smem:$0x3FB9] =	sst s0;
	s0 =	simm.s32 @!p2 $0x0  }
0x16: {  	s3 =	sld [smem:$0x3FDB];
	s0 =	simm.s32 @p2 $0x1  }
0x17: {  	s4 =	simm.s32 $0x1BF5;
	[smem:$0x3FBB] =	sst s0  }
0x18: {  	s0 =	sld [smem:$0x3F9E];
	_ =	swait.ge [sflag:s4], $0x0  }
0x19: {  	s7 =	sld [smem:$0x3F9F]  }
0x1a: {  	s8 =	sadd.s32 $0xFFFFE003, lr  }
0x1b: {  	s9 =	sadd.s32 $0xFFFFFEF7, lr;
	s5 =	simm.s32 $0xFFFFFFFF;
	p2 =	slt.u32 s8, $0xFFFFF086  }
0x1c: {  	p1 =	slt.u32 s9, $0xF7A;
	s5 =	simm.s32 @!p2 $0x0  }
0x1d: {  	s5 =	simm.s32 @p1 $0x1;
	p0 =	seq.s32 s7, s2  }
0x1e: {  	s7 =	smul.u32 @!p0 $0xF7A, s2;
	p2 =	seq.s32 @!p0 s5, $0x0  }
0x1f: {  	s9 =	smul.u32 $0xF7A, s1;
	s8 =	simm.s32 @!p0 $0x1BF5;
	p2 =	por !p2, p0  }
0x20: {  	[sflag:s8] =	ssyncset.s32 @!p0 $0xFFFFF086;
	s6 =	sadd.s32 @!p0 s3, s7;
	s7 =	simm.s32 @!p0 $0x108  }
0x21: {  	s3 =	sadd.s32 s3, s9;
	s6 =	sadd.s32 @!p0 $0x88, s6;
	s7 =	simm.s32 @p2 $0x1082  }
0x22: {  	[simem:s7], [sflag:s8] =	dma.local @!p0 [hbm:s6], $0xF7A  }
0x23: {  	s9 =	sor.u32 $0xD0000000, s2;
	s6 =	simm.s32 $0x108;
	_ =	swait.ge @!p0 [sflag:s8], $0x0  }
0x24: {  	s3 =	sadd.s32 $0x88, s3;
	s6 =	simm.s32 @!p1 $0x1082;
	[sflag:s4] =	ssyncset.s32 $0xFFFFF086  }
0x25: {  	[simem:s6], [sflag:s4] =	dma.local [hbm:s3], $0xF7A  }
0x26: {  	[smem:$0x3F9F] =	sst s1;
	(tag) =	ssettag s2;
	_ =	strace s9  }
0x27: {  	s1 =	sld [smem:$0x3FAF]  }
0x28: {  	s2 =	sld [smem:$0x3FB0]  }
0x29: {  	s4 =	sld [smem:$0x3FB2]  }
0x2a: {  	p0 =	seq.s32 s5, $0x0;
	s5 =	sld [smem:$0x3FB3]  }
0x2b: {  	s6 =	sld [smem:$0x3FB4]  }
0x2c: {  	s7 =	sld [smem:$0x3FB5]  }
0x2d: {  	s3 =	simm.s32 $0x108;
	s8 =	sld [smem:$0x3FB6]  }
0x2e: {  	s3 =	simm.s32 @!p0 $0x1082;
	s9 =	sld [smem:$0x3FB7]  }
0x2f: {  	lr =	sadd.s32 s0, s3;
	s0 =	sld [smem:$0x3FAE]  }
0x30: {  	s3 =	sld [smem:$0x3FB1]  }
0x31: {  	[smem:$0x3FBA] =	sst s10  }
0x32: {  	s10 =	sld [smem:$0x3FB8];
	_ =	sdelay $0x3  }
0x33: {  	p0 =	seq.s32 s10, $0x1;
	s10 =	sld [smem:$0x3FBA];
	_ =	sdelay $0x3  }
0x34: {  	[smem:$0x3FBA] =	sst s10  }
0x35: {  	s10 =	sld [smem:$0x3FB9];
	_ =	sdelay $0x3  }
0x36: {  	p1 =	seq.s32 s10, $0x1;
	s10 =	sld [smem:$0x3FBA];
	_ =	sdelay $0x3  }
0x37: {  	[smem:$0x3FBA] =	sst s10  }
0x38: {  	s10 =	sld [smem:$0x3FBB]  }
0x39: {  	_ = 	snop;
	(pc) =	sbr.ind lr, $3  }
0x3a: {  	_ = 	snop  }
0x3b: {  	_ = 	snop  }
0x3c: {  	p2 =	seq.s32 s10, $0x1;
	s10 =	sld [smem:$0x3FBA]  }
0x3d: {  	_ =	shalt  }
0x3e: {  	_ =	shalt  }
0x3f: {  	_ =	shalt  }
0x40: {  	_ =	shalt  }
0x41: {  	_ =	shalt  }
0x42: {  	_ =	shalt  }
0x43: {  	_ =	shalt  }
0x44: {  	_ =	shalt  }
0x45: {  	_ =	shalt  }
0x46: {  	_ =	shalt  }
0x47: {  	_ =	shalt  }
0x48: {  	_ =	shalt  }
0x49: {  	_ =	shalt  }
0x4a: {  	_ =	shalt  }
0x4b: {  	_ =	shalt  }
0x4c: {  	_ =	shalt  }
0x4d: {  	_ =	shalt  }
0x4e: {  	_ =	shalt  }
0x4f: {  	_ =	shalt  }
0x50: {  	_ =	shalt  }
0x51: {  	_ =	shalt  }
0x52: {  	_ =	shalt  }
0x53: {  	_ =	shalt  }
0x54: {  	_ =	shalt  }
0x55: {  	_ =	shalt  }
0x56: {  	_ =	shalt  }
0x57: {  	_ =	shalt  }
0x58: {  	_ =	shalt  }
0x59: {  	_ =	shalt  }
0x5a: {  	_ =	shalt  }
0x5b: {  	_ =	shalt  }
0x5c: {  	_ =	shalt  }
0x5d: {  	_ =	shalt  }
0x5e: {  	_ =	shalt  }
0x5f: {  	_ =	shalt  }
0x60: {  	_ =	shalt  }
0x61: {  	_ =	shalt  }
0x62: {  	_ =	shalt  }
0x63: {  	_ =	shalt  }
0x64: {  	_ =	shalt  }
0x65: {  	_ =	shalt  }
0x66: {  	_ =	shalt  }
0x67: {  	_ =	shalt  }
0x68: {  	_ =	shalt  }
0x69: {  	_ =	shalt  }
0x6a: {  	_ =	shalt  }
0x6b: {  	_ =	shalt  }
0x6c: {  	_ =	shalt  }
0x6d: {  	_ =	shalt  }
0x6e: {  	_ =	shalt  }
0x6f: {  	_ =	shalt  }
0x70: {  	_ =	shalt  }
0x71: {  	_ =	shalt  }
0x72: {  	_ =	shalt  }
0x73: {  	_ =	shalt  }
0x74: {  	_ =	shalt  }
0x75: {  	_ =	shalt  }
0x76: {  	_ =	shalt  }
0x77: {  	_ =	shalt  }
0x78: {  	_ =	shalt  }
0x79: {  	_ =	shalt  }
0x7a: {  	_ =	shalt  }
0x7b: {  	_ =	shalt  }
0x7c: {  	_ =	shalt  }
0x7d: {  	_ =	shalt  }
0x7e: {  	_ =	shalt  }
0x7f: {  	_ =	shalt  }
0x80: {  	_ =	shalt  }
0x81: {  	_ =	shalt  }
0x82: {  	_ =	shalt  }
0x83: {  	_ =	shalt  }
0x84: {  	_ =	shalt  }
0x85: {  	_ =	shalt  }
0x86: {  	_ =	shalt  }
0x87: {  	_ =	shalt  }
.Lfunc_end0:
.L_simem_size_0:
called_computation_lowered:
.L_overlay_start_0:
0x88: {  	s2 =	sld [smem:$0x3FD9]  }
0x89: {  	s3 =	sld [smem:$0x3FFE];
	_ =	sdelay $0x1  }
0x8a: {  	s1 =	srdreg.scid  }
0x8b: {  	s0 =	sand.u32 $0x1, s1  }
0x8c: {  	s18 =	sshll.u32 s0, $0xA;
	s2 =	sadd.s32 s3, s2  }
0x8d: {  	s2 =	sadd.s32 s2, s18  }
0x8e: {  	[smem:$0x3FC6] =	sst s2  }
0x8f: {  	_ = 	snop  }
0x90: {  	s2 =	sld [smem:$0x3FC9]  }
0x91: {  	s19 =	sld [smem:$0x3FC8]  }
0x92: {  	s4 =	sld [smem:$0x3FD0];
	(tm) =	ssettm $0x1  }
0x93: {  	s5 =	sld [smem:$0x3FFB];
	_ =	sdelay $0x3  }
0x94: {  	_ =	strace s5  }
0x95: {  	s5 =	sld [smem:$0x3FFC];
	_ =	sdelay $0x3  }
0x96: {  	_ =	strace s5  }
0x97: {  	s5 =	sld [smem:$0x3FFD];
	_ =	sdelay $0x3  }
0x98: {  	_ =	strace s5  }
0x99: {  	_ =	strace $0x8FFFFFFF  }
0x9a: {  	s20 =	sld [smem:$0x3FDB];
	_ =	sdelay $0x1  }
0x9b: {  	s6 =	simm.s32 $_scs_section_size  }
0x9c: {  	s7 =	simm.s32 $_size__tile_overlayer_lowered;
	s8 =	simm.s32 $_tile_overlayer_lowered  }
0x9d: {  	s23 =	simm.s32 $0x1BFF;
	s22 =	sshll.u32 s8, $0x1;
	s5 =	sadd.s32 s6, s20  }
0x9e: {  	s9 =	simm.s32 $0x0;
	s21 =	sshll.u32 s7, $0x1;
	s7 =	sadd.s32 s22, s5  }
0x9f: {  	[timem:s9], [sflag:s23] =	dma.local [hbm:s7], s21  }
0xa0: {  	_ =	swait.ge [sflag:s23], s21  }
0xa1: {  	s6 =	ssub.s32 $0x0, s21;
	[sflag:s23] =	ssyncset.done $0x0  }
0xa2: {  	[sflag:s23] =	ssyncadd.s32 s6;
	_ =	sdelay $0x1  }
0xa3: {  	s24 =	simm.s32 $0x1B8B  }
0xa4: {  	_ =	swait.ge [sflag:s24], $0x1  }
0xa5: {  	[sflag:s24] =	ssyncset.done $0x0  }
0xa6: {  	s25 =	simm.s32 $0x1B8E;
	[sflag:s24] =	ssyncadd.s32 $0xFFFFFFFF  }
0xa7: {  	s26 =	simm.s32 $execute0_lowered;
	[smem:$0x3FD2] =	sst s25  }
0xa8: {  	s6 =	sshll.u32 s26, $0x1;
	_ =	strace $0x80000046;
	[dreg:$0x1] =	wrdreg $0xFFFFFFFF  }
0xa9: {  	s28 =	simm.s32 $_size_execute0_lowered;
	s5 =	sadd.s32 s5, s6;
	[dreg:$0x0] =	wrdreg $0x0  }
0xaa: {  	s6 =	sshll.u32 s28, $0x1;
	[dreg:$0x2] =	wrdreg s5  }
0xab: {  	[dreg:$0x3] =	wrdreg s6  }
0xac: {  	[dreg:$0x4] =	wrdreg $0xC0  }
0xad: {  	_ =	task [dreg:s9], $0x5FFFF  }
0xae: {  	[dreg:$0x1] =	wrdreg $0xFFFFFFFF  }
0xaf: {  	[dreg:$0x0] =	wrdreg $0x60  }
0xb0: {  	[dreg:$0x2] =	wrdreg s2  }
0xb1: {  	[dreg:$0x3] =	wrdreg s19  }
0xb2: {  	[dreg:$0x4] =	wrdreg s4  }
0xb3: {  	[dreg:$0x5] =	wrdreg $0x9  }
0xb4: {  	_ =	task.clear_ibuf [dreg:s9], $0x6FFFF;
	_ =	strace $0x90000046  }
0xb5: {  	s29 =	simm.s32 $0x9;
	_ =	strace $0x80000048  }
0xb6: {  	_ =	swait.ge [sflag:s29], $0x1  }
0xb7: {  	[sflag:s29] =	ssyncadd.s32 $0xFFFFFFFF  }
0xb8: {  	_ =	strace $0x90000048  }
0xb9: {  	_ =	sfence  }
0xba: {  	s30 =	sld [smem:$0x0];
	_ =	sdelay $0x2  }
0xbb: {  	s31 =	sshll.u32 s1, $0xD;
	s1 =	sshrl.u32 s1, $0x2  }
0xbc: {  	s3 =	sand.u32 $0x4000, s31;
	s1 =	sadd.s32 s1, s30  }
0xbd: {  	s0 =	sor.u32 s3, s0;
	s1 =	sshll.u32 s1, $0x11  }
0xbe: {  	s0 =	sor.u32 s1, s0  }
0xbf: {  	s0 =	sadd.s32 $0x8F2B, s0  }
0xc0: {  	[sflag:s0] =	ssyncadd.remote.s32 $0x1  }
0xc1: {  	_ =	sfence.sel $0xFFFF  }
0xc2: {  	[dreg:$0x0] =	wrdreg $0xFFFFFFFF;
	(pc) =	sbr.abs _section_cstart, $3  }
0xc3: {  	[dreg:$0x1] =	wrdreg $0xFFFFFFFF  }
0xc4: {  	_ =	task.clear_ibuf [dreg:s9], $0x2FFFF;
	_ =	strace $0x9FFFFFFF  }
0xc5: {  	(tm) =	ssettm $0x7FFFFFFF  }
tec
execute0_lowered:
.L_overlay_start_1:
0x0: {  	(tag) =	ssettag $0x1  }
0x1: {  	s4 =	rddreg [dreg:$0x0]  }
0x2: {  	s1 =	rddreg [dreg:$0x1];
	v0 =	vimm.s32 $0xFEDCBA98;
	v1 =	vimm.s32 $0x76543210  }
0x3: {  	s5 =	rddreg [dreg:$0x2];
	v2 =	vimm.s32 $0xBA98FEDC;
	v3 =	vimm.s32 $0x32107654;
	v4 =	vimm.s32 $0xDCFE98BA  }
0x4: {  	s0 =	rddreg [dreg:$0x3];
	s2 =	simm.s32 $0x0;
	s6 =	srdreg.scid;
	v5 =	vimm.s32 $0x54761032;
	v6 =	vimm.s32 $0xEFCDAB89;
	v7 =	vimm.s32 $0x67452301  }
0x5: {  	s3 =	stileid.u32;
	s10 =	simm.s32 $0x10000;
	s11 =	simm.s32 $0x5;
	v0 =	vunpack.c.l.s4.s8 v0;
	v1 =	vunpack.c.l.s4.s8 v1;
	v2 =	vunpack.c.l.s4.s8 v2  }
0x6: {  	s12 =	simm.s32 $0x14200;
	s13 =	simm.s32 $0x1;
	s14 =	simm.s32 $0x10200;
	v3 =	vunpack.c.l.s4.s8 v3;
	v4 =	vunpack.c.l.s4.s8 v4;
	v5 =	vunpack.c.l.s4.s8 v5  }
0x7: {  	s15 =	simm.s32 $0x2;
	s16 =	simm.s32 $0x12200;
	s17 =	simm.s32 $0x3;
	v6 =	vunpack.c.l.s4.s8 v6;
	v7 =	vunpack.c.l.s4.s8 v7;
	v0 =	vunpack.c.0.s8.s32 v0  }
0x8: {  	s18 =	simm.s32 $0x4;
	s6 =	sand.u32 $0x1, s6;
	s7 =	sshll.u32 s3, $0x1;
	v2 =	vunpack.c.0.s8.s32 v2;
	v3 =	vunpack.c.0.s8.s32 v3;
	v4 =	vunpack.c.0.s8.s32 v4  }
0x9: {  	s19 =	simm.s32 $0x0;
	[smem:$0x7FF] =	sst s2;
	s7 =	sor.u32 s6, s7;
	v5 =	vunpack.c.0.s8.s32 v5;
	v6 =	vunpack.c.0.s8.s32 v6;
	v7 =	vunpack.c.0.s8.s32 v7  }
0xa: {  	_ =	strace $0x80000047;
	s6 =	ssub.s32 $0x2, s6;
	s8 =	sshll.u32 s7, $0xD;
	v1 =	vunpack.c.0.s8.s32 v1;
	v2 =	vcombine.low v3, v2  }
0xb: {  	s7 =	sshll.u32 s7, $0xB;
	s9 =	sshrl.u32 s6, $0x1;
	s4 =	sadd.s32 s4, s8;
	v3 =	vcombine.low v5, v4;
	v4 =	vcombine.low v7, v6;
	v0 =	vand.u32 $0xF, v0  }
0xc: {  	s5 =	sadd.s32 s5, s7;
	s31 =	ssub.s32 s6, s9;
	s9 =	simm.s32 $0x8000;
	v0 =	vcombine.low v0, v1  }
0xd: {  	s6 =	sadd.s32 $0x1000, s4;
	s7 =	sadd.s32 $0x400, s5;
	s8 =	smax.u32 s31, $0x1;
	v1 =	vand.u32 $0xF, v2;
	v2 =	vand.u32 $0xF, v3;
	v3 =	vand.u32 $0xF, v4  }
.LBB2_1:
0xe: {  	[tilespmem:s2], [sflag:$0x1] =	stream.linear.gather [hbm4b:s4+s2], $0x8000, $0x38;
	[tilespmem:$0x14280] =	vst v63  }
0xf: {  	_ = 	snop  }
0x10: {  	[tilespmem:s9], [sflag:$0x2] =	stream.linear.gather [hbm4b:s6+s2], $0x8000, $0x38;
	[tilespmem:$0x14280] =	vst v63  }
0x11: {  	_ = 	snop  }
0x12: {  	[tilespmem:s10], [sflag:$0x5] =	stream.linear.gather [hbm4b:s1+s2], $0x200, $0x38;
	[tilespmem:$0x14280] =	vst v63  }
0x13: {  	_ =	swait.ge [sflag:s11], $0x200  }
0x14: {  	[sflag:s11] =	ssyncset.done $0x0  }
0x15: {  	[sflag:s11] =	ssyncadd.s32 $0xFFFFFE00  }
0x16: {  	v4 =	vld [tilespmem:$0x10000]  }
0x17: {  	v5 =	vld [tilespmem:$0x10010];
	_ =	sdelay $0x1  }
0x18: {  	v6 =	vld [tilespmem:$0x10020];
	_ =	sdelay $0x1  }
0x19: {  	v7 =	vld [tilespmem:$0x10030]  }
0x1a: {  	v4 =	vmul.f32 v4, v4;
	v5 =	vmul.f32 v5, v5  }
0x1b: {  	v8 =	vld [tilespmem:$0x10040]  }
0x1c: {  	v4 =	vadd.f32 v5, v4;
	v5 =	vmul.f32 v6, v6  }
0x1d: {  	v6 =	vld [tilespmem:$0x10050]  }
0x1e: {  	v4 =	vadd.f32 v5, v4;
	v5 =	vmul.f32 v7, v7  }
0x1f: {  	v7 =	vld [tilespmem:$0x10060]  }
0x20: {  	v4 =	vadd.f32 v5, v4;
	v5 =	vmul.f32 v8, v8  }
0x21: {  	v8 =	vld [tilespmem:$0x10070]  }
0x22: {  	v4 =	vadd.f32 v5, v4;
	v5 =	vmul.f32 v6, v6  }
0x23: {  	v6 =	vld [tilespmem:$0x10080]  }
0x24: {  	v4 =	vadd.f32 v5, v4;
	v5 =	vmul.f32 v7, v7  }
0x25: {  	v7 =	vld [tilespmem:$0x10090]  }
0x26: {  	v4 =	vadd.f32 v5, v4;
	v5 =	vmul.f32 v8, v8  }
0x27: {  	v8 =	vld [tilespmem:$0x100A0]  }
0x28: {  	v4 =	vadd.f32 v5, v4;
	v5 =	vmul.f32 v6, v6  }
0x29: {  	v6 =	vld [tilespmem:$0x100B0]  }
0x2a: {  	v4 =	vadd.f32 v5, v4;
	v5 =	vmul.f32 v7, v7  }
0x2b: {  	v7 =	vld [tilespmem:$0x100C0]  }
0x2c: {  	v4 =	vadd.f32 v5, v4;
	v5 =	vmul.f32 v8, v8  }
0x2d: {  	v8 =	vld [tilespmem:$0x100D0]  }
0x2e: {  	v4 =	vadd.f32 v5, v4;
	v5 =	vmul.f32 v6, v6  }
0x2f: {  	v6 =	vld [tilespmem:$0x100E0]  }
0x30: {  	v4 =	vadd.f32 v5, v4;
	v5 =	vmul.f32 v7, v7  }
0x31: {  	v7 =	vld [tilespmem:$0x100F0]  }
0x32: {  	v4 =	vadd.f32 v5, v4;
	v5 =	vmul.f32 v8, v8  }
0x33: {  	v8 =	vld [tilespmem:$0x10100]  }
0x34: {  	v4 =	vadd.f32 v5, v4;
	v5 =	vmul.f32 v6, v6  }
0x35: {  	v6 =	vld [tilespmem:$0x10110]  }
0x36: {  	v4 =	vadd.f32 v5, v4;
	v5 =	vmul.f32 v7, v7  }
0x37: {  	v7 =	vld [tilespmem:$0x10120]  }
0x38: {  	v4 =	vadd.f32 v5, v4;
	v5 =	vmul.f32 v8, v8  }
0x39: {  	v8 =	vld [tilespmem:$0x10130]  }
0x3a: {  	v4 =	vadd.f32 v5, v4;
	v5 =	vmul.f32 v6, v6  }
0x3b: {  	v6 =	vld [tilespmem:$0x10140]  }
0x3c: {  	v4 =	vadd.f32 v5, v4;
	v5 =	vmul.f32 v7, v7  }
0x3d: {  	v7 =	vld [tilespmem:$0x10150]  }
0x3e: {  	v4 =	vadd.f32 v5, v4;
	v5 =	vmul.f32 v8, v8  }
0x3f: {  	v8 =	vld [tilespmem:$0x10160]  }
0x40: {  	v4 =	vadd.f32 v5, v4;
	v5 =	vmul.f32 v6, v6  }
0x41: {  	v6 =	vld [tilespmem:$0x10170]  }
0x42: {  	v4 =	vadd.f32 v5, v4;
	v5 =	vmul.f32 v7, v7  }
0x43: {  	v7 =	vld [tilespmem:$0x10180]  }
0x44: {  	v4 =	vadd.f32 v5, v4;
	v5 =	vmul.f32 v8, v8  }
0x45: {  	v8 =	vld [tilespmem:$0x10190]  }
0x46: {  	v4 =	vadd.f32 v5, v4;
	v5 =	vmul.f32 v6, v6  }
0x47: {  	v6 =	vld [tilespmem:$0x101A0]  }
0x48: {  	v4 =	vadd.f32 v5, v4;
	v5 =	vmul.f32 v7, v7  }
0x49: {  	v7 =	vld [tilespmem:$0x101B0]  }
0x4a: {  	v4 =	vadd.f32 v5, v4;
	v5 =	vmul.f32 v8, v8  }
0x4b: {  	v8 =	vld [tilespmem:$0x101C0]  }
0x4c: {  	v4 =	vadd.f32 v5, v4;
	v5 =	vmul.f32 v6, v6  }
0x4d: {  	v6 =	vld [tilespmem:$0x101D0]  }
0x4e: {  	v4 =	vadd.f32 v5, v4;
	v5 =	vmul.f32 v7, v7  }
0x4f: {  	v7 =	vld [tilespmem:$0x101E0]  }
0x50: {  	v4 =	vadd.f32 v5, v4;
	v5 =	vmul.f32 v8, v8  }
0x51: {  	v8 =	vld [tilespmem:$0x101F0]  }
0x52: {  	v4 =	vadd.f32 v5, v4;
	v5 =	vmul.f32 v6, v6;
	_ =	sdelay $0x1  }
0x53: {  	v4 =	vadd.f32 v5, v4;
	v5 =	vmul.f32 v7, v7;
	_ =	sdelay $0x1  }
0x54: {  	v4 =	vadd.f32 v5, v4;
	v5 =	vmul.f32 v8, v8;
	_ =	sdelay $0x1  }
0x55: {  	v4 =	vadd.f32 v5, v4;
	_ =	sdelay $0x1  }
0x56: {  	[tilespmem:$0x14200] =	vst v4  }
0x57: {  	v5 =	vld.idx.msk [tilespmem:v0+s12+$0x0], $0xffff;
	_ =	sdelay $0x4  }
0x58: {  	v4 =	vadd.f32 v5, v4;
	_ =	sdelay $0x1  }
0x59: {  	[tilespmem:$0x14200] =	vst v4  }
0x5a: {  	v5 =	vld.idx.msk [tilespmem:v1+s12+$0x0], $0xffff;
	_ =	sdelay $0x4  }
0x5b: {  	v4 =	vadd.f32 v5, v4;
	_ =	sdelay $0x1  }
0x5c: {  	[tilespmem:$0x14200] =	vst v4  }
0x5d: {  	v5 =	vld.idx.msk [tilespmem:v2+s12+$0x0], $0xffff;
	_ =	sdelay $0x4  }
0x5e: {  	v4 =	vadd.f32 v5, v4;
	_ =	sdelay $0x1  }
0x5f: {  	[tilespmem:$0x14200] =	vst v4  }
0x60: {  	v5 =	vld.idx.msk [tilespmem:v3+s12+$0x0], $0xffff;
	_ =	sdelay $0x4  }
0x61: {  	v4 =	vadd.f32 v5, v4;
	_ =	sdelay $0x1  }
0x62: {  	v4 =	vmul.f32 $3.906250000e-03, v4;
	_ =	sdelay $0x1  }
0x63: {  	v5 =	vshra.s32 v4, $0x1;
	v4 =	vmul.f32 $5.000000000e-01, v4  }
0x64: {  	v5 =	vsub.s32 $0x5F3759DF, v5  }
0x65: {  	v6 =	vmul.f32 v5, v4;
	_ =	sdelay $0x1  }
0x66: {  	v6 =	vmul.f32 v5, v6;
	_ =	sdelay $0x1  }
0x67: {  	v6 =	vsub.f32 $1.500000000e+00, v6;
	_ =	sdelay $0x1  }
0x68: {  	v5 =	vmul.f32 v5, v6;
	_ =	sdelay $0x1  }
0x69: {  	v6 =	vmul.f32 v5, v4;
	_ =	sdelay $0x1  }
0x6a: {  	v6 =	vmul.f32 v6, v5;
	_ =	sdelay $0x1  }
0x6b: {  	v6 =	vsub.f32 $1.500000000e+00, v6;
	_ =	sdelay $0x1  }
0x6c: {  	v5 =	vmul.f32 v6, v5;
	_ =	sdelay $0x1  }
0x6d: {  	v4 =	vmul.f32 v5, v4;
	_ =	sdelay $0x1  }
0x6e: {  	v4 =	vmul.f32 v4, v5  }
0x6f: {  	v6 =	vld [tilespmem:$0x10000]  }
0x70: {  	v7 =	vld [tilespmem:$0x10010];
	v4 =	vsub.f32 $1.500000000e+00, v4  }
0x71: {  	v8 =	vld [tilespmem:$0x10020]  }
0x72: {  	v4 =	vmul.f32 v4, v5;
	v5 =	vld [tilespmem:$0x10030]  }
0x73: {  	v9 =	vld [tilespmem:$0x10040]  }
0x74: {  	v10 =	vld [tilespmem:$0x10050];
	v6 =	vmul.f32 v4, v6  }
0x75: {  	v11 =	vld [tilespmem:$0x10060];
	v7 =	vmul.f32 v4, v7  }
0x76: {  	[tilespmem:$0x10000] =	vst v6;
	v6 =	vmul.f32 v4, v8;
	v8 =	vld [tilespmem:$0x10070]  }
0x77: {  	[tilespmem:$0x10010] =	vst v7;
	v7 =	vld [tilespmem:$0x10080];
	v5 =	vmul.f32 v4, v5  }
0x78: {  	[tilespmem:$0x10020] =	vst v6;
	v6 =	vmul.f32 v4, v9;
	v9 =	vld [tilespmem:$0x10090]  }
0x79: {  	[tilespmem:$0x10030] =	vst v5;
	v5 =	vmul.f32 v4, v10;
	v10 =	vld [tilespmem:$0x100A0]  }
0x7a: {  	[tilespmem:$0x10040] =	vst v6;
	v6 =	vmul.f32 v4, v11;
	v11 =	vld [tilespmem:$0x100B0]  }
0x7b: {  	[tilespmem:$0x10050] =	vst v5;
	v5 =	vmul.f32 v4, v8;
	v8 =	vld [tilespmem:$0x100C0]  }
0x7c: {  	[tilespmem:$0x10060] =	vst v6;
	v6 =	vmul.f32 v4, v7;
	v7 =	vld [tilespmem:$0x100D0]  }
0x7d: {  	[tilespmem:$0x10070] =	vst v5;
	v5 =	vmul.f32 v9, v4;
	v9 =	vld [tilespmem:$0x100E0]  }
0x7e: {  	[tilespmem:$0x10080] =	vst v6;
	v6 =	vmul.f32 v10, v4;
	v10 =	vld [tilespmem:$0x100F0]  }
0x7f: {  	[tilespmem:$0x10090] =	vst v5;
	v5 =	vmul.f32 v11, v4;
	v11 =	vld [tilespmem:$0x10100]  }
0x80: {  	[tilespmem:$0x100A0] =	vst v6;
	v6 =	vmul.f32 v8, v4;
	v8 =	vld [tilespmem:$0x10110]  }
0x81: {  	[tilespmem:$0x100B0] =	vst v5;
	v5 =	vmul.f32 v7, v4;
	v7 =	vld [tilespmem:$0x10120]  }
0x82: {  	[tilespmem:$0x100C0] =	vst v6;
	v6 =	vmul.f32 v9, v4;
	v9 =	vld [tilespmem:$0x10130]  }
0x83: {  	[tilespmem:$0x100D0] =	vst v5;
	v5 =	vmul.f32 v10, v4;
	v10 =	vld [tilespmem:$0x10140]  }
0x84: {  	[tilespmem:$0x100E0] =	vst v6;
	v6 =	vmul.f32 v11, v4;
	v11 =	vld [tilespmem:$0x10150]  }
0x85: {  	[tilespmem:$0x100F0] =	vst v5;
	v5 =	vmul.f32 v8, v4;
	v8 =	vld [tilespmem:$0x10160]  }
0x86: {  	[tilespmem:$0x10100] =	vst v6;
	v6 =	vmul.f32 v7, v4;
	v7 =	vld [tilespmem:$0x10170]  }
0x87: {  	[tilespmem:$0x10110] =	vst v5;
	v5 =	vmul.f32 v9, v4;
	v9 =	vld [tilespmem:$0x10180]  }
0x88: {  	[tilespmem:$0x10120] =	vst v6;
	v6 =	vmul.f32 v10, v4;
	v10 =	vld [tilespmem:$0x10190]  }
0x89: {  	[tilespmem:$0x10130] =	vst v5;
	v5 =	vmul.f32 v11, v4;
	v11 =	vld [tilespmem:$0x101A0]  }
0x8a: {  	[tilespmem:$0x10140] =	vst v6;
	v6 =	vmul.f32 v8, v4;
	v8 =	vld [tilespmem:$0x101B0]  }
0x8b: {  	[tilespmem:$0x10150] =	vst v5;
	v5 =	vmul.f32 v7, v4  }
0x8c: {  	[tilespmem:$0x10160] =	vst v6;
	v6 =	vmul.f32 v9, v4  }
0x8d: {  	[tilespmem:$0x10170] =	vst v5;
	v5 =	vmul.f32 v10, v4  }
0x8e: {  	[tilespmem:$0x10180] =	vst v6;
	v6 =	vmul.f32 v11, v4  }
0x8f: {  	[tilespmem:$0x10190] =	vst v5;
	v5 =	vmul.f32 v8, v4  }
0x90: {  	[tilespmem:$0x101A0] =	vst v6  }
0x91: {  	[tilespmem:$0x101B0] =	vst v5  }
0x92: {  	v5 =	vld [tilespmem:$0x101C0]  }
0x93: {  	v6 =	vld [tilespmem:$0x101D0]  }
0x94: {  	v7 =	vld [tilespmem:$0x101E0]  }
0x95: {  	v8 =	vld [tilespmem:$0x101F0];
	_ =	sdelay $0x1  }
0x96: {  	v5 =	vmul.f32 v5, v4  }
0x97: {  	v6 =	vmul.f32 v6, v4  }
0x98: {  	[tilespmem:$0x101C0] =	vst v5;
	v5 =	vmul.f32 v7, v4  }
0x99: {  	[tilespmem:$0x101D0] =	vst v6;
	v4 =	vmul.f32 v8, v4  }
0x9a: {  	[tilespmem:$0x101E0] =	vst v5  }
0x9b: {  	[tilespmem:$0x101F0] =	vst v4  }
0x9c: {  	_ =	swait.ge [sflag:s13], $0x8000  }
0x9d: {  	[sflag:s13] =	ssyncset.done $0x0  }
0x9e: {  	s25 =	simm.s32 $0x200;
	[sflag:s13] =	ssyncadd.s32 $0xFFFF8000  }
0x9f: {  	v4 =	vld [tilespmem:s25+$0xFFFFFE40]  }
0xa0: {  	v5 =	vld [tilespmem:s25+$0xFFFFFEC0]  }
0xa1: {  	v6 =	vld [tilespmem:s25+$0xFFFFFF40]  }
0xa2: {  	v7 =	vld [tilespmem:s25+$0xFFFFFFC0]  }
0xa3: {  	v8 =	vld [tilespmem:s25+$0x40]  }
0xa4: {  	v9 =	vld [tilespmem:s25+$0xC0]  }
0xa5: {  	v10 =	vld [tilespmem:s25+$0x140];
	v4 =	vshll.u32 v4, $0x7;
	v5 =	vshll.u32 v5, $0x6  }
0xa6: {  	v11 =	vld [tilespmem:s25+$0x1C0];
	v6 =	vshll.u32 v6, $0x5;
	v4 =	vor.u32 v4, v5  }
0xa7: {  	v5 =	vshll.u32 v7, $0x4;
	v4 =	vor.u32 v6, v4  }
0xa8: {  	v6 =	vshll.u32 v8, $0x3;
	v4 =	vor.u32 v5, v4  }
0xa9: {  	v5 =	vshll.u32 v9, $0x2;
	v4 =	vor.u32 v6, v4  }
0xaa: {  	v4 =	vor.u32 v5, v4  }
0xab: {  	v5 =	vshll.u32 v10, $0x1;
	v4 =	vor.u32 v11, v4  }
0xac: {  	v4 =	vor.u32 v5, v4  }
0xad: {  	v5 =	vand.u32 $0xFFFFFF80, v4  }
0xae: {  	v5 =	vadd.s32 v4, v5;
	_ =	sdelay $0x3  }
0xaf: {  	v8 =	vld [tilespmem:s25+$0xFFFFFF00];
	v4 =	vand.u32 $0x7F, v4;
	v7 =	vand.u32 $0xFFFFFF80, v5  }
0xb0: {  	v4 =	vor.u32 v4, v7;
	v5 =	vld.idx.msk [tilespmem:v5+s10+$0x0], $0xffff  }
0xb1: {  	v6 =	vld [tilespmem:s25+$0xFFFFFE80];
	v4 =	vadd.s32 $0x80, v4  }
0xb2: {  	v7 =	vld [tilespmem:s25+$0xFFFFFE00]  }
0xb3: {  	v9 =	vld [tilespmem:s25+$0xFFFFFF80]  }
0xb4: {  	s20 =	simm.s32 $0x10280;
	v10 =	vld [tilespmem:s25+$0x0]  }
0xb5: {  	v11 =	vld [tilespmem:s25+$0x80];
	[tilespmem:s20+$0xFFFFFFC0] =	vst v5  }
0xb6: {  	v4 =	vld.idx.msk [tilespmem:v4+s10+$0x0], $0xffff  }
0xb7: {  	v12 =	vld [tilespmem:s25+$0x180];
	v7 =	vshll.u32 v7, $0x7;
	v5 =	vshll.u32 v6, $0x6  }
0xb8: {  	v8 =	vshll.u32 v8, $0x5;
	v6 =	vld [tilespmem:s25+$0x100];
	v5 =	vor.u32 v7, v5  }
0xb9: {  	v7 =	vshll.u32 v9, $0x4;
	v5 =	vor.u32 v8, v5  }
0xba: {  	v8 =	vshll.u32 v10, $0x3;
	v5 =	vor.u32 v7, v5  }
0xbb: {  	v7 =	vshll.u32 v11, $0x2;
	v5 =	vor.u32 v8, v5;
	[tilespmem:s20+$0x40] =	vst v4  }
0xbc: {  	v4 =	vor.u32 v7, v5;
	v5 =	vld [tilespmem:s25+$0xFFFFFE50]  }
0xbd: {  	v6 =	vshll.u32 v6, $0x1;
	v4 =	vor.u32 v12, v4;
	v7 =	vld [tilespmem:s25+$0xFFFFFED0]  }
0xbe: {  	v4 =	vor.u32 v6, v4;
	v6 =	vld [tilespmem:s25+$0xFFFFFF50]  }
0xbf: {  	v9 =	vld [tilespmem:s25+$0xFFFFFFD0];
	v8 =	vand.u32 $0xFFFFFF80, v4  }
0xc0: {  	v10 =	vld [tilespmem:s25+$0x50];
	v8 =	vadd.s32 v4, v8  }
0xc1: {  	v11 =	vld [tilespmem:s25+$0xD0]  }
0xc2: {  	v12 =	vld [tilespmem:s25+$0x150];
	v5 =	vshll.u32 v5, $0x7;
	v7 =	vshll.u32 v7, $0x6  }
0xc3: {  	v13 =	vld [tilespmem:s25+$0x1D0];
	v4 =	vand.u32 $0x7F, v4;
	v6 =	vshll.u32 v6, $0x5;
	v5 =	vor.u32 v5, v7  }
0xc4: {  	v9 =	vshll.u32 v9, $0x4;
	v7 =	vand.u32 $0xFFFFFF80, v8;
	v5 =	vor.u32 v6, v5  }
0xc5: {  	v4 =	vor.u32 v4, v7;
	v7 =	vshll.u32 v10, $0x3;
	v6 =	vld.idx.msk [tilespmem:v8+s10+$0x0], $0xffff;
	v5 =	vor.u32 v9, v5  }
0xc6: {  	v4 =	vadd.s32 $0x80, v4;
	v8 =	vshll.u32 v11, $0x2;
	v5 =	vor.u32 v7, v5  }
0xc7: {  	v5 =	vor.u32 v8, v5  }
0xc8: {  	v7 =	vshll.u32 v12, $0x1;
	v5 =	vor.u32 v13, v5  }
0xc9: {  	v5 =	vor.u32 v7, v5  }
0xca: {  	[tilespmem:s20+$0xFFFFFF80] =	vst v6;
	v6 =	vand.u32 $0xFFFFFF80, v5  }
0xcb: {  	v4 =	vld.idx.msk [tilespmem:v4+s10+$0x0], $0xffff;
	v6 =	vadd.s32 v5, v6;
	_ =	sdelay $0x3  }
0xcc: {  	v5 =	vand.u32 $0x7F, v5;
	v7 =	vand.u32 $0xFFFFFF80, v6  }
0xcd: {  	s29 =	simm.s32 $0x600;
	v5 =	vor.u32 v5, v7;
	[tilespmem:s20+$0x0] =	vst v4;
	v4 =	vld.idx.msk [tilespmem:v6+s10+$0x0], $0xffff  }
0xce: {  	v14 =	vld [tilespmem:s29+$0xFFFFFEC0];
	v5 =	vadd.s32 $0x80, v5  }
0xcf: {  	v13 =	vld [tilespmem:s29+$0xFFFFFE40]  }
0xd0: {  	v6 =	vld [tilespmem:s25+$0xFFFFFE10]  }
0xd1: {  	v7 =	vld [tilespmem:s25+$0xFFFFFE90]  }
0xd2: {  	v8 =	vld [tilespmem:s25+$0xFFFFFF10];
	[tilespmem:s20+$0xFFFFFFD0] =	vst v4  }
0xd3: {  	v4 =	vld.idx.msk [tilespmem:v5+s10+$0x0], $0xffff  }
0xd4: {  	v9 =	vld [tilespmem:s25+$0xFFFFFF90]  }
0xd5: {  	v10 =	vld [tilespmem:s25+$0x10]  }
0xd6: {  	v11 =	vld [tilespmem:s25+$0x110]  }
0xd7: {  	v12 =	vld [tilespmem:s25+$0x190]  }
0xd8: {  	v5 =	vld [tilespmem:s25+$0x90];
	[tilespmem:s20+$0x50] =	vst v4  }
0xd9: {  	v6 =	vshll.u32 v6, $0x7;
	v7 =	vshll.u32 v7, $0x6;
	v4 =	vld [tilespmem:s25+$0xFFFFFE60]  }
0xda: {  	v8 =	vshll.u32 v8, $0x5;
	v6 =	vor.u32 v6, v7;
	v15 =	vld [tilespmem:s25+$0xFFFFFEE0]  }
0xdb: {  	v9 =	vshll.u32 v9, $0x4;
	v6 =	vor.u32 v8, v6;
	v7 =	vld [tilespmem:s25+$0xFFFFFF60]  }
0xdc: {  	v10 =	vshll.u32 v10, $0x3;
	v6 =	vor.u32 v9, v6;
	v8 =	vld [tilespmem:s25+$0xFFFFFFE0]  }
0xdd: {  	v6 =	vor.u32 v10, v6;
	v5 =	vshll.u32 v5, $0x2;
	v9 =	vld [tilespmem:s25+$0x60]  }
0xde: {  	v10 =	vld [tilespmem:s25+$0xE0];
	v5 =	vor.u32 v5, v6  }
0xdf: {  	v11 =	vshll.u32 v11, $0x1;
	v6 =	vld [tilespmem:s25+$0x160];
	v5 =	vor.u32 v12, v5  }
0xe0: {  	v5 =	vor.u32 v11, v5;
	v11 =	vld [tilespmem:s29+$0xFFFFFF40];
	v4 =	vshll.u32 v4, $0x7;
	v12 =	vshll.u32 v15, $0x6  }
0xe1: {  	v15 =	vld [tilespmem:s25+$0x1E0];
	v7 =	vshll.u32 v7, $0x5;
	v4 =	vor.u32 v4, v12  }
0xe2: {  	v14 =	vshll.u32 v14, $0x6;
	v8 =	vshll.u32 v8, $0x4;
	v4 =	vor.u32 v7, v4;
	v7 =	vld [tilespmem:s29+$0xFFFFFFC0]  }
0xe3: {  	v13 =	vshll.u32 v13, $0x7;
	v9 =	vshll.u32 v9, $0x3;
	v4 =	vor.u32 v8, v4;
	v8 =	vld [tilespmem:s29+$0x40]  }
0xe4: {  	v13 =	vor.u32 v13, v14;
	v10 =	vshll.u32 v10, $0x2;
	v4 =	vor.u32 v9, v4;
	v9 =	vld [tilespmem:s29+$0xC0]  }
0xe5: {  	v6 =	vshll.u32 v6, $0x1;
	v12 =	vand.u32 $0xFFFFFF80, v5;
	v4 =	vor.u32 v10, v4;
	v10 =	vld [tilespmem:s29+$0x140]  }
0xe6: {  	v12 =	vadd.s32 v5, v12;
	v11 =	vshll.u32 v11, $0x5;
	v4 =	vor.u32 v15, v4;
	v15 =	vld [tilespmem:s29+$0x1C0]  }
0xe7: {  	v4 =	vor.u32 v6, v4;
	v6 =	vshll.u32 v7, $0x4;
	v7 =	vor.u32 v11, v13  }
0xe8: {  	v11 =	vand.u32 $0xFFFFFF80, v4;
	v8 =	vshll.u32 v8, $0x3;
	v6 =	vor.u32 v6, v7  }
0xe9: {  	v7 =	vadd.s32 v4, v11;
	v9 =	vshll.u32 v9, $0x2;
	v6 =	vor.u32 v8, v6  }
0xea: {  	v16 =	vld [tilespmem:s29+$0x80];
	v6 =	vor.u32 v9, v6  }
0xeb: {  	v8 =	vld.idx.msk [tilespmem:v12+s10+$0x0], $0xffff;
	v10 =	vshll.u32 v10, $0x1;
	v6 =	vor.u32 v15, v6  }
0xec: {  	v5 =	vand.u32 $0x7F, v5;
	v11 =	vld [tilespmem:s29+$0xFFFFFE00];
	v6 =	vor.u32 v10, v6  }
0xed: {  	v4 =	vand.u32 $0x7F, v4;
	v9 =	vld [tilespmem:s29+$0xFFFFFE80];
	v14 =	vand.u32 $0xFFFFFF80, v7;
	v13 =	vand.u32 $0xFFFFFF80, v6  }
0xee: {  	v12 =	vand.u32 $0xFFFFFF80, v12;
	v4 =	vor.u32 v4, v14;
	v7 =	vld.idx.msk [tilespmem:v7+s10+$0x0], $0xffff;
	v13 =	vadd.s32 v6, v13  }
0xef: {  	v5 =	vor.u32 v5, v12;
	v12 =	vld [tilespmem:s29+$0x100];
	v4 =	vadd.s32 $0x80, v4  }
0xf0: {  	v10 =	vld [tilespmem:s29+$0xFFFFFF00]  }
0xf1: {  	v14 =	vld [tilespmem:s29+$0xFFFFFF80]  }
0xf2: {  	v15 =	vld [tilespmem:s29+$0x0];
	v6 =	vand.u32 $0x7F, v6;
	v17 =	vand.u32 $0xFFFFFF80, v13  }
0xf3: {  	v5 =	vadd.s32 $0x80, v5;
	v6 =	vor.u32 v6, v17;
	v13 =	vld.idx.msk [tilespmem:v13+s10+$0x0], $0xffff;
	[tilespmem:s20+$0xFFFFFFE0] =	vst v7  }
0xf4: {  	v6 =	vadd.s32 $0x80, v6;
	v7 =	vshll.u32 v9, $0x6;
	v9 =	vshll.u32 v11, $0x7;
	v4 =	vld.idx.msk [tilespmem:v4+s10+$0x0], $0xffff  }
0xf5: {  	v10 =	vshll.u32 v10, $0x5;
	v11 =	vld [tilespmem:s29+$0x180];
	v7 =	vor.u32 v9, v7  }
0xf6: {  	v9 =	vshll.u32 v14, $0x4;
	v7 =	vor.u32 v10, v7  }
0xf7: {  	s21 =	simm.s32 $0x10380;
	[tilespmem:s20+$0xFFFFFF90] =	vst v8;
	v8 =	vshll.u32 v15, $0x3;
	v7 =	vor.u32 v9, v7  }
0xf8: {  	v5 =	vld.idx.msk [tilespmem:v5+s10+$0x0], $0xffff;
	v9 =	vshll.u32 v16, $0x2;
	v7 =	vor.u32 v8, v7;
	[tilespmem:s21+$0xFFFFFFC0] =	vst v13  }
0xf9: {  	v7 =	vor.u32 v9, v7;
	v6 =	vld.idx.msk [tilespmem:v6+s10+$0x0], $0xffff;
	[tilespmem:s20+$0x60] =	vst v4  }
0xfa: {  	v4 =	vshll.u32 v12, $0x1;
	v7 =	vor.u32 v11, v7;
	v8 =	vld [tilespmem:s25+$0xFFFFFE70]  }
0xfb: {  	v4 =	vor.u32 v4, v7;
	v7 =	vld [tilespmem:s25+$0xFFFFFEF0]  }
0xfc: {  	v10 =	vld [tilespmem:s25+$0xFFFFFF70]  }
0xfd: {  	v11 =	vld [tilespmem:s25+$0xFFFFFFF0]  }
0xfe: {  	v12 =	vld [tilespmem:s25+$0x70]  }
0xff: {  	v13 =	vld [tilespmem:s25+$0xF0];
	v9 =	vand.u32 $0xFFFFFF80, v4  }
0x100: {  	v14 =	vld [tilespmem:s25+$0x170];
	v9 =	vadd.s32 v4, v9  }
0x101: {  	v15 =	vld [tilespmem:s25+$0x1F0];
	[tilespmem:s21+$0x40] =	vst v6  }
0x102: {  	v6 =	vld [tilespmem:s29+$0xFFFFFE50]  }
0x103: {  	v17 =	vld [tilespmem:s29+$0xFFFFFED0]  }
0x104: {  	v4 =	vand.u32 $0x7F, v4;
	v18 =	vld [tilespmem:s29+$0xFFFFFF50]  }
0x105: {  	v8 =	vshll.u32 v8, $0x7;
	v7 =	vshll.u32 v7, $0x6;
	v16 =	vld.idx.msk [tilespmem:v9+s10+$0x0], $0xffff;
	v9 =	vand.u32 $0xFFFFFF80, v9  }
0x106: {  	v7 =	vor.u32 v8, v7;
	v8 =	vld [tilespmem:s29+$0xFFFFFFD0];
	v4 =	vor.u32 v4, v9;
	v9 =	vshll.u32 v10, $0x5  }
0x107: {  	v10 =	vshll.u32 v11, $0x4;
	v11 =	vshll.u32 v12, $0x3;
	v7 =	vor.u32 v9, v7;
	v9 =	vld [tilespmem:s29+$0x50]  }
0x108: {  	v12 =	vld [tilespmem:s29+$0xD0];
	v4 =	vadd.s32 $0x80, v4;
	v7 =	vor.u32 v10, v7;
	v10 =	vshll.u32 v13, $0x2  }
0x109: {  	v6 =	vshll.u32 v6, $0x7;
	v13 =	vshll.u32 v17, $0x6;
	v7 =	vor.u32 v11, v7;
	v11 =	vld [tilespmem:s29+$0x150]  }
0x10a: {  	v17 =	vshll.u32 v18, $0x5;
	v6 =	vor.u32 v6, v13;
	v7 =	vor.u32 v10, v7;
	v10 =	vld [tilespmem:s29+$0x1D0]  }
0x10b: {  	s28 =	simm.s32 $0xA00;
	v13 =	vshll.u32 v14, $0x1;
	v8 =	vshll.u32 v8, $0x4;
	v6 =	vor.u32 v17, v6  }
0x10c: {  	v23 =	vld [tilespmem:s28+$0xFFFFFE40];
	v7 =	vor.u32 v15, v7;
	v6 =	vor.u32 v8, v6;
	v9 =	vshll.u32 v9, $0x3  }
0x10d: {  	v50 =	vld [tilespmem:s28+$0x140];
	[tilespmem:s20+$0x10] =	vst v5;
	v5 =	vor.u32 v13, v7;
	v7 =	vshll.u32 v12, $0x2;
	v6 =	vor.u32 v9, v6  }
0x10e: {  	v52 =	vld [tilespmem:s28+$0xFFFFFF80];
	v6 =	vor.u32 v7, v6  }
0x10f: {  	s23 =	simm.s32 $0xE00;
	v56 =	vld [tilespmem:s28+$0x180];
	v11 =	vshll.u32 v11, $0x1;
	v6 =	vor.u32 v10, v6  }
0x110: {  	v30 =	vld [tilespmem:s23+$0xFFFFFE40];
	[tilespmem:s21+$0xFFFFFF80] =	vst v16;
	v6 =	vor.u32 v11, v6  }
0x111: {  	v10 =	vld.idx.msk [tilespmem:v4+s10+$0x0], $0xffff;
	v4 =	vand.u32 $0xFFFFFF80, v6  }
0x112: {  	v8 =	vld [tilespmem:s25+$0xFFFFFE20];
	v13 =	vadd.s32 v6, v4  }
0x113: {  	v7 =	vld [tilespmem:s25+$0xFFFFFEA0]  }
0x114: {  	v14 =	vld [tilespmem:s25+$0x20]  }
0x115: {  	v12 =	vld [tilespmem:s25+$0xFFFFFFA0]  }
0x116: {  	v11 =	vld [tilespmem:s25+$0xFFFFFF20];
	v6 =	vand.u32 $0x7F, v6;
	v16 =	vand.u32 $0xFFFFFF80, v13  }
0x117: {  	v6 =	vor.u32 v6, v16;
	v13 =	vld.idx.msk [tilespmem:v13+s10+$0x0], $0xffff  }
0x118: {  	v8 =	vshll.u32 v8, $0x7;
	v7 =	vshll.u32 v7, $0x6;
	[tilespmem:s21+$0x0] =	vst v10;
	v10 =	vld [tilespmem:s25+$0xA0];
	v6 =	vadd.s32 $0x80, v6  }
0x119: {  	v7 =	vor.u32 v8, v7;
	v8 =	vld [tilespmem:s28+$0xFFFFFEC0]  }
0x11a: {  	v15 =	vld [tilespmem:s29+$0xFFFFFE10]  }
0x11b: {  	v16 =	vld [tilespmem:s29+$0xFFFFFE90]  }
0x11c: {  	v17 =	vld [tilespmem:s29+$0xFFFFFF10];
	[tilespmem:s21+$0xFFFFFFD0] =	vst v13  }
0x11d: {  	v6 =	vld.idx.msk [tilespmem:v6+s10+$0x0], $0xffff  }
0x11e: {  	v47 =	vld [tilespmem:s29+$0xFFFFFF90]  }
0x11f: {  	v19 =	vld [tilespmem:s29+$0x10]  }
0x120: {  	v20 =	vld [tilespmem:s29+$0x90]  }
0x121: {  	v21 =	vld [tilespmem:s29+$0x190]  }
0x122: {  	v11 =	vshll.u32 v11, $0x5;
	v13 =	vld [tilespmem:s29+$0x110];
	[tilespmem:s21+$0x50] =	vst v6  }
0x123: {  	v6 =	vor.u32 v11, v7;
	v7 =	vshll.u32 v12, $0x4;
	v11 =	vshll.u32 v14, $0x3;
	v12 =	vld [tilespmem:s29+$0xFFFFFE60]  }
0x124: {  	v14 =	vshll.u32 v16, $0x6;
	v6 =	vor.u32 v7, v6;
	v7 =	vshll.u32 v15, $0x7;
	v15 =	vld [tilespmem:s29+$0xFFFFFEE0]  }
0x125: {  	v48 =	vld [tilespmem:s29+$0xE0];
	v6 =	vor.u32 v11, v6;
	v11 =	vshll.u32 v17, $0x5;
	v7 =	vor.u32 v7, v14  }
0x126: {  	v49 =	vshll.u32 v23, $0x7;
	v16 =	vshll.u32 v47, $0x4;
	v14 =	vld [tilespmem:s29+$0xFFFFFF60];
	v7 =	vor.u32 v11, v7  }
0x127: {  	v9 =	vand.u32 $0xFFFFFF80, v5;
	v17 =	vshll.u32 v19, $0x3;
	v11 =	vld [tilespmem:s29+$0xFFFFFFE0];
	v7 =	vor.u32 v16, v7  }
0x128: {  	v10 =	vshll.u32 v10, $0x2;
	v16 =	vld [tilespmem:s29+$0x60];
	v7 =	vor.u32 v17, v7;
	v17 =	vshll.u32 v20, $0x2  }
0x129: {  	v6 =	vor.u32 v10, v6;
	v10 =	vshll.u32 v13, $0x1;
	v13 =	vld [tilespmem:s29+$0x160];
	v7 =	vor.u32 v17, v7  }
0x12a: {  	v12 =	vshll.u32 v12, $0x7;
	v15 =	vshll.u32 v15, $0x6;
	v17 =	vld [tilespmem:s29+$0x1E0];
	v7 =	vor.u32 v21, v7  }
0x12b: {  	v12 =	vor.u32 v12, v15;
	v7 =	vor.u32 v10, v7;
	v10 =	vshll.u32 v14, $0x5;
	v14 =	vld [tilespmem:s28+$0xFFFFFF40]  }
0x12c: {  	v9 =	vadd.s32 v5, v9;
	v11 =	vshll.u32 v11, $0x4;
	v10 =	vor.u32 v10, v12;
	v12 =	vld [tilespmem:s28+$0xFFFFFFC0]  }
0x12d: {  	v8 =	vshll.u32 v8, $0x6;
	v16 =	vshll.u32 v16, $0x3;
	v10 =	vor.u32 v11, v10;
	v11 =	vld [tilespmem:s28+$0x40]  }
0x12e: {  	v8 =	vor.u32 v49, v8;
	v18 =	vshll.u32 v48, $0x2;
	v10 =	vor.u32 v16, v10;
	v16 =	vld [tilespmem:s28+$0xC0]  }
0x12f: {  	v31 =	vld [tilespmem:s23+$0xFFFFFEC0];
	v13 =	vshll.u32 v13, $0x1;
	v15 =	vand.u32 $0xFFFFFF80, v7;
	v10 =	vor.u32 v18, v10  }
0x130: {  	v15 =	vadd.s32 v7, v15;
	v10 =	vor.u32 v17, v10;
	v17 =	vld [tilespmem:s28+$0x1C0];
	v14 =	vshll.u32 v14, $0x5  }
0x131: {  	v35 =	vld [tilespmem:s23+$0xFFFFFF40];
	v10 =	vor.u32 v13, v10;
	v12 =	vshll.u32 v12, $0x4;
	v8 =	vor.u32 v14, v8  }
0x132: {  	v39 =	vld [tilespmem:s23+$0xFFFFFE80];
	v14 =	vand.u32 $0xFFFFFF80, v10;
	v11 =	vshll.u32 v11, $0x3;
	v8 =	vor.u32 v12, v8  }
0x133: {  	v40 =	vld [tilespmem:s23+$0xFFFFFE00];
	v14 =	vadd.s32 v10, v14;
	v16 =	vshll.u32 v16, $0x2;
	v8 =	vor.u32 v11, v8  }
0x134: {  	v4 =	vld.idx.msk [tilespmem:v9+s10+$0x0], $0xffff;
	v8 =	vor.u32 v16, v8  }
0x135: {  	v13 =	vld.idx.msk [tilespmem:v15+s10+$0x0], $0xffff;
	v16 =	vshll.u32 v50, $0x1;
	v8 =	vor.u32 v17, v8  }
0x136: {  	v5 =	vand.u32 $0x7F, v5;
	v12 =	vld [tilespmem:s28+$0xFFFFFE80];
	v11 =	vand.u32 $0xFFFFFF80, v15;
	v8 =	vor.u32 v16, v8  }
0x137: {  	v15 =	vld [tilespmem:s28+$0xFFFFFE00];
	v10 =	vand.u32 $0x7F, v10;
	v54 =	vand.u32 $0xFFFFFF80, v14;
	v53 =	vand.u32 $0xFFFFFF80, v8  }
0x138: {  	v7 =	vand.u32 $0x7F, v7;
	v10 =	vor.u32 v10, v54;
	v14 =	vld.idx.msk [tilespmem:v14+s10+$0x0], $0xffff;
	v55 =	vadd.s32 v8, v53  }
0x139: {  	v9 =	vand.u32 $0xFFFFFF80, v9;
	v7 =	vor.u32 v7, v11;
	v11 =	vld [tilespmem:s28+$0xFFFFFF00];
	v10 =	vadd.s32 $0x80, v10  }
0x13a: {  	v5 =	vor.u32 v5, v9;
	v9 =	vld [tilespmem:s28+$0x80]  }
0x13b: {  	v5 =	vadd.s32 $0x80, v5;
	v16 =	vld [tilespmem:s28+$0x0];
	v12 =	vshll.u32 v12, $0x6  }
0x13c: {  	[tilespmem:s21+$0xFFFFFF90] =	vst v13;
	v13 =	vld [tilespmem:s28+$0x100];
	v15 =	vshll.u32 v15, $0x7;
	v8 =	vand.u32 $0x7F, v8;
	v57 =	vand.u32 $0xFFFFFF80, v55  }
0x13d: {  	v7 =	vadd.s32 $0x80, v7;
	v12 =	vor.u32 v15, v12;
	v8 =	vor.u32 v8, v57;
	v15 =	vld.idx.msk [tilespmem:v55+s10+$0x0], $0xffff;
	[tilespmem:s21+$0xFFFFFFE0] =	vst v14  }
0x13e: {  	v11 =	vshll.u32 v11, $0x5;
	v8 =	vadd.s32 $0x80, v8;
	v10 =	vld.idx.msk [tilespmem:v10+s10+$0x0], $0xffff  }
0x13f: {  	v22 =	vld [tilespmem:s25+$0x120];
	[tilespmem:s20+$0xFFFFFFF0] =	vst v4;
	v11 =	vor.u32 v11, v12;
	v14 =	vshll.u32 v52, $0x4  }
0x140: {  	v4 =	vld.idx.msk [tilespmem:v5+s10+$0x0], $0xffff;
	v5 =	vshll.u32 v16, $0x3;
	v11 =	vor.u32 v14, v11  }
0x141: {  	s22 =	simm.s32 $0x10480;
	v51 =	vld [tilespmem:s25+$0x1A0];
	v9 =	vshll.u32 v9, $0x2;
	v5 =	vor.u32 v5, v11  }
0x142: {  	v7 =	vld.idx.msk [tilespmem:v7+s10+$0x0], $0xffff;
	v5 =	vor.u32 v9, v5;
	[tilespmem:s22+$0xFFFFFFC0] =	vst v15  }
0x143: {  	v9 =	vshll.u32 v13, $0x1;
	v5 =	vor.u32 v56, v5;
	v8 =	vld.idx.msk [tilespmem:v8+s10+$0x0], $0xffff;
	[tilespmem:s21+$0x60] =	vst v10  }
0x144: {  	v5 =	vor.u32 v9, v5;
	v10 =	vld [tilespmem:s29+$0xFFFFFE70]  }
0x145: {  	v9 =	vand.u32 $0xFFFFFF80, v5;
	v13 =	vld [tilespmem:s29+$0xFFFFFEF0]  }
0x146: {  	v9 =	vadd.s32 v5, v9;
	v14 =	vld [tilespmem:s29+$0xFFFFFF70]  }
0x147: {  	v15 =	vld [tilespmem:s29+$0xFFFFFFF0]  }
0x148: {  	v16 =	vld [tilespmem:s29+$0x70]  }
0x149: {  	v59 =	vld [tilespmem:s29+$0xF0]  }
0x14a: {  	v60 =	vld [tilespmem:s29+$0x170]  }
0x14b: {  	v5 =	vand.u32 $0x7F, v5;
	v58 =	vand.u32 $0xFFFFFF80, v9;
	v9 =	vld.idx.msk [tilespmem:v9+s10+$0x0], $0xffff  }
0x14c: {  	v61 =	vld [tilespmem:s29+$0x1F0];
	v5 =	vor.u32 v5, v58;
	[tilespmem:s22+$0x40] =	vst v8  }
0x14d: {  	v6 =	vor.u32 v51, v6;
	v5 =	vadd.s32 $0x80, v5;
	v8 =	vld [tilespmem:s28+$0xFFFFFE50]  }
0x14e: {  	v17 =	vshll.u32 v22, $0x1;
	v62 =	vld [tilespmem:s28+$0xFFFFFED0];
	v10 =	vshll.u32 v10, $0x7;
	v13 =	vshll.u32 v13, $0x6  }
0x14f: {  	v6 =	vor.u32 v17, v6;
	v10 =	vor.u32 v10, v13;
	v13 =	vld [tilespmem:s28+$0xFFFFFFD0]  }
0x150: {  	v17 =	vand.u32 $0xFFFFFF80, v6;
	v14 =	vshll.u32 v14, $0x5;
	[tilespmem:s22+$0xFFFFFF80] =	vst v9;
	v9 =	vld [tilespmem:s28+$0xFFFFFF50]  }
0x151: {  	v17 =	vadd.s32 v6, v17;
	v10 =	vor.u32 v14, v10;
	v14 =	vld [tilespmem:s28+$0x50]  }
0x152: {  	v15 =	vshll.u32 v15, $0x4;
	v5 =	vld.idx.msk [tilespmem:v5+s10+$0x0], $0xffff  }
0x153: {  	v16 =	vshll.u32 v16, $0x3;
	v63 =	vld [tilespmem:s28+$0xD0];
	v10 =	vor.u32 v15, v10;
	v15 =	vshll.u32 v59, $0x2  }
0x154: {  	v10 =	vor.u32 v16, v10;
	v16 =	vld [tilespmem:s28+$0x150];
	v8 =	vshll.u32 v8, $0x7;
	v21 =	vshll.u32 v62, $0x6  }
0x155: {  	v10 =	vor.u32 v15, v10;
	v15 =	vld [tilespmem:s28+$0x1D0];
	v8 =	vor.u32 v8, v21;
	v9 =	vshll.u32 v9, $0x5  }
0x156: {  	v12 =	vld.idx.msk [tilespmem:v17+s10+$0x0], $0xffff;
	[tilespmem:s21+$0x10] =	vst v7;
	v13 =	vshll.u32 v13, $0x4;
	v10 =	vor.u32 v61, v10;
	v8 =	vor.u32 v9, v8  }
0x157: {  	v7 =	vld [tilespmem:s29+$0xFFFFFE20];
	v14 =	vshll.u32 v14, $0x3;
	[tilespmem:s22+$0x0] =	vst v5;
	v5 =	vshll.u32 v60, $0x1;
	v8 =	vor.u32 v13, v8  }
0x158: {  	v11 =	vld [tilespmem:s29+$0xFFFFFEA0];
	v5 =	vor.u32 v5, v10;
	v10 =	vshll.u32 v63, $0x2;
	v8 =	vor.u32 v14, v8  }
0x159: {  	v6 =	vand.u32 $0x7F, v6;
	v9 =	vld [tilespmem:s28+$0xFFFFFE10];
	v8 =	vor.u32 v10, v8  }
0x15a: {  	v17 =	vand.u32 $0xFFFFFF80, v17;
	v16 =	vshll.u32 v16, $0x1;
	v13 =	vld [tilespmem:s28+$0xFFFFFE90];
	v8 =	vor.u32 v15, v8  }
0x15b: {  	v6 =	vor.u32 v6, v17;
	v14 =	vld [tilespmem:s28+$0xFFFFFF10];
	v17 =	vand.u32 $0xFFFFFF80, v5;
	v8 =	vor.u32 v16, v8  }
0x15c: {  	v24 =	vld [tilespmem:s29+$0xFFFFFF20];
	v17 =	vadd.s32 v5, v17;
	v16 =	vand.u32 $0xFFFFFF80, v8  }
0x15d: {  	v10 =	vld [tilespmem:s28+$0xFFFFFF90];
	v16 =	vadd.s32 v8, v16  }
0x15e: {  	v15 =	vld [tilespmem:s28+$0x10]  }
0x15f: {  	v26 =	vld [tilespmem:s28+$0x90];
	v9 =	vshll.u32 v9, $0x7;
	v13 =	vshll.u32 v13, $0x6  }
0x160: {  	v25 =	vand.u32 $0xFFFFFF80, v17;
	v14 =	vshll.u32 v14, $0x5;
	v9 =	vor.u32 v9, v13;
	v13 =	vld [tilespmem:s28+$0x190]  }
0x161: {  	v8 =	vand.u32 $0x7F, v8;
	v9 =	vor.u32 v14, v9;
	v14 =	vld.idx.msk [tilespmem:v17+s10+$0x0], $0xffff;
	v17 =	vand.u32 $0xFFFFFF80, v16  }
0x162: {  	[tilespmem:s20+$0xFFFFFFA0] =	vst v12;
	v10 =	vshll.u32 v10, $0x4;
	v8 =	vor.u32 v8, v17;
	v12 =	vld.idx.msk [tilespmem:v16+s10+$0x0], $0xffff  }
0x163: {  	v27 =	vld [tilespmem:s28+$0x110];
	v15 =	vshll.u32 v15, $0x3;
	v9 =	vor.u32 v10, v9;
	v8 =	vadd.s32 $0x80, v8  }
0x164: {  	v28 =	vshll.u32 v26, $0x2;
	v10 =	vld [tilespmem:s29+$0xFFFFFFA0];
	v9 =	vor.u32 v15, v9  }
0x165: {  	v15 =	vld [tilespmem:s29+$0x20];
	v9 =	vor.u32 v28, v9  }
0x166: {  	v9 =	vor.u32 v13, v9;
	v13 =	vld [tilespmem:s29+$0xA0]  }
0x167: {  	v7 =	vshll.u32 v7, $0x7;
	v11 =	vshll.u32 v11, $0x6;
	v17 =	vld [tilespmem:s29+$0x1A0];
	[tilespmem:s22+$0xFFFFFFD0] =	vst v12  }
0x168: {  	v18 =	vshll.u32 v24, $0x5;
	v7 =	vor.u32 v7, v11;
	v12 =	vld.idx.msk [tilespmem:v8+s10+$0x0], $0xffff  }
0x169: {  	v42 =	vld [tilespmem:s23+$0x0];
	v7 =	vor.u32 v18, v7;
	v10 =	vshll.u32 v10, $0x4  }
0x16a: {  	v44 =	vld [tilespmem:s23+$0x100];
	v15 =	vshll.u32 v15, $0x3;
	v7 =	vor.u32 v10, v7  }
0x16b: {  	v45 =	vld [tilespmem:s23+$0x180];
	v16 =	vshll.u32 v27, $0x1;
	v7 =	vor.u32 v15, v7;
	v13 =	vshll.u32 v13, $0x2  }
0x16c: {  	v9 =	vor.u32 v16, v9;
	v16 =	vld [tilespmem:s29+$0x120];
	v7 =	vor.u32 v13, v7  }
0x16d: {  	v7 =	vor.u32 v17, v7;
	v17 =	vld [tilespmem:s23+$0x40];
	[tilespmem:s22+$0x50] =	vst v12  }
0x16e: {  	v12 =	vld [tilespmem:s28+$0xFFFFFE60]  }
0x16f: {  	v32 =	vld [tilespmem:s28+$0xFFFFFEE0]  }
0x170: {  	v6 =	vadd.s32 $0x80, v6;
	v11 =	vld [tilespmem:s28+$0xFFFFFF60]  }
0x171: {  	v33 =	vld [tilespmem:s28+$0xFFFFFFE0]  }
0x172: {  	v5 =	vand.u32 $0x7F, v5;
	[tilespmem:s21+$0xFFFFFFF0] =	vst v14;
	v14 =	vand.u32 $0xFFFFFF80, v9;
	v10 =	vld [tilespmem:s28+$0x60]  }
0x173: {  	v36 =	vshll.u32 v30, $0x7;
	v5 =	vor.u32 v5, v25;
	v14 =	vadd.s32 v9, v14;
	v15 =	vld [tilespmem:s28+$0xE0]  }
0x174: {  	v37 =	vshll.u32 v31, $0x6;
	v5 =	vadd.s32 $0x80, v5;
	v9 =	vand.u32 $0x7F, v9;
	v34 =	vld [tilespmem:s28+$0x160]  }
0x175: {  	v6 =	vld.idx.msk [tilespmem:v6+s10+$0x0], $0xffff;
	v16 =	vshll.u32 v16, $0x1;
	v12 =	vshll.u32 v12, $0x7;
	v22 =	vshll.u32 v32, $0x6  }
0x176: {  	v7 =	vor.u32 v16, v7;
	v13 =	vld [tilespmem:s28+$0x1E0];
	v11 =	vshll.u32 v11, $0x5;
	v12 =	vor.u32 v12, v22  }
0x177: {  	v17 =	vshll.u32 v17, $0x3;
	v18 =	vshll.u32 v33, $0x4;
	v11 =	vor.u32 v11, v12;
	v12 =	vld [tilespmem:s23+$0xFFFFFFC0]  }
0x178: {  	v29 =	vld.idx.msk [tilespmem:v14+s10+$0x0], $0xffff;
	v10 =	vshll.u32 v10, $0x3;
	v15 =	vshll.u32 v15, $0x2;
	v11 =	vor.u32 v18, v11  }
0x179: {  	v38 =	vshll.u32 v34, $0x1;
	v10 =	vor.u32 v10, v11;
	v11 =	vand.u32 $0xFFFFFF80, v14;
	v14 =	vld [tilespmem:s23+$0xC0]  }
0x17a: {  	v22 =	vshll.u32 v35, $0x5;
	v18 =	vor.u32 v36, v37;
	v10 =	vor.u32 v15, v10;
	v15 =	vld [tilespmem:s23+$0x140]  }
0x17b: {  	v18 =	vor.u32 v22, v18;
	v9 =	vor.u32 v9, v11;
	v10 =	vor.u32 v13, v10;
	v13 =	vld [tilespmem:s23+$0x1C0]  }
0x17c: {  	v24 =	vld [tilespmem:s23+$0x80];
	[tilespmem:s20+$0x20] =	vst v6;
	v11 =	vand.u32 $0xFFFFFF80, v7;
	v9 =	vadd.s32 $0x80, v9;
	v12 =	vshll.u32 v12, $0x4  }
0x17d: {  	v6 =	vld [tilespmem:s25+$0xFFFFFE30];
	v43 =	vadd.s32 v7, v11;
	v10 =	vor.u32 v38, v10;
	v12 =	vor.u32 v12, v18  }
0x17e: {  	v5 =	vld.idx.msk [tilespmem:v5+s10+$0x0], $0xffff;
	v21 =	vand.u32 $0xFFFFFF80, v10;
	v14 =	vshll.u32 v14, $0x2;
	v12 =	vor.u32 v17, v12  }
0x17f: {  	v8 =	vld [tilespmem:s25+$0xFFFFFEB0];
	v41 =	vadd.s32 v10, v21;
	v12 =	vor.u32 v14, v12  }
0x180: {  	v16 =	vld [tilespmem:s23+$0xFFFFFF00];
	[tilespmem:s22+$0xFFFFFF90] =	vst v29;
	v14 =	vshll.u32 v15, $0x1;
	v12 =	vor.u32 v13, v12  }
0x181: {  	v9 =	vld.idx.msk [tilespmem:v9+s10+$0x0], $0xffff;
	v12 =	vor.u32 v14, v12  }
0x182: {  	v17 =	vld [tilespmem:s23+$0xFFFFFF80];
	v11 =	vand.u32 $0xFFFFFF80, v12  }
0x183: {  	v10 =	vand.u32 $0x7F, v10;
	v25 =	vld.idx.msk [tilespmem:v43+s10+$0x0], $0xffff;
	v14 =	vand.u32 $0xFFFFFF80, v41;
	v15 =	vadd.s32 v12, v11  }
0x184: {  	v10 =	vor.u32 v10, v14;
	v13 =	vld.idx.msk [tilespmem:v41+s10+$0x0], $0xffff;
	v12 =	vand.u32 $0x7F, v12;
	v14 =	vand.u32 $0xFFFFFF80, v15  }
0x185: {  	v10 =	vadd.s32 $0x80, v10;
	v11 =	vld [tilespmem:s25+$0xFFFFFF30];
	v12 =	vor.u32 v12, v14  }
0x186: {  	[tilespmem:s22+$0x10] =	vst v9;
	v27 =	vadd.s32 $0x80, v12;
	v12 =	vld [tilespmem:s25+$0xFFFFFFB0]  }
0x187: {  	v54 =	vld [tilespmem:s28+$0xFFFFFF20]  }
0x188: {  	v56 =	vld [tilespmem:s28+$0xFFFFFFA0]  }
0x189: {  	v26 =	vld.idx.msk [tilespmem:v15+s10+$0x0], $0xffff;
	[tilespmem:s22+$0xFFFFFFE0] =	vst v13  }
0x18a: {  	v10 =	vld.idx.msk [tilespmem:v10+s10+$0x0], $0xffff  }
0x18b: {  	v14 =	vshll.u32 v40, $0x7;
	v37 =	vld [tilespmem:s28+$0x20];
	v13 =	vshll.u32 v39, $0x6  }
0x18c: {  	v40 =	vld [tilespmem:s28+$0xA0];
	v15 =	vshll.u32 v16, $0x5;
	v14 =	vor.u32 v14, v13  }
0x18d: {  	s24 =	simm.s32 $0x10580;
	v9 =	vshll.u32 v17, $0x4;
	v13 =	vld [tilespmem:s25+$0x30];
	v15 =	vor.u32 v15, v14  }
0x18e: {  	v16 =	vshll.u32 v42, $0x3;
	v14 =	vld [tilespmem:s28+$0xFFFFFE20];
	v9 =	vor.u32 v9, v15;
	[tilespmem:s24+$0xFFFFFFC0] =	vst v26  }
0x18f: {  	v17 =	vshll.u32 v24, $0x2;
	v9 =	vor.u32 v16, v9;
	v16 =	vld.idx.msk [tilespmem:v27+s10+$0x0], $0xffff;
	[tilespmem:s22+$0x60] =	vst v10  }
0x190: {  	v9 =	vor.u32 v17, v9;
	v10 =	vld [tilespmem:s28+$0xFFFFFE70]  }
0x191: {  	v17 =	vshll.u32 v44, $0x1;
	v9 =	vor.u32 v45, v9;
	v46 =	vld [tilespmem:s28+$0xFFFFFEF0]  }
0x192: {  	v9 =	vor.u32 v17, v9;
	v17 =	vld [tilespmem:s28+$0xFFFFFF70]  }
0x193: {  	v48 =	vld [tilespmem:s28+$0xFFFFFFF0];
	v47 =	vand.u32 $0xFFFFFF80, v9  }
0x194: {  	v49 =	vld [tilespmem:s28+$0x70];
	v19 =	vadd.s32 v9, v47  }
0x195: {  	v50 =	vld [tilespmem:s28+$0xF0]  }
0x196: {  	v51 =	vld [tilespmem:s28+$0x170];
	v10 =	vshll.u32 v10, $0x7;
	v18 =	vshll.u32 v46, $0x6  }
0x197: {  	v52 =	vld [tilespmem:s28+$0x1F0];
	v9 =	vand.u32 $0x7F, v9;
	v17 =	vshll.u32 v17, $0x5;
	v10 =	vor.u32 v10, v18  }
0x198: {  	v15 =	vld [tilespmem:s28+$0xFFFFFEA0];
	v53 =	vand.u32 $0xFFFFFF80, v19;
	v20 =	vshll.u32 v48, $0x4;
	v10 =	vor.u32 v17, v10  }
0x199: {  	v9 =	vor.u32 v9, v53;
	v55 =	vshll.u32 v49, $0x3;
	v17 =	vld.idx.msk [tilespmem:v19+s10+$0x0], $0xffff;
	v10 =	vor.u32 v20, v10  }
0x19a: {  	v47 =	vld [tilespmem:s28+$0x1A0];
	[tilespmem:s24+$0x40] =	vst v16;
	v9 =	vadd.s32 $0x80, v9;
	v16 =	vshll.u32 v50, $0x2;
	v10 =	vor.u32 v55, v10  }
0x19b: {  	v57 =	vld [tilespmem:s23+$0xFFFFFFD0];
	v10 =	vor.u32 v16, v10  }
0x19c: {  	v58 =	vshll.u32 v51, $0x1;
	v59 =	vld [tilespmem:s23+$0xFFFFFED0];
	v10 =	vor.u32 v52, v10  }
0x19d: {  	v16 =	vld [tilespmem:s23+$0xFFFFFE50];
	v10 =	vor.u32 v58, v10  }
0x19e: {  	[tilespmem:s24+$0xFFFFFF80] =	vst v17;
	v17 =	vld [tilespmem:s23+$0xFFFFFF50];
	v19 =	vand.u32 $0xFFFFFF80, v10  }
0x19f: {  	v9 =	vld.idx.msk [tilespmem:v9+s10+$0x0], $0xffff;
	v19 =	vadd.s32 v10, v19  }
0x1a0: {  	v60 =	vld [tilespmem:s23+$0x50]  }
0x1a1: {  	v61 =	vld [tilespmem:s23+$0xD0]  }
0x1a2: {  	v62 =	vld [tilespmem:s23+$0x150];
	v21 =	vshll.u32 v59, $0x6;
	v16 =	vshll.u32 v16, $0x7  }
0x1a3: {  	v28 =	vld [tilespmem:s23+$0x1D0];
	v16 =	vor.u32 v16, v21;
	v17 =	vshll.u32 v17, $0x5  }
0x1a4: {  	[tilespmem:s24+$0x0] =	vst v9;
	v9 =	vshll.u32 v57, $0x4;
	v16 =	vor.u32 v17, v16;
	v63 =	vld.idx.msk [tilespmem:v19+s10+$0x0], $0xffff  }
0x1a5: {  	v30 =	vshll.u32 v60, $0x3;
	v17 =	vld [tilespmem:s23+$0xFFFFFE10];
	v9 =	vor.u32 v9, v16  }
0x1a6: {  	v7 =	vand.u32 $0x7F, v7;
	v32 =	vshll.u32 v61, $0x2;
	v16 =	vld [tilespmem:s23+$0xFFFFFE90];
	v9 =	vor.u32 v30, v9  }
0x1a7: {  	v10 =	vand.u32 $0x7F, v10;
	v33 =	vld [tilespmem:s23+$0xFFFFFF10];
	v19 =	vand.u32 $0xFFFFFF80, v19;
	v9 =	vor.u32 v32, v9  }
0x1a8: {  	v35 =	vshll.u32 v62, $0x1;
	v34 =	vld [tilespmem:s23+$0xFFFFFF90];
	v10 =	vor.u32 v10, v19;
	v9 =	vor.u32 v28, v9  }
0x1a9: {  	v31 =	vand.u32 $0xFFFFFF80, v43;
	v36 =	vld [tilespmem:s23+$0x10];
	v10 =	vadd.s32 $0x80, v10;
	v9 =	vor.u32 v35, v9  }
0x1aa: {  	v7 =	vor.u32 v7, v31;
	v38 =	vld [tilespmem:s23+$0x90];
	v19 =	vand.u32 $0xFFFFFF80, v9  }
0x1ab: {  	v39 =	vld [tilespmem:s23+$0x110];
	v17 =	vshll.u32 v17, $0x7;
	v16 =	vshll.u32 v16, $0x6;
	v19 =	vadd.s32 v9, v19  }
0x1ac: {  	v29 =	vld [tilespmem:s23+$0x190];
	v18 =	vshll.u32 v33, $0x5;
	v16 =	vor.u32 v17, v16;
	v17 =	vadd.s32 $0x80, v7  }
0x1ad: {  	[tilespmem:s22+$0xFFFFFFF0] =	vst v63;
	v7 =	vshll.u32 v34, $0x4;
	v16 =	vor.u32 v18, v16;
	v18 =	vld [tilespmem:s25+$0x130]  }
0x1ae: {  	v41 =	vshll.u32 v36, $0x3;
	v16 =	vor.u32 v7, v16;
	v7 =	vld.idx.msk [tilespmem:v10+s10+$0x0], $0xffff  }
0x1af: {  	v10 =	vor.u32 v41, v16;
	v16 =	vld [tilespmem:s28+$0x120]  }
0x1b0: {  	[tilespmem:s21+$0xFFFFFFA0] =	vst v25;
	v9 =	vand.u32 $0x7F, v9;
	v42 =	vand.u32 $0xFFFFFF80, v19;
	v44 =	vld.idx.msk [tilespmem:v19+s10+$0x0], $0xffff  }
0x1b1: {  	v9 =	vor.u32 v9, v42;
	v46 =	vld.idx.msk [tilespmem:v17+s10+$0x0], $0xffff  }
0x1b2: {  	v9 =	vadd.s32 $0x80, v9;
	v19 =	vld [tilespmem:s25+$0xB0]  }
0x1b3: {  	v17 =	vld [tilespmem:s25+$0x1B0];
	s25 =	simm.s32 $0x1200  }
0x1b4: {  	v51 =	vld [tilespmem:s25+$0xFFFFFE40]  }
0x1b5: {  	v30 =	vld [tilespmem:s25+$0xFFFFFEC0]  }
0x1b6: {  	v20 =	vshll.u32 v56, $0x4;
	v56 =	vld [tilespmem:s25+$0xFFFFFF40];
	[tilespmem:s24+$0xFFFFFFD0] =	vst v44  }
0x1b7: {  	v24 =	vld.idx.msk [tilespmem:v9+s10+$0x0], $0xffff  }
0x1b8: {  	v58 =	vld [tilespmem:s25+$0xFFFFFFC0]  }
0x1b9: {  	v59 =	vld [tilespmem:s25+$0x40]  }
0x1ba: {  	v61 =	vld [tilespmem:s25+$0xC0]  }
0x1bb: {  	v63 =	vld [tilespmem:s25+$0x140]  }
0x1bc: {  	v14 =	vshll.u32 v14, $0x7;
	v15 =	vshll.u32 v15, $0x6;
	v35 =	vld [tilespmem:s25+$0x1C0];
	[tilespmem:s24+$0x50] =	vst v24  }
0x1bd: {  	v27 =	vshll.u32 v54, $0x5;
	v14 =	vor.u32 v14, v15;
	v43 =	vshll.u32 v38, $0x2;
	v24 =	vld [tilespmem:s23+$0xFFFFFE60]  }
0x1be: {  	v22 =	vshll.u32 v37, $0x3;
	v14 =	vor.u32 v27, v14;
	v10 =	vor.u32 v43, v10;
	v31 =	vld [tilespmem:s23+$0xFFFFFEE0]  }
0x1bf: {  	v14 =	vor.u32 v20, v14;
	v45 =	vshll.u32 v39, $0x1;
	v10 =	vor.u32 v29, v10;
	v15 =	vld [tilespmem:s23+$0xFFFFFF60]  }
0x1c0: {  	v23 =	vshll.u32 v40, $0x2;
	v14 =	vor.u32 v22, v14;
	v48 =	vor.u32 v45, v10;
	v52 =	vld [tilespmem:s23+$0xFFFFFFE0]  }
0x1c1: {  	v14 =	vor.u32 v23, v14;
	v10 =	vand.u32 $0xFFFFFF80, v48;
	v53 =	vld [tilespmem:s23+$0x60]  }
0x1c2: {  	v14 =	vor.u32 v47, v14;
	v49 =	vadd.s32 v48, v10;
	v54 =	vld [tilespmem:s23+$0xE0]  }
0x1c3: {  	v57 =	vand.u32 $0x7F, v48;
	v16 =	vshll.u32 v16, $0x1;
	v60 =	vand.u32 $0xFFFFFF80, v49;
	v32 =	vld [tilespmem:s23+$0x160]  }
0x1c4: {  	v36 =	vld [tilespmem:s25+$0xFFFFFE80];
	v62 =	vshll.u32 v51, $0x7;
	v24 =	vshll.u32 v24, $0x7;
	v31 =	vshll.u32 v31, $0x6  }
0x1c5: {  	v33 =	vshll.u32 v30, $0x6;
	v55 =	vld [tilespmem:s23+$0x1E0];
	v15 =	vshll.u32 v15, $0x5;
	v24 =	vor.u32 v24, v31  }
0x1c6: {  	v37 =	vld [tilespmem:s25+$0xFFFFFE00];
	v26 =	vshll.u32 v58, $0x4;
	v27 =	vshll.u32 v52, $0x4;
	v15 =	vor.u32 v15, v24  }
0x1c7: {  	v40 =	vld [tilespmem:s25+$0xFFFFFF80];
	v28 =	vor.u32 v62, v33;
	v20 =	vshll.u32 v53, $0x3;
	v15 =	vor.u32 v27, v15  }
0x1c8: {  	v41 =	vld [tilespmem:s25+$0x0];
	v22 =	vshll.u32 v54, $0x2;
	v34 =	vshll.u32 v32, $0x1;
	v15 =	vor.u32 v20, v15  }
0x1c9: {  	v50 =	vld.idx.msk [tilespmem:v49+s10+$0x0], $0xffff;
	v31 =	vshll.u32 v56, $0x5;
	v20 =	vor.u32 v57, v60;
	v15 =	vor.u32 v22, v15  }
0x1ca: {  	v42 =	vld [tilespmem:s25+$0x80];
	v28 =	vor.u32 v31, v28;
	v20 =	vadd.s32 $0x80, v20;
	v15 =	vor.u32 v55, v15  }
0x1cb: {  	v45 =	vld [tilespmem:s25+$0x100];
	[tilespmem:s21+$0x20] =	vst v46;
	v25 =	vshll.u32 v59, $0x3;
	v26 =	vor.u32 v26, v28;
	v15 =	vor.u32 v34, v15  }
0x1cc: {  	v9 =	vld [tilespmem:s29+$0xFFFFFE30];
	v25 =	vor.u32 v25, v26;
	v22 =	vshll.u32 v63, $0x1;
	v30 =	vand.u32 $0xFFFFFF80, v15  }
0x1cd: {  	v10 =	vld [tilespmem:s29+$0xFFFFFEB0];
	v38 =	vadd.s32 v15, v30;
	v30 =	vor.u32 v16, v14;
	v16 =	vshll.u32 v61, $0x2  }
0x1ce: {  	[tilespmem:s24+$0xFFFFFF90] =	vst v50;
	v14 =	vld [tilespmem:s25+$0xFFFFFF00];
	v15 =	vand.u32 $0x7F, v15;
	v39 =	vand.u32 $0xFFFFFF80, v30;
	v16 =	vor.u32 v16, v25  }
0x1cf: {  	v44 =	vand.u32 $0xFFFFFF80, v38;
	v20 =	vld.idx.msk [tilespmem:v20+s10+$0x0], $0xffff;
	v16 =	vor.u32 v35, v16;
	v23 =	vadd.s32 v30, v39  }
0x1d0: {  	v33 =	vld [tilespmem:s25+$0x180];
	v15 =	vor.u32 v15, v44;
	v16 =	vor.u32 v22, v16  }
0x1d1: {  	v46 =	vadd.s32 $0x80, v15;
	v15 =	vld [tilespmem:s29+$0xFFFFFF30];
	v22 =	vand.u32 $0xFFFFFF80, v16  }
0x1d2: {  	v43 =	vld.idx.msk [tilespmem:v38+s10+$0x0], $0xffff;
	v22 =	vadd.s32 v16, v22  }
0x1d3: {  	v48 =	vshll.u32 v36, $0x6;
	v49 =	vshll.u32 v37, $0x7;
	v51 =	vshll.u32 v14, $0x5;
	v14 =	vld [tilespmem:s29+$0x30]  }
0x1d4: {  	v21 =	vor.u32 v49, v48;
	[tilespmem:s24+$0x10] =	vst v20;
	v25 =	vld.idx.msk [tilespmem:v23+s10+$0x0], $0xffff  }
0x1d5: {  	v26 =	vshll.u32 v40, $0x4;
	v21 =	vor.u32 v51, v21;
	v20 =	vld [tilespmem:s23+$0xFFFFFE20]  }
0x1d6: {  	v26 =	vor.u32 v26, v21;
	v21 =	vld [tilespmem:s23+$0xFFFFFEA0]  }
0x1d7: {  	v16 =	vand.u32 $0x7F, v16;
	v34 =	vld.idx.msk [tilespmem:v22+s10+$0x0], $0xffff;
	v22 =	vand.u32 $0xFFFFFF80, v22  }
0x1d8: {  	v27 =	vshll.u32 v41, $0x3;
	v24 =	vld [tilespmem:s23+$0xFFFFFF20];
	[tilespmem:s24+$0xFFFFFFE0] =	vst v43;
	v16 =	vor.u32 v16, v22  }
0x1d9: {  	v52 =	vshll.u32 v42, $0x2;
	v26 =	vor.u32 v27, v26;
	v47 =	vld.idx.msk [tilespmem:v46+s10+$0x0], $0xffff;
	v50 =	vadd.s32 $0x80, v16  }
0x1da: {  	v49 =	vld [tilespmem:s23+$0xA0];
	v26 =	vor.u32 v52, v26  }
0x1db: {  	v54 =	vshll.u32 v45, $0x1;
	v27 =	vld [tilespmem:s23+$0x20];
	v26 =	vor.u32 v33, v26  }
0x1dc: {  	s26 =	simm.s32 $0x10680;
	v22 =	vor.u32 v54, v26;
	v54 =	vld [tilespmem:s23+$0x120]  }
0x1dd: {  	v16 =	vld [tilespmem:s29+$0xFFFFFFB0];
	[tilespmem:s26+$0xFFFFFFC0] =	vst v34  }
0x1de: {  	[tilespmem:s24+$0x60] =	vst v47;
	v53 =	vld.idx.msk [tilespmem:v50+s10+$0x0], $0xffff  }
0x1df: {  	v55 =	vld [tilespmem:s23+$0xFFFFFE70]  }
0x1e0: {  	v56 =	vld [tilespmem:s23+$0xFFFFFEF0]  }
0x1e1: {  	v57 =	vand.u32 $0xFFFFFF80, v22;
	v58 =	vld [tilespmem:s23+$0xFFFFFF70]  }
0x1e2: {  	v29 =	vadd.s32 v22, v57;
	v59 =	vld [tilespmem:s23+$0xFFFFFFF0]  }
0x1e3: {  	v60 =	vld [tilespmem:s23+$0x70]  }
0x1e4: {  	v61 =	vld [tilespmem:s23+$0xF0]  }
0x1e5: {  	v35 =	vld [tilespmem:s23+$0x170]  }
0x1e6: {  	v22 =	vand.u32 $0x7F, v22;
	v62 =	vand.u32 $0xFFFFFF80, v29;
	v36 =	vld [tilespmem:s23+$0x1F0]  }
0x1e7: {  	v6 =	vshll.u32 v6, $0x7;
	v22 =	vor.u32 v22, v62;
	v29 =	vld.idx.msk [tilespmem:v29+s10+$0x0], $0xffff  }
0x1e8: {  	v8 =	vshll.u32 v8, $0x6;
	v22 =	vadd.s32 $0x80, v22;
	v26 =	vshll.u32 v56, $0x6;
	[tilespmem:s26+$0x40] =	vst v53;
	v56 =	vld [tilespmem:s23+$0x1A0]  }
0x1e9: {  	v6 =	vor.u32 v6, v8;
	v8 =	vshll.u32 v11, $0x5;
	v38 =	vld [tilespmem:s25+$0xFFFFFFD0]  }
0x1ea: {  	v6 =	vor.u32 v8, v6;
	v28 =	vshll.u32 v55, $0x7;
	v39 =	vld [tilespmem:s25+$0xFFFFFE50]  }
0x1eb: {  	v8 =	vshll.u32 v12, $0x4;
	v31 =	vshll.u32 v58, $0x5;
	v26 =	vor.u32 v28, v26;
	v41 =	vld [tilespmem:s25+$0xFFFFFED0]  }
0x1ec: {  	v6 =	vor.u32 v8, v6;
	v32 =	vshll.u32 v59, $0x4;
	[tilespmem:s26+$0xFFFFFF80] =	vst v29;
	v42 =	vld [tilespmem:s25+$0xFFFFFF50];
	v26 =	vor.u32 v31, v26  }
0x1ed: {  	v12 =	vshll.u32 v13, $0x3;
	v63 =	vshll.u32 v60, $0x3;
	v22 =	vld.idx.msk [tilespmem:v22+s10+$0x0], $0xffff;
	v26 =	vor.u32 v32, v26  }
0x1ee: {  	v6 =	vor.u32 v12, v6;
	v37 =	vshll.u32 v61, $0x2;
	v11 =	vld [tilespmem:s25+$0x50];
	v26 =	vor.u32 v63, v26  }
0x1ef: {  	v18 =	vshll.u32 v18, $0x1;
	v40 =	vshll.u32 v35, $0x1;
	v13 =	vld [tilespmem:s25+$0xD0];
	v26 =	vor.u32 v37, v26  }
0x1f0: {  	v8 =	vld [tilespmem:s25+$0x150];
	v26 =	vor.u32 v36, v26;
	v32 =	vshll.u32 v39, $0x7;
	v34 =	vshll.u32 v41, $0x6  }
0x1f1: {  	v12 =	vld [tilespmem:s25+$0x1D0];
	v29 =	vshll.u32 v42, $0x5;
	v26 =	vor.u32 v40, v26;
	v32 =	vor.u32 v32, v34  }
0x1f2: {  	v28 =	vld [tilespmem:s23+$0xFFFFFFA0];
	v31 =	vshll.u32 v38, $0x4;
	[tilespmem:s26+$0x0] =	vst v22;
	v33 =	vand.u32 $0xFFFFFF80, v26;
	v29 =	vor.u32 v29, v32  }
0x1f3: {  	v11 =	vshll.u32 v11, $0x3;
	v45 =	vld [tilespmem:s25+$0xFFFFFE10];
	v33 =	vadd.s32 v26, v33;
	v44 =	vor.u32 v31, v29  }
0x1f4: {  	v19 =	vshll.u32 v19, $0x2;
	v13 =	vshll.u32 v13, $0x2;
	v46 =	vld [tilespmem:s25+$0xFFFFFE90];
	v11 =	vor.u32 v11, v44  }
0x1f5: {  	v30 =	vand.u32 $0x7F, v30;
	v23 =	vand.u32 $0xFFFFFF80, v23;
	v48 =	vld [tilespmem:s25+$0x10];
	v11 =	vor.u32 v13, v11  }
0x1f6: {  	v8 =	vshll.u32 v8, $0x1;
	v26 =	vand.u32 $0x7F, v26;
	v13 =	vld [tilespmem:s25+$0xFFFFFF10];
	v11 =	vor.u32 v12, v11  }
0x1f7: {  	v47 =	vand.u32 $0xFFFFFF80, v33;
	v12 =	vld [tilespmem:s25+$0xFFFFFF90];
	v11 =	vor.u32 v8, v11;
	v8 =	vor.u32 v30, v23  }
0x1f8: {  	v6 =	vor.u32 v19, v6;
	v26 =	vor.u32 v26, v47;
	v43 =	vld.idx.msk [tilespmem:v33+s10+$0x0], $0xffff;
	v52 =	vadd.s32 $0x80, v8  }
0x1f9: {  	v6 =	vor.u32 v17, v6;
	v51 =	vld [tilespmem:s25+$0x90];
	v26 =	vadd.s32 $0x80, v26;
	v50 =	vand.u32 $0xFFFFFF80, v11  }
0x1fa: {  	v17 =	vld [tilespmem:s25+$0x110];
	v29 =	vshll.u32 v45, $0x7;
	v22 =	vshll.u32 v46, $0x6;
	v23 =	vadd.s32 v11, v50  }
0x1fb: {  	v53 =	vld [tilespmem:s25+$0x190];
	v22 =	vor.u32 v29, v22;
	v11 =	vand.u32 $0x7F, v11;
	v13 =	vshll.u32 v13, $0x5  }
0x1fc: {  	[tilespmem:s22+$0xFFFFFFA0] =	vst v25;
	v12 =	vshll.u32 v12, $0x4;
	v13 =	vor.u32 v13, v22;
	v22 =	vor.u32 v18, v6;
	v18 =	vld [tilespmem:s29+$0xB0]  }
0x1fd: {  	v55 =	vand.u32 $0xFFFFFF80, v23;
	v6 =	vshll.u32 v48, $0x3;
	v12 =	vor.u32 v12, v13;
	[tilespmem:s24+$0xFFFFFFF0] =	vst v43;
	v29 =	vld.idx.msk [tilespmem:v52+s10+$0x0], $0xffff  }
0x1fe: {  	v30 =	vshll.u32 v51, $0x2;
	v11 =	vor.u32 v11, v55;
	v6 =	vor.u32 v6, v12;
	v8 =	vld.idx.msk [tilespmem:v26+s10+$0x0], $0xffff  }
0x1ff: {  	v13 =	vand.u32 $0xFFFFFF80, v22;
	v57 =	vadd.s32 $0x80, v11;
	v12 =	vld.idx.msk [tilespmem:v23+s10+$0x0], $0xffff;
	v6 =	vor.u32 v30, v6  }
0x200: {  	v23 =	vadd.s32 v22, v13;
	v13 =	vshll.u32 v17, $0x1;
	v17 =	vld [tilespmem:s29+$0x1B0];
	v6 =	vor.u32 v53, v6  }
0x201: {  	v58 =	vor.u32 v13, v6;
	v13 =	vld [tilespmem:s29+$0x130];
	s29 =	simm.s32 $0x1600  }
0x202: {  	v60 =	vld [tilespmem:s29+$0xFFFFFE40]  }
0x203: {  	v61 =	vld [tilespmem:s29+$0xFFFFFEC0]  }
0x204: {  	v45 =	vld [tilespmem:s29+$0xFFFFFF40];
	[tilespmem:s26+$0xFFFFFFD0] =	vst v12  }
0x205: {  	v30 =	vld.idx.msk [tilespmem:v57+s10+$0x0], $0xffff  }
0x206: {  	v47 =	vld [tilespmem:s29+$0xFFFFFFC0]  }
0x207: {  	v48 =	vld [tilespmem:s29+$0x40]  }
0x208: {  	v50 =	vld [tilespmem:s29+$0xC0]  }
0x209: {  	v20 =	vshll.u32 v20, $0x7;
	v21 =	vshll.u32 v21, $0x6;
	v52 =	vld [tilespmem:s29+$0x140]  }
0x20a: {  	v24 =	vshll.u32 v24, $0x5;
	v20 =	vor.u32 v20, v21;
	v55 =	vld [tilespmem:s29+$0x1C0];
	[tilespmem:s26+$0x50] =	vst v30  }
0x20b: {  	v20 =	vor.u32 v24, v20;
	v39 =	vshll.u32 v28, $0x4;
	v30 =	vld [tilespmem:s25+$0xFFFFFE60]  }
0x20c: {  	v27 =	vshll.u32 v27, $0x3;
	v20 =	vor.u32 v39, v20;
	v62 =	vld [tilespmem:s25+$0xFFFFFEE0]  }
0x20d: {  	v19 =	vshll.u32 v49, $0x2;
	v20 =	vor.u32 v27, v20;
	v63 =	vld [tilespmem:s25+$0xFFFFFF60]  }
0x20e: {  	v19 =	vor.u32 v19, v20;
	v6 =	vand.u32 $0xFFFFFF80, v58;
	v40 =	vld [tilespmem:s25+$0xFFFFFFE0]  }
0x20f: {  	v19 =	vor.u32 v56, v19;
	v26 =	vshll.u32 v54, $0x1;
	v59 =	vadd.s32 v58, v6;
	v41 =	vld [tilespmem:s25+$0x60]  }
0x210: {  	v26 =	vor.u32 v26, v19;
	v46 =	vand.u32 $0x7F, v58;
	v49 =	vand.u32 $0xFFFFFF80, v59;
	v42 =	vld [tilespmem:s25+$0xE0]  }
0x211: {  	v51 =	vshll.u32 v60, $0x7;
	v43 =	vld [tilespmem:s25+$0x160];
	v30 =	vshll.u32 v30, $0x7;
	v35 =	vshll.u32 v62, $0x6  }
0x212: {  	v53 =	vshll.u32 v61, $0x6;
	v44 =	vld [tilespmem:s25+$0x1E0];
	v21 =	vshll.u32 v63, $0x5;
	v30 =	vor.u32 v30, v35  }
0x213: {  	v56 =	vld [tilespmem:s29+$0xFFFFFE80];
	v31 =	vshll.u32 v47, $0x4;
	v28 =	vshll.u32 v40, $0x4;
	v21 =	vor.u32 v21, v30  }
0x214: {  	[tilespmem:s22+$0x20] =	vst v29;
	v11 =	vld.idx.msk [tilespmem:v23+s10+$0x0], $0xffff;
	v32 =	vor.u32 v51, v53;
	v24 =	vshll.u32 v41, $0x3;
	v21 =	vor.u32 v28, v21  }
0x215: {  	v6 =	vld [tilespmem:s28+$0xFFFFFE30];
	v27 =	vshll.u32 v42, $0x2;
	v35 =	vshll.u32 v45, $0x5;
	v21 =	vor.u32 v24, v21  }
0x216: {  	v12 =	vld [tilespmem:s28+$0xFFFFFEB0];
	v25 =	vshll.u32 v48, $0x3;
	v32 =	vor.u32 v35, v32;
	v21 =	vor.u32 v27, v21  }
0x217: {  	v57 =	vld [tilespmem:s29+$0xFFFFFE00];
	v54 =	vshll.u32 v43, $0x1;
	v31 =	vor.u32 v31, v32;
	v20 =	vor.u32 v44, v21  }
0x218: {  	v60 =	vshll.u32 v50, $0x2;
	v29 =	vld.idx.msk [tilespmem:v59+s10+$0x0], $0xffff;
	v25 =	vor.u32 v25, v31;
	v20 =	vor.u32 v54, v20  }
0x219: {  	v59 =	vld [tilespmem:s29+$0xFFFFFF00];
	v24 =	vor.u32 v46, v49;
	v19 =	vor.u32 v60, v25;
	v34 =	vand.u32 $0xFFFFFF80, v20  }
0x21a: {  	v62 =	vld [tilespmem:s29+$0xFFFFFF80];
	v27 =	vshll.u32 v52, $0x1;
	v19 =	vor.u32 v55, v19;
	v58 =	vadd.s32 v20, v34  }
0x21b: {  	v61 =	vand.u32 $0xFFFFFF80, v26;
	v63 =	vld [tilespmem:s29+$0x0];
	v24 =	vadd.s32 $0x80, v24;
	v21 =	vor.u32 v27, v19  }
0x21c: {  	v40 =	vld [tilespmem:s29+$0x80];
	v28 =	vadd.s32 v26, v61;
	v19 =	vand.u32 $0xFFFFFF80, v21  }
0x21d: {  	v42 =	vld [tilespmem:s29+$0x100];
	v37 =	vadd.s32 v21, v19  }
0x21e: {  	v44 =	vld [tilespmem:s29+$0x180];
	v20 =	vand.u32 $0x7F, v20;
	v32 =	vand.u32 $0xFFFFFF80, v58  }
0x21f: {  	[tilespmem:s26+$0xFFFFFF90] =	vst v29;
	v43 =	vor.u32 v20, v32;
	v41 =	vld.idx.msk [tilespmem:v58+s10+$0x0], $0xffff  }
0x220: {  	v24 =	vld.idx.msk [tilespmem:v24+s10+$0x0], $0xffff;
	v20 =	vadd.s32 $0x80, v43  }
0x221: {  	v19 =	vld.idx.msk [tilespmem:v28+s10+$0x0], $0xffff  }
0x222: {  	v21 =	vand.u32 $0x7F, v21;
	v45 =	vld.idx.msk [tilespmem:v37+s10+$0x0], $0xffff;
	v37 =	vand.u32 $0xFFFFFF80, v37  }
0x223: {  	v32 =	vld [tilespmem:s28+$0xFFFFFF30];
	v21 =	vor.u32 v21, v37  }
0x224: {  	v47 =	vshll.u32 v56, $0x6;
	v48 =	vshll.u32 v57, $0x7;
	v49 =	vadd.s32 $0x80, v21;
	v21 =	vld [tilespmem:s28+$0xFFFFFFB0];
	[tilespmem:s26+$0xFFFFFFE0] =	vst v41  }
0x225: {  	v33 =	vor.u32 v48, v47;
	v34 =	vshll.u32 v59, $0x5;
	[tilespmem:s26+$0x10] =	vst v24;
	v46 =	vld.idx.msk [tilespmem:v20+s10+$0x0], $0xffff  }
0x226: {  	v50 =	vshll.u32 v62, $0x4;
	v51 =	vor.u32 v34, v33;
	v52 =	vld [tilespmem:s25+$0xFFFFFE20]  }
0x227: {  	v25 =	vshll.u32 v63, $0x3;
	v24 =	vor.u32 v50, v51;
	v53 =	vld [tilespmem:s25+$0xFFFFFEA0]  }
0x228: {  	s30 =	simm.s32 $0x10780;
	v31 =	vshll.u32 v40, $0x2;
	v24 =	vor.u32 v25, v24;
	v54 =	vld [tilespmem:s25+$0xFFFFFF20]  }
0x229: {  	v39 =	vld [tilespmem:s25+$0xFFFFFFA0];
	v24 =	vor.u32 v31, v24;
	[tilespmem:s30+$0xFFFFFFC0] =	vst v45  }
0x22a: {  	v55 =	vshll.u32 v42, $0x1;
	v24 =	vor.u32 v44, v24;
	v27 =	vld.idx.msk [tilespmem:v49+s10+$0x0], $0xffff;
	[tilespmem:s26+$0x60] =	vst v46  }
0x22b: {  	v9 =	vshll.u32 v9, $0x7;
	v10 =	vshll.u32 v10, $0x6;
	v24 =	vor.u32 v55, v24;
	v56 =	vld [tilespmem:s25+$0xFFFFFE70]  }
0x22c: {  	v9 =	vor.u32 v9, v10;
	v10 =	vshll.u32 v15, $0x5;
	v58 =	vand.u32 $0xFFFFFF80, v24;
	v57 =	vld [tilespmem:s25+$0xFFFFFEF0]  }
0x22d: {  	v9 =	vor.u32 v10, v9;
	v10 =	vshll.u32 v16, $0x4;
	v15 =	vadd.s32 v24, v58;
	v59 =	vld [tilespmem:s25+$0xFFFFFF70]  }
0x22e: {  	v14 =	vshll.u32 v14, $0x3;
	v9 =	vor.u32 v10, v9;
	v60 =	vld [tilespmem:s25+$0xFFFFFFF0]  }
0x22f: {  	v9 =	vor.u32 v14, v9;
	v16 =	vld [tilespmem:s25+$0x70]  }
0x230: {  	v22 =	vand.u32 $0x7F, v22;
	v14 =	vshll.u32 v18, $0x2;
	v23 =	vand.u32 $0xFFFFFF80, v23;
	v10 =	vld [tilespmem:s25+$0xF0]  }
0x231: {  	v22 =	vor.u32 v22, v23;
	v61 =	vand.u32 $0x7F, v24;
	v63 =	vand.u32 $0xFFFFFF80, v15;
	v62 =	vld [tilespmem:s25+$0x170]  }
0x232: {  	v23 =	vor.u32 v61, v63;
	v15 =	vld.idx.msk [tilespmem:v15+s10+$0x0], $0xffff;
	v29 =	vshll.u32 v56, $0x7;
	v31 =	vshll.u32 v57, $0x6  }
0x233: {  	v23 =	vadd.s32 $0x80, v23;
	v38 =	vld [tilespmem:s25+$0x1F0];
	[tilespmem:s30+$0x40] =	vst v27;
	v35 =	vshll.u32 v59, $0x5;
	v29 =	vor.u32 v29, v31  }
0x234: {  	v9 =	vor.u32 v14, v9;
	v41 =	vld [tilespmem:s29+$0xFFFFFFD0];
	v34 =	vshll.u32 v60, $0x4;
	v29 =	vor.u32 v35, v29  }
0x235: {  	v9 =	vor.u32 v17, v9;
	v14 =	vld [tilespmem:s29+$0xFFFFFE50];
	v16 =	vshll.u32 v16, $0x3;
	v29 =	vor.u32 v34, v29  }
0x236: {  	v13 =	vshll.u32 v13, $0x1;
	v17 =	vld [tilespmem:s29+$0xFFFFFED0];
	v10 =	vshll.u32 v10, $0x2;
	v16 =	vor.u32 v16, v29  }
0x237: {  	v9 =	vor.u32 v13, v9;
	v13 =	vld [tilespmem:s29+$0xFFFFFF50];
	[tilespmem:s30+$0xFFFFFF80] =	vst v15;
	v10 =	vor.u32 v10, v16  }
0x238: {  	v23 =	vld.idx.msk [tilespmem:v23+s10+$0x0], $0xffff;
	v16 =	vshll.u32 v62, $0x1;
	v10 =	vor.u32 v38, v10  }
0x239: {  	v6 =	vshll.u32 v6, $0x7;
	v12 =	vshll.u32 v12, $0x6;
	v40 =	vld [tilespmem:s25+$0x20];
	v10 =	vor.u32 v16, v10  }
0x23a: {  	v22 =	vadd.s32 $0x80, v22;
	v6 =	vor.u32 v6, v12;
	v45 =	vld [tilespmem:s29+$0x50];
	v15 =	vand.u32 $0xFFFFFF80, v10  }
0x23b: {  	v47 =	vld [tilespmem:s29+$0xD0];
	v14 =	vshll.u32 v14, $0x7;
	v17 =	vshll.u32 v17, $0x6;
	v15 =	vadd.s32 v10, v15  }
0x23c: {  	v42 =	vand.u32 $0xFFFFFF80, v28;
	v12 =	vld [tilespmem:s29+$0x150];
	v13 =	vshll.u32 v13, $0x5;
	v14 =	vor.u32 v14, v17  }
0x23d: {  	v43 =	vand.u32 $0xFFFFFF80, v9;
	v17 =	vld [tilespmem:s29+$0x1D0];
	v13 =	vor.u32 v13, v14;
	v14 =	vshll.u32 v41, $0x4;
	[tilespmem:s30+$0x0] =	vst v23  }
0x23e: {  	v51 =	vshll.u32 v32, $0x5;
	v44 =	vand.u32 $0x7F, v9;
	v13 =	vor.u32 v14, v13;
	v14 =	vld [tilespmem:s29+$0xFFFFFE10]  }
0x23f: {  	v9 =	vadd.s32 v9, v43;
	v25 =	vshll.u32 v54, $0x5;
	v58 =	vshll.u32 v40, $0x3;
	v50 =	vld [tilespmem:s29+$0xFFFFFE90]  }
0x240: {  	v49 =	vshll.u32 v45, $0x3;
	v10 =	vand.u32 $0x7F, v10;
	v48 =	vld.idx.msk [tilespmem:v15+s10+$0x0], $0xffff;
	v15 =	vand.u32 $0xFFFFFF80, v15  }
0x241: {  	v13 =	vor.u32 v49, v13;
	v56 =	vld [tilespmem:s29+$0x90];
	v10 =	vor.u32 v10, v15;
	v15 =	vshll.u32 v47, $0x2  }
0x242: {  	v16 =	vand.u32 $0x7F, v26;
	v10 =	vadd.s32 $0x80, v10;
	v13 =	vor.u32 v15, v13;
	v15 =	vld [tilespmem:s29+$0xFFFFFF10]  }
0x243: {  	v26 =	vor.u32 v51, v6;
	v6 =	vshll.u32 v12, $0x1;
	v12 =	vor.u32 v17, v13;
	v13 =	vld [tilespmem:s29+$0xFFFFFF90]  }
0x244: {  	v20 =	vld [tilespmem:s28+$0x30];
	v46 =	vand.u32 $0xFFFFFF80, v9;
	v16 =	vor.u32 v16, v42;
	v14 =	vshll.u32 v14, $0x7  }
0x245: {  	v17 =	vshll.u32 v52, $0x7;
	v52 =	vshll.u32 v53, $0x6;
	v53 =	vld [tilespmem:s25+$0xA0];
	v6 =	vor.u32 v6, v12  }
0x246: {  	v23 =	vshll.u32 v50, $0x6;
	v59 =	vshll.u32 v56, $0x2;
	v12 =	vld [tilespmem:s29+$0x10];
	v54 =	vand.u32 $0xFFFFFF80, v6;
	[tilespmem:s26+$0xFFFFFFF0] =	vst v48  }
0x247: {  	v14 =	vor.u32 v14, v23;
	v55 =	vadd.s32 v6, v54;
	v57 =	vld.idx.msk [tilespmem:v10+s10+$0x0], $0xffff;
	v10 =	vshll.u32 v15, $0x5  }
0x248: {  	v17 =	vor.u32 v17, v52;
	v10 =	vor.u32 v10, v14;
	v14 =	vld [tilespmem:s29+$0x110];
	v13 =	vshll.u32 v13, $0x4  }
0x249: {  	v17 =	vor.u32 v25, v17;
	v15 =	vadd.s32 $0x80, v16;
	v10 =	vor.u32 v13, v10;
	v13 =	vld [tilespmem:s29+$0x190]  }
0x24a: {  	v60 =	vld [tilespmem:s25+$0x1A0];
	v6 =	vand.u32 $0x7F, v6;
	v16 =	vshll.u32 v39, $0x4;
	v18 =	vand.u32 $0xFFFFFF80, v55  }
0x24b: {  	v16 =	vor.u32 v16, v17;
	v17 =	vld [tilespmem:s25+$0x120];
	v18 =	vor.u32 v6, v18;
	v12 =	vshll.u32 v12, $0x3  }
0x24c: {  	[tilespmem:s20+$0x70] =	vst v4;
	v4 =	vshll.u32 v53, $0x2;
	v16 =	vor.u32 v58, v16;
	v10 =	vor.u32 v12, v10;
	v12 =	vld.idx.msk [tilespmem:v55+s10+$0x0], $0xffff  }
0x24d: {  	[tilespmem:s24+$0xFFFFFFA0] =	vst v19;
	v18 =	vadd.s32 $0x80, v18;
	v4 =	vor.u32 v4, v16;
	v16 =	vld [tilespmem:s28+$0x1B0];
	v10 =	vor.u32 v59, v10  }
0x24e: {  	v20 =	vshll.u32 v20, $0x3;
	v61 =	vld.idx.msk [tilespmem:v15+s10+$0x0], $0xffff;
	v14 =	vshll.u32 v14, $0x1;
	v10 =	vor.u32 v13, v10  }
0x24f: {  	v24 =	vor.u32 v44, v46;
	v15 =	vshll.u32 v21, $0x4;
	v13 =	vld [tilespmem:s28+$0xB0];
	v10 =	vor.u32 v14, v10  }
0x250: {  	[tilespmem:s21+$0x70] =	vst v5;
	v19 =	vor.u32 v60, v4;
	v4 =	vld.idx.msk [tilespmem:v9+s10+$0x0], $0xffff;
	v5 =	vor.u32 v15, v26;
	v15 =	vand.u32 $0xFFFFFF80, v10  }
0x251: {  	v6 =	vadd.s32 $0x80, v24;
	v14 =	vld [tilespmem:s28+$0x130];
	[tilespmem:s30+$0xFFFFFFD0] =	vst v12;
	v12 =	vshll.u32 v17, $0x1;
	v17 =	vadd.s32 v10, v15  }
0x252: {  	[tilespmem:s20+$0xFFFFFFB0] =	vst v11;
	v9 =	vand.u32 $0x7F, v10;
	v15 =	vld.idx.msk [tilespmem:v18+s10+$0x0], $0xffff;
	v11 =	vor.u32 v12, v19;
	v10 =	vand.u32 $0xFFFFFF80, v17  }
0x253: {  	v62 =	vor.u32 v20, v5;
	[tilespmem:s24+$0x20] =	vst v61;
	v5 =	vand.u32 $0xFFFFFF80, v11;
	v12 =	vor.u32 v9, v10;
	v9 =	vld.idx.msk [tilespmem:v22+s10+$0x0], $0xffff  }
0x254: {  	[tilespmem:s22+$0x70] =	vst v7;
	v7 =	vand.u32 $0x7F, v11;
	v10 =	vadd.s32 v11, v5;
	v5 =	vld [tilespmem:s23+$0xFFFFFE30];
	v11 =	vshll.u32 v13, $0x2  }
0x255: {  	[tilespmem:s24+$0x70] =	vst v8;
	v8 =	vadd.s32 $0x80, v12;
	v63 =	vand.u32 $0xFFFFFF80, v10;
	v12 =	vld [tilespmem:s23+$0xFFFFFEB0];
	v11 =	vor.u32 v11, v62  }
0x256: {  	s31 =	simm.s32 $0x1A00;
	[tilespmem:s26+$0x70] =	vst v57;
	s28 =	simm.s32 $0xA;
	v13 =	vshll.u32 v14, $0x1;
	v7 =	vor.u32 v7, v63;
	v11 =	vor.u32 v16, v11;
	v14 =	vld.idx.msk [tilespmem:v17+s10+$0x0], $0xffff  }
.LBB2_2:
0x257: {  	v16 =	vld [tilespmem:s31+$0xFFFFFE40];
	v7 =	vadd.s32 $0x80, v7;
	v11 =	vor.u32 v13, v11;
	[tilespmem:s21+$0xFFFFFFB0] =	vst v4  }
0x258: {  	v13 =	vld [tilespmem:s31+$0xFFFFFEC0];
	[tilespmem:s30+$0x50] =	vst v15;
	v4 =	vand.u32 $0xFFFFFF80, v11;
	v15 =	vand.u32 $0x7F, v11  }
0x259: {  	v17 =	vld [tilespmem:s29+$0xFFFFFE60];
	v5 =	vshll.u32 v5, $0x7;
	v4 =	vadd.s32 v11, v4;
	[tilespmem:s20+$0x30] =	vst v9;
	s20 =	smov.u32 s21;
	s21 =	smov.u32 s22;
	s22 =	smov.u32 s24  }
0x25a: {  	s24 =	smov.u32 s26;
	s26 =	smov.u32 s30;
	v9 =	vld [tilespmem:s29+$0xFFFFFEE0];
	v11 =	vshll.u32 v12, $0x6;
	v12 =	vand.u32 $0xFFFFFF80, v4  }
0x25b: {  	v18 =	vld [tilespmem:s29+$0xFFFFFF60];
	v11 =	vor.u32 v5, v11;
	v5 =	vor.u32 v15, v12  }
0x25c: {  	[tilespmem:s30+$0xFFFFFF90] =	vst v14;
	v12 =	vld [tilespmem:s29+$0xFFFFFFE0];
	v5 =	vadd.s32 $0x80, v5  }
0x25d: {  	v14 =	vld [tilespmem:s29+$0x60]  }
0x25e: {  	v15 =	vld [tilespmem:s29+$0xE0]  }
0x25f: {  	v17 =	vshll.u32 v17, $0x7;
	v19 =	vld [tilespmem:s29+$0x160];
	v9 =	vshll.u32 v9, $0x6  }
0x260: {  	v20 =	vld [tilespmem:s29+$0x1E0];
	v18 =	vshll.u32 v18, $0x5;
	v9 =	vor.u32 v17, v9  }
0x261: {  	v17 =	vld [tilespmem:s31+$0xFFFFFF40];
	v12 =	vshll.u32 v12, $0x4;
	v9 =	vor.u32 v18, v9  }
0x262: {  	v18 =	vld [tilespmem:s31+$0xFFFFFFC0];
	v14 =	vshll.u32 v14, $0x3;
	v9 =	vor.u32 v12, v9  }
0x263: {  	v12 =	vld [tilespmem:s31+$0x40];
	v15 =	vshll.u32 v15, $0x2;
	v9 =	vor.u32 v14, v9  }
0x264: {  	v16 =	vshll.u32 v16, $0x7;
	v14 =	vld [tilespmem:s31+$0xC0];
	v9 =	vor.u32 v15, v9  }
0x265: {  	v13 =	vshll.u32 v13, $0x6;
	v19 =	vshll.u32 v19, $0x1;
	v15 =	vld [tilespmem:s31+$0x140];
	v9 =	vor.u32 v20, v9  }
0x266: {  	v13 =	vor.u32 v16, v13;
	v20 =	vld [tilespmem:s31+$0x1C0];
	v17 =	vshll.u32 v17, $0x5;
	v9 =	vor.u32 v19, v9  }
0x267: {  	v16 =	vld [tilespmem:s31+$0xFFFFFE80];
	v18 =	vshll.u32 v18, $0x4;
	v13 =	vor.u32 v17, v13;
	v17 =	vand.u32 $0xFFFFFF80, v9  }
0x268: {  	v19 =	vld [tilespmem:s31+$0xFFFFFE00];
	v12 =	vshll.u32 v12, $0x3;
	v13 =	vor.u32 v18, v13;
	v17 =	vadd.s32 v9, v17  }
0x269: {  	s28 =	sadd.s32 $0x2, s28;
	v18 =	vld [tilespmem:s31+$0xFFFFFF00];
	v14 =	vshll.u32 v14, $0x2;
	v12 =	vor.u32 v12, v13  }
0x26a: {  	p0 =	slt.u32 s28, $0x3E;
	v13 =	vld [tilespmem:s31+$0xFFFFFF80];
	v12 =	vor.u32 v14, v12  }
0x26b: {  	v15 =	vshll.u32 v15, $0x1;
	v14 =	vld [tilespmem:s31+$0x0];
	v12 =	vor.u32 v20, v12  }
0x26c: {  	v20 =	vld [tilespmem:s31+$0x80];
	v16 =	vshll.u32 v16, $0x6;
	v12 =	vor.u32 v15, v12  }
0x26d: {  	v9 =	vand.u32 $0x7F, v9;
	v15 =	vand.u32 $0xFFFFFF80, v12;
	v21 =	vld.idx.msk [tilespmem:v17+s10+$0x0], $0xffff;
	v17 =	vand.u32 $0xFFFFFF80, v17  }
0x26e: {  	v19 =	vshll.u32 v19, $0x7;
	v22 =	vld [tilespmem:s31+$0x100];
	v15 =	vadd.s32 v12, v15;
	v9 =	vor.u32 v9, v17  }
0x26f: {  	v18 =	vshll.u32 v18, $0x5;
	v16 =	vor.u32 v19, v16;
	v17 =	vld [tilespmem:s31+$0x180];
	v9 =	vadd.s32 $0x80, v9  }
0x270: {  	v13 =	vshll.u32 v13, $0x4;
	v16 =	vor.u32 v18, v16;
	v14 =	vshll.u32 v14, $0x3;
	v8 =	vld.idx.msk [tilespmem:v8+s10+$0x0], $0xffff  }
0x271: {  	v13 =	vor.u32 v13, v16;
	v18 =	vshll.u32 v20, $0x2;
	v10 =	vld.idx.msk [tilespmem:v10+s10+$0x0], $0xffff  }
0x272: {  	v13 =	vor.u32 v14, v13;
	v14 =	vld [tilespmem:s23+$0xFFFFFF30]  }
0x273: {  	v12 =	vand.u32 $0x7F, v12;
	v13 =	vor.u32 v18, v13;
	v16 =	vld.idx.msk [tilespmem:v15+s10+$0x0], $0xffff;
	v15 =	vand.u32 $0xFFFFFF80, v15;
	[tilespmem:s30+$0xFFFFFFE0] =	vst v21  }
0x274: {  	v18 =	vshll.u32 v22, $0x1;
	v13 =	vor.u32 v17, v13;
	v12 =	vor.u32 v12, v15;
	v9 =	vld.idx.msk [tilespmem:v9+s10+$0x0], $0xffff  }
0x275: {  	v13 =	vor.u32 v18, v13;
	v12 =	vadd.s32 $0x80, v12;
	v15 =	vld [tilespmem:s23+$0xFFFFFFB0]  }
0x276: {  	v17 =	vand.u32 $0xFFFFFF80, v13;
	v18 =	vand.u32 $0x7F, v13;
	[tilespmem:s30+$0x10] =	vst v8;
	v8 =	vld [tilespmem:s23+$0x30]  }
0x277: {  	v13 =	vadd.s32 v13, v17;
	v17 =	vld [tilespmem:s29+$0xFFFFFE20];
	[tilespmem:s24+$0xFFFFFFA0] =	vst v10;
	v10 =	vshll.u32 v14, $0x5  }
0x278: {  	s30 =	sadd.s32 $0x100, s30;
	v14 =	vand.u32 $0xFFFFFF80, v13;
	v19 =	vld [tilespmem:s29+$0xFFFFFEA0];
	v10 =	vor.u32 v10, v11  }
0x279: {  	v11 =	vor.u32 v18, v14;
	[tilespmem:s30+$0xFFFFFFC0] =	vst v16;
	v14 =	vld [tilespmem:s29+$0xFFFFFF20]  }
0x27a: {  	v16 =	vadd.s32 $0x80, v11;
	v12 =	vld.idx.msk [tilespmem:v12+s10+$0x0], $0xffff;
	[tilespmem:s26+$0x60] =	vst v9;
	v9 =	vshll.u32 v15, $0x4  }
0x27b: {  	v15 =	vld [tilespmem:s29+$0xFFFFFE70];
	v8 =	vshll.u32 v8, $0x3;
	v9 =	vor.u32 v9, v10  }
0x27c: {  	v10 =	vshll.u32 v17, $0x7;
	v17 =	vld [tilespmem:s29+$0xFFFFFEF0];
	v11 =	vor.u32 v8, v9  }
0x27d: {  	v8 =	vshll.u32 v19, $0x6;
	v9 =	vld [tilespmem:s29+$0xFFFFFF70]  }
0x27e: {  	v14 =	vshll.u32 v14, $0x5;
	v8 =	vor.u32 v10, v8;
	v10 =	vld [tilespmem:s29+$0xFFFFFFF0]  }
0x27f: {  	v8 =	vor.u32 v14, v8;
	v14 =	vld [tilespmem:s29+$0x70]  }
0x280: {  	v18 =	vld [tilespmem:s29+$0xF0]  }
0x281: {  	v15 =	vshll.u32 v15, $0x7;
	v19 =	vld [tilespmem:s29+$0x170];
	v17 =	vshll.u32 v17, $0x6  }
0x282: {  	v20 =	vld [tilespmem:s29+$0x1F0];
	v9 =	vshll.u32 v9, $0x5;
	v15 =	vor.u32 v15, v17  }
0x283: {  	v13 =	vld.idx.msk [tilespmem:v13+s10+$0x0], $0xffff;
	v10 =	vshll.u32 v10, $0x4;
	v9 =	vor.u32 v9, v15  }
0x284: {  	v15 =	vld [tilespmem:s29+$0xFFFFFFA0];
	v14 =	vshll.u32 v14, $0x3;
	v9 =	vor.u32 v10, v9  }
0x285: {  	[tilespmem:s30+$0x40] =	vst v12;
	v10 =	vld [tilespmem:s29+$0x20];
	v12 =	vshll.u32 v18, $0x2;
	v9 =	vor.u32 v14, v9  }
0x286: {  	v14 =	vld [tilespmem:s31+$0xFFFFFFD0];
	v9 =	vor.u32 v12, v9  }
0x287: {  	v17 =	vshll.u32 v19, $0x1;
	v12 =	vld [tilespmem:s31+$0xFFFFFE50];
	v9 =	vor.u32 v20, v9  }
0x288: {  	v18 =	vld [tilespmem:s31+$0xFFFFFED0];
	v9 =	vor.u32 v17, v9  }
0x289: {  	[tilespmem:s30+$0xFFFFFF80] =	vst v13;
	v13 =	vld [tilespmem:s31+$0xFFFFFF50];
	v15 =	vshll.u32 v15, $0x4;
	v17 =	vand.u32 $0xFFFFFF80, v9  }
0x28a: {  	v16 =	vld.idx.msk [tilespmem:v16+s10+$0x0], $0xffff;
	v10 =	vshll.u32 v10, $0x3;
	v8 =	vor.u32 v15, v8;
	v15 =	vadd.s32 v9, v17  }
0x28b: {  	v17 =	vld [tilespmem:s31+$0x50];
	v8 =	vor.u32 v10, v8  }
0x28c: {  	v10 =	vld [tilespmem:s31+$0xD0]  }
0x28d: {  	v12 =	vshll.u32 v12, $0x7;
	v19 =	vld [tilespmem:s31+$0x150];
	v18 =	vshll.u32 v18, $0x6  }
0x28e: {  	v14 =	vshll.u32 v14, $0x4;
	v20 =	vld [tilespmem:s31+$0x1D0];
	v13 =	vshll.u32 v13, $0x5;
	v12 =	vor.u32 v12, v18  }
0x28f: {  	v9 =	vand.u32 $0x7F, v9;
	v12 =	vor.u32 v13, v12;
	v13 =	vld.idx.msk [tilespmem:v15+s10+$0x0], $0xffff;
	v15 =	vand.u32 $0xFFFFFF80, v15  }
0x290: {  	[tilespmem:s30+$0x0] =	vst v16;
	v16 =	vshll.u32 v17, $0x3;
	v12 =	vor.u32 v14, v12;
	v14 =	vld [tilespmem:s29+$0xA0];
	v9 =	vor.u32 v9, v15  }
0x291: {  	v15 =	vld [tilespmem:s31+$0xFFFFFE10];
	v10 =	vshll.u32 v10, $0x2;
	v12 =	vor.u32 v16, v12;
	v9 =	vadd.s32 $0x80, v9  }
0x292: {  	v16 =	vld [tilespmem:s31+$0xFFFFFE90];
	v10 =	vor.u32 v10, v12  }
0x293: {  	v17 =	vshll.u32 v19, $0x1;
	v12 =	vld [tilespmem:s31+$0xFFFFFF10];
	v10 =	vor.u32 v20, v10  }
0x294: {  	v18 =	vld [tilespmem:s31+$0xFFFFFF90];
	v10 =	vor.u32 v17, v10  }
0x295: {  	v17 =	vld [tilespmem:s31+$0x10];
	v19 =	vand.u32 $0xFFFFFF80, v10;
	v14 =	vshll.u32 v14, $0x2;
	[tilespmem:s26+$0xFFFFFFF0] =	vst v13  }
0x296: {  	v13 =	vshll.u32 v15, $0x7;
	v15 =	vadd.s32 v10, v19;
	v8 =	vor.u32 v14, v8;
	v9 =	vld.idx.msk [tilespmem:v9+s10+$0x0], $0xffff  }
0x297: {  	v14 =	vld [tilespmem:s31+$0x90];
	v16 =	vshll.u32 v16, $0x6  }
0x298: {  	v19 =	vld [tilespmem:s31+$0x110];
	v12 =	vshll.u32 v12, $0x5;
	v13 =	vor.u32 v13, v16  }
0x299: {  	v16 =	vld [tilespmem:s31+$0x190];
	v18 =	vshll.u32 v18, $0x4;
	v12 =	vor.u32 v12, v13  }
0x29a: {  	v13 =	vshll.u32 v17, $0x3;
	v12 =	vor.u32 v18, v12;
	v17 =	vld [tilespmem:s29+$0x120]  }
0x29b: {  	v10 =	vand.u32 $0x7F, v10;
	v12 =	vor.u32 v13, v12;
	v13 =	vld.idx.msk [tilespmem:v15+s10+$0x0], $0xffff;
	v15 =	vand.u32 $0xFFFFFF80, v15  }
0x29c: {  	v14 =	vshll.u32 v14, $0x2;
	v10 =	vor.u32 v10, v15;
	v15 =	vld [tilespmem:s29+$0x1A0];
	[tilespmem:s26+$0x70] =	vst v9  }
0x29d: {  	v9 =	vshll.u32 v19, $0x1;
	v12 =	vor.u32 v14, v12;
	v10 =	vadd.s32 $0x80, v10;
	v7 =	vld.idx.msk [tilespmem:v7+s10+$0x0], $0xffff  }
0x29e: {  	v12 =	vor.u32 v16, v12;
	v14 =	vld [tilespmem:s23+$0xB0]  }
0x29f: {  	v9 =	vor.u32 v9, v12;
	v12 =	vshll.u32 v17, $0x1;
	v16 =	vld [tilespmem:s23+$0x130]  }
0x2a0: {  	v17 =	vand.u32 $0xFFFFFF80, v9;
	v18 =	vand.u32 $0x7F, v9;
	v19 =	vld [tilespmem:s23+$0x1B0];
	s23 =	smov.u32 s25;
	s25 =	smov.u32 s29;
	s29 =	smov.u32 s31  }
0x2a1: {  	v17 =	vadd.s32 v9, v17;
	[tilespmem:s30+$0xFFFFFFD0] =	vst v13;
	v8 =	vor.u32 v15, v8;
	v4 =	vld.idx.msk [tilespmem:v4+s10+$0x0], $0xffff  }
.Ltmp0:
0x2a2: {  	v9 =	vand.u32 $0xFFFFFF80, v17;
	v15 =	vld.idx.msk [tilespmem:v10+s10+$0x0], $0xffff;
	v10 =	vor.u32 v12, v8;
	(pc) =	sbr.rel @p0 .LBB2_2-.Ltmp0, $4  }
0x2a3: {  	v8 =	vor.u32 v18, v9;
	v12 =	vand.u32 $0xFFFFFF80, v10;
	v18 =	vand.u32 $0x7F, v10;
	[tilespmem:s24+$0x20] =	vst v7;
	v9 =	vld.idx.msk [tilespmem:v6+s10+$0x0], $0xffff;
	v6 =	vmovc v5  }
0x2a4: {  	v7 =	vshll.u32 v14, $0x2;
	v8 =	vadd.s32 $0x80, v8;
	v10 =	vadd.s32 v10, v12;
	v5 =	vld [tilespmem:s23+$0xFFFFFE30]  }
0x2a5: {  	v13 =	vshll.u32 v16, $0x1;
	v11 =	vor.u32 v7, v11;
	v20 =	vand.u32 $0xFFFFFF80, v10;
	v12 =	vld [tilespmem:s23+$0xFFFFFEB0]  }
0x2a6: {  	s31 =	sadd.s32 $0x400, s31;
	v11 =	vor.u32 v19, v11;
	v14 =	vld.idx.msk [tilespmem:v17+s10+$0x0], $0xffff;
	v7 =	vor.u32 v18, v20  }
0x2a7: {  	[tilespmem:s30+$0x50] =	vst v15  }
0x2a8: {  	v15 =	vld [tilespmem:s29+$0xFFFFFE60]  }
0x2a9: {  	v16 =	vld [tilespmem:s29+$0xFFFFFEE0]  }
0x2aa: {  	v17 =	vld [tilespmem:s29+$0xFFFFFF60]  }
0x2ab: {  	v18 =	vld [tilespmem:s29+$0xFFFFFFE0]  }
0x2ac: {  	v19 =	vld [tilespmem:s29+$0x60]  }
0x2ad: {  	v20 =	vld [tilespmem:s29+$0xE0]  }
0x2ae: {  	v21 =	vld [tilespmem:s29+$0x160];
	v15 =	vshll.u32 v15, $0x7;
	v16 =	vshll.u32 v16, $0x6  }
0x2af: {  	v22 =	vld [tilespmem:s29+$0x1E0];
	v17 =	vshll.u32 v17, $0x5;
	v15 =	vor.u32 v15, v16  }
0x2b0: {  	v16 =	vshll.u32 v18, $0x4;
	v15 =	vor.u32 v17, v15  }
0x2b1: {  	v17 =	vshll.u32 v19, $0x3;
	v15 =	vor.u32 v16, v15  }
0x2b2: {  	v16 =	vshll.u32 v20, $0x2;
	v15 =	vor.u32 v17, v15  }
0x2b3: {  	v15 =	vor.u32 v16, v15  }
0x2b4: {  	v16 =	vshll.u32 v21, $0x1;
	v15 =	vor.u32 v22, v15  }
0x2b5: {  	v15 =	vor.u32 v16, v15  }
0x2b6: {  	v16 =	vand.u32 $0xFFFFFF80, v15  }
0x2b7: {  	v16 =	vadd.s32 v15, v16;
	_ =	sdelay $0x3  }
0x2b8: {  	v15 =	vand.u32 $0x7F, v15;
	v17 =	vand.u32 $0xFFFFFF80, v16  }
0x2b9: {  	v15 =	vor.u32 v15, v17;
	v16 =	vld.idx.msk [tilespmem:v16+s10+$0x0], $0xffff  }
0x2ba: {  	v15 =	vadd.s32 $0x80, v15  }
0x2bb: {  	[tilespmem:s30+$0xFFFFFF90] =	vst v14  }
0x2bc: {  	v8 =	vld.idx.msk [tilespmem:v8+s10+$0x0], $0xffff;
	_ =	sdelay $0x1  }
0x2bd: {  	[tilespmem:s30+$0xFFFFFFE0] =	vst v16  }
0x2be: {  	v14 =	vld.idx.msk [tilespmem:v15+s10+$0x0], $0xffff;
	_ =	sdelay $0x1  }
0x2bf: {  	v10 =	vld.idx.msk [tilespmem:v10+s10+$0x0], $0xffff;
	[tilespmem:s30+$0x10] =	vst v8  }
0x2c0: {  	v8 =	vld [tilespmem:s29+$0xFFFFFE20]  }
0x2c1: {  	v16 =	vld [tilespmem:s29+$0xFFFFFF20]  }
0x2c2: {  	v15 =	vld [tilespmem:s29+$0xFFFFFEA0];
	[tilespmem:s30+$0x60] =	vst v14  }
0x2c3: {  	v14 =	vld [tilespmem:s29+$0xFFFFFE70]  }
0x2c4: {  	v17 =	vld [tilespmem:s29+$0xFFFFFEF0]  }
0x2c5: {  	v50 =	vld [tilespmem:s29+$0xFFFFFF70]  }
0x2c6: {  	v51 =	vld [tilespmem:s29+$0xFFFFFFF0]  }
0x2c7: {  	v52 =	vld [tilespmem:s29+$0x70]  }
0x2c8: {  	v53 =	vld [tilespmem:s29+$0xF0]  }
0x2c9: {  	v54 =	vld [tilespmem:s29+$0x170]  }
0x2ca: {  	v23 =	vld [tilespmem:s29+$0x1F0];
	v14 =	vshll.u32 v14, $0x7;
	v17 =	vshll.u32 v17, $0x6  }
0x2cb: {  	v8 =	vshll.u32 v8, $0x7;
	v18 =	vshll.u32 v50, $0x5;
	v14 =	vor.u32 v14, v17;
	v17 =	vld [tilespmem:s29+$0xFFFFFFA0]  }
0x2cc: {  	v55 =	vld [tilespmem:s29+$0x20];
	v16 =	vshll.u32 v16, $0x5;
	v19 =	vshll.u32 v51, $0x4;
	v14 =	vor.u32 v18, v14  }
0x2cd: {  	v56 =	vld [tilespmem:s29+$0xA0];
	v15 =	vshll.u32 v15, $0x6;
	v20 =	vshll.u32 v52, $0x3;
	v14 =	vor.u32 v19, v14  }
0x2ce: {  	v57 =	vld [tilespmem:s29+$0x120];
	v8 =	vor.u32 v8, v15;
	v15 =	vshll.u32 v53, $0x2;
	v14 =	vor.u32 v20, v14  }
0x2cf: {  	v7 =	vadd.s32 $0x80, v7;
	v8 =	vor.u32 v16, v8;
	v14 =	vor.u32 v15, v14;
	v15 =	vld [tilespmem:s29+$0x1A0]  }
0x2d0: {  	v16 =	vshll.u32 v54, $0x1;
	v14 =	vor.u32 v23, v14;
	v17 =	vshll.u32 v17, $0x4  }
0x2d1: {  	v14 =	vor.u32 v16, v14;
	v16 =	vshll.u32 v55, $0x3;
	v8 =	vor.u32 v17, v8  }
0x2d2: {  	v8 =	vor.u32 v16, v8;
	v16 =	vshll.u32 v56, $0x2  }
0x2d3: {  	[tilespmem:s26+$0xFFFFFFA0] =	vst v10;
	v8 =	vor.u32 v16, v8  }
0x2d4: {  	v7 =	vld.idx.msk [tilespmem:v7+s10+$0x0], $0xffff;
	v16 =	vshll.u32 v57, $0x1;
	v8 =	vor.u32 v15, v8  }
0x2d5: {  	v8 =	vor.u32 v16, v8  }
0x2d6: {  	v11 =	vor.u32 v13, v11;
	v13 =	vld [tilespmem:s23+$0x30];
	v58 =	vand.u32 $0xFFFFFF80, v8  }
0x2d7: {  	v60 =	vld [tilespmem:s23+$0xB0];
	v18 =	vadd.s32 v8, v58  }
0x2d8: {  	v61 =	vld [tilespmem:s23+$0x130]  }
0x2d9: {  	v63 =	vld [tilespmem:s23+$0x1B0];
	[tilespmem:s26+$0x20] =	vst v7  }
0x2da: {  	v7 =	vld [tilespmem:s25+$0xFFFFFE30]  }
0x2db: {  	v59 =	vand.u32 $0xFFFFFF80, v11;
	v24 =	vld [tilespmem:s25+$0xFFFFFEB0];
	v8 =	vand.u32 $0x7F, v8;
	v62 =	vand.u32 $0xFFFFFF80, v18  }
0x2dc: {  	v19 =	vadd.s32 v11, v59;
	v8 =	vor.u32 v8, v62;
	v18 =	vld.idx.msk [tilespmem:v18+s10+$0x0], $0xffff  }
0x2dd: {  	v25 =	vld [tilespmem:s25+$0xFFFFFF30];
	v17 =	vand.u32 $0xFFFFFF80, v14;
	v8 =	vadd.s32 $0x80, v8  }
0x2de: {  	v17 =	vadd.s32 v14, v17;
	v15 =	vld [tilespmem:s23+$0xFFFFFF30]  }
0x2df: {  	v16 =	vld [tilespmem:s23+$0xFFFFFFB0]  }
0x2e0: {  	v5 =	vshll.u32 v5, $0x7;
	v12 =	vshll.u32 v12, $0x6;
	v29 =	vld [tilespmem:s25+$0x130]  }
0x2e1: {  	v5 =	vor.u32 v5, v12;
	v13 =	vshll.u32 v13, $0x3;
	v28 =	vld.idx.msk [tilespmem:v19+s10+$0x0], $0xffff;
	[tilespmem:s30+$0xFFFFFFA0] =	vst v18  }
0x2e2: {  	v7 =	vshll.u32 v7, $0x7;
	v11 =	vand.u32 $0x7F, v11;
	v19 =	vand.u32 $0xFFFFFF80, v19;
	v8 =	vld.idx.msk [tilespmem:v8+s10+$0x0], $0xffff  }
0x2e3: {  	v11 =	vor.u32 v11, v19;
	v14 =	vand.u32 $0x7F, v14;
	v10 =	vld.idx.msk [tilespmem:v17+s10+$0x0], $0xffff;
	v12 =	vshll.u32 v15, $0x5  }
0x2e4: {  	v11 =	vadd.s32 $0x80, v11;
	v15 =	vld [tilespmem:s25+$0xFFFFFFB0];
	v5 =	vor.u32 v12, v5;
	v12 =	vshll.u32 v16, $0x4  }
0x2e5: {  	v16 =	vld [tilespmem:s25+$0x30];
	v5 =	vor.u32 v12, v5;
	v12 =	vand.u32 $0xFFFFFF80, v17;
	v17 =	vshll.u32 v61, $0x1  }
0x2e6: {  	v5 =	vor.u32 v13, v5;
	v12 =	vor.u32 v14, v12;
	v13 =	vld [tilespmem:s25+$0xB0];
	v14 =	vshll.u32 v60, $0x2  }
0x2e7: {  	v30 =	vld [tilespmem:s25+$0x1B0];
	v12 =	vadd.s32 $0x80, v12;
	v5 =	vor.u32 v14, v5;
	v14 =	vshll.u32 v24, $0x6;
	[tilespmem:s30+$0x20] =	vst v8  }
0x2e8: {  	v5 =	vor.u32 v63, v5;
	v7 =	vor.u32 v7, v14;
	v8 =	vshll.u32 v25, $0x5;
	v14 =	vld [tilespmem:s29+$0xFFFFFE30]  }
0x2e9: {  	v5 =	vor.u32 v17, v5;
	v7 =	vor.u32 v8, v7;
	v8 =	vshll.u32 v15, $0x4;
	v15 =	vld [tilespmem:s29+$0xFFFFFEB0]  }
0x2ea: {  	v16 =	vshll.u32 v16, $0x3;
	v17 =	vand.u32 $0xFFFFFF80, v5;
	v7 =	vor.u32 v8, v7;
	v8 =	vld [tilespmem:s29+$0xFFFFFF30]  }
0x2eb: {  	v17 =	vadd.s32 v5, v17;
	v13 =	vshll.u32 v13, $0x2;
	v7 =	vor.u32 v16, v7;
	v16 =	vld [tilespmem:s29+$0xFFFFFFB0]  }
0x2ec: {  	v5 =	vand.u32 $0x7F, v5;
	v31 =	vand.u32 $0xFFFFFF80, v17;
	v7 =	vor.u32 v13, v7;
	v13 =	vld [tilespmem:s29+$0x30]  }
0x2ed: {  	v18 =	vshll.u32 v29, $0x1;
	v5 =	vor.u32 v5, v31;
	v32 =	vld [tilespmem:s29+$0xB0];
	v7 =	vor.u32 v30, v7  }
0x2ee: {  	v33 =	vld [tilespmem:s29+$0x130];
	v7 =	vor.u32 v18, v7;
	v14 =	vshll.u32 v14, $0x7;
	v15 =	vshll.u32 v15, $0x6  }
0x2ef: {  	v34 =	vand.u32 $0xFFFFFF80, v7;
	v14 =	vor.u32 v14, v15;
	v8 =	vshll.u32 v8, $0x5;
	v15 =	vld [tilespmem:s29+$0x1B0]  }
0x2f0: {  	v17 =	vld.idx.msk [tilespmem:v17+s10+$0x0], $0xffff;
	v20 =	vadd.s32 v7, v34;
	v8 =	vor.u32 v8, v14;
	v14 =	vshll.u32 v16, $0x4  }
0x2f1: {  	[tilespmem:s30+$0xFFFFFFF0] =	vst v10;
	v5 =	vadd.s32 $0x80, v5;
	v10 =	vshll.u32 v13, $0x3;
	v8 =	vor.u32 v14, v8  }
0x2f2: {  	[tilespmem:s21+$0xFFFFFFB0] =	vst v4;
	v4 =	vld.idx.msk [tilespmem:v12+s10+$0x0], $0xffff;
	v8 =	vor.u32 v10, v8;
	v10 =	vshll.u32 v32, $0x2  }
0x2f3: {  	v6 =	vld.idx.msk [tilespmem:v6+s10+$0x0], $0xffff;
	[tilespmem:s22+$0xFFFFFFB0] =	vst v28;
	v8 =	vor.u32 v10, v8  }
0x2f4: {  	v10 =	vld.idx.msk [tilespmem:v11+s10+$0x0], $0xffff;
	v11 =	vshll.u32 v33, $0x1;
	v8 =	vor.u32 v15, v8  }
0x2f5: {  	[tilespmem:s24+$0xFFFFFFB0] =	vst v17;
	v12 =	vld.idx.msk [tilespmem:v20+s10+$0x0], $0xffff;
	v8 =	vor.u32 v11, v8  }
0x2f6: {  	[tilespmem:s20+$0x30] =	vst v9;
	v5 =	vld.idx.msk [tilespmem:v5+s10+$0x0], $0xffff;
	v9 =	vand.u32 $0xFFFFFF80, v8  }
0x2f7: {  	[tilespmem:s30+$0x70] =	vst v4;
	v4 =	vadd.s32 v8, v9  }
0x2f8: {  	[tilespmem:s21+$0x30] =	vst v6  }
0x2f9: {  	[tilespmem:s22+$0x30] =	vst v10  }
0x2fa: {  	v6 =	vand.u32 $0x7F, v7;
	v7 =	vand.u32 $0xFFFFFF80, v20;
	[tilespmem:s26+$0xFFFFFFB0] =	vst v12  }
0x2fb: {  	v6 =	vor.u32 v6, v7;
	v7 =	vand.u32 $0x7F, v8;
	[tilespmem:s24+$0x30] =	vst v5;
	v5 =	vand.u32 $0xFFFFFF80, v4  }
0x2fc: {  	v6 =	vadd.s32 $0x80, v6;
	v5 =	vor.u32 v7, v5;
	v4 =	vld.idx.msk [tilespmem:v4+s10+$0x0], $0xffff  }
0x2fd: {  	v5 =	vadd.s32 $0x80, v5;
	_ =	sdelay $0x3  }
0x2fe: {  	v6 =	vld.idx.msk [tilespmem:v6+s10+$0x0], $0xffff;
	[tilespmem:s30+$0xFFFFFFB0] =	vst v4  }
0x2ff: {  	v4 =	vld.idx.msk [tilespmem:v5+s10+$0x0], $0xffff;
	_ =	sdelay $0x3  }
0x300: {  	[tilespmem:s26+$0x30] =	vst v6  }
0x301: {  	[tilespmem:s30+$0x30] =	vst v4  }
0x302: {  	[hbm4b:s5+s2] =	stream.linear.scatter [tilespmem:s14], [sflag:$0x3], $0x2000, $0x38;
	[tilespmem:$0x14280] =	vst v63  }
0x303: {  	_ =	swait.ge [sflag:s15], $0x8000  }
0x304: {  	[sflag:s15] =	ssyncset.done $0x0  }
0x305: {  	s26 =	simm.s32 $0x83F0;
	[sflag:s15] =	ssyncadd.s32 $0xFFFF8000  }
0x306: {  	v4 =	vld [tilespmem:s26+$0xFFFFFC50]  }
0x307: {  	v5 =	vld [tilespmem:s26+$0xFFFFFCD0]  }
0x308: {  	v6 =	vld [tilespmem:s26+$0xFFFFFD50]  }
0x309: {  	v7 =	vld [tilespmem:s26+$0xFFFFFDD0]  }
0x30a: {  	v8 =	vld [tilespmem:s26+$0xFFFFFE50]  }
0x30b: {  	v9 =	vld [tilespmem:s26+$0xFFFFFED0]  }
0x30c: {  	v10 =	vld [tilespmem:s26+$0xFFFFFF50];
	v4 =	vshll.u32 v4, $0x7;
	v5 =	vshll.u32 v5, $0x6  }
0x30d: {  	v11 =	vld [tilespmem:s26+$0xFFFFFFD0];
	v6 =	vshll.u32 v6, $0x5;
	v4 =	vor.u32 v4, v5  }
0x30e: {  	v5 =	vshll.u32 v7, $0x4;
	v4 =	vor.u32 v6, v4  }
0x30f: {  	v6 =	vshll.u32 v8, $0x3;
	v4 =	vor.u32 v5, v4  }
0x310: {  	v5 =	vshll.u32 v9, $0x2;
	v4 =	vor.u32 v6, v4  }
0x311: {  	v4 =	vor.u32 v5, v4  }
0x312: {  	v5 =	vshll.u32 v10, $0x1;
	v4 =	vor.u32 v11, v4  }
0x313: {  	v4 =	vor.u32 v5, v4  }
0x314: {  	v5 =	vand.u32 $0xFFFFFF80, v4  }
0x315: {  	v5 =	vadd.s32 v4, v5;
	_ =	sdelay $0x3  }
0x316: {  	v8 =	vld [tilespmem:s26+$0xFFFFFD10];
	v4 =	vand.u32 $0x7F, v4;
	v7 =	vand.u32 $0xFFFFFF80, v5  }
0x317: {  	v4 =	vor.u32 v4, v7;
	v5 =	vld.idx.msk [tilespmem:v5+s10+$0x0], $0xffff  }
0x318: {  	v6 =	vld [tilespmem:s26+$0xFFFFFC90];
	v4 =	vadd.s32 $0x80, v4  }
0x319: {  	v7 =	vld [tilespmem:s26+$0xFFFFFC10]  }
0x31a: {  	v9 =	vld [tilespmem:s26+$0xFFFFFD90]  }
0x31b: {  	s20 =	simm.s32 $0x122F0;
	v10 =	vld [tilespmem:s26+$0xFFFFFE10]  }
0x31c: {  	v11 =	vld [tilespmem:s26+$0xFFFFFE90];
	[tilespmem:s20+$0xFFFFFF50] =	vst v5  }
0x31d: {  	v4 =	vld.idx.msk [tilespmem:v4+s10+$0x0], $0xffff  }
0x31e: {  	v12 =	vld [tilespmem:s26+$0xFFFFFF90];
	v7 =	vshll.u32 v7, $0x7;
	v5 =	vshll.u32 v6, $0x6  }
0x31f: {  	v8 =	vshll.u32 v8, $0x5;
	v6 =	vld [tilespmem:s26+$0xFFFFFF10];
	v5 =	vor.u32 v7, v5  }
0x320: {  	v7 =	vshll.u32 v9, $0x4;
	v5 =	vor.u32 v8, v5  }
0x321: {  	v8 =	vshll.u32 v10, $0x3;
	v5 =	vor.u32 v7, v5  }
0x322: {  	v7 =	vshll.u32 v11, $0x2;
	v5 =	vor.u32 v8, v5;
	[tilespmem:s20+$0xFFFFFFD0] =	vst v4  }
0x323: {  	v4 =	vor.u32 v7, v5;
	v5 =	vld [tilespmem:s26+$0xFFFFFC60]  }
0x324: {  	v6 =	vshll.u32 v6, $0x1;
	v4 =	vor.u32 v12, v4;
	v7 =	vld [tilespmem:s26+$0xFFFFFCE0]  }
0x325: {  	v4 =	vor.u32 v6, v4;
	v6 =	vld [tilespmem:s26+$0xFFFFFD60]  }
0x326: {  	v9 =	vld [tilespmem:s26+$0xFFFFFDE0];
	v8 =	vand.u32 $0xFFFFFF80, v4  }
0x327: {  	v10 =	vld [tilespmem:s26+$0xFFFFFE60];
	v8 =	vadd.s32 v4, v8  }
0x328: {  	v11 =	vld [tilespmem:s26+$0xFFFFFEE0]  }
0x329: {  	v12 =	vld [tilespmem:s26+$0xFFFFFF60];
	v5 =	vshll.u32 v5, $0x7;
	v7 =	vshll.u32 v7, $0x6  }
0x32a: {  	v13 =	vld [tilespmem:s26+$0xFFFFFFE0];
	v4 =	vand.u32 $0x7F, v4;
	v6 =	vshll.u32 v6, $0x5;
	v5 =	vor.u32 v5, v7  }
0x32b: {  	v9 =	vshll.u32 v9, $0x4;
	v7 =	vand.u32 $0xFFFFFF80, v8;
	v5 =	vor.u32 v6, v5  }
0x32c: {  	v4 =	vor.u32 v4, v7;
	v7 =	vshll.u32 v10, $0x3;
	v6 =	vld.idx.msk [tilespmem:v8+s10+$0x0], $0xffff;
	v5 =	vor.u32 v9, v5  }
0x32d: {  	v4 =	vadd.s32 $0x80, v4;
	v8 =	vshll.u32 v11, $0x2;
	v5 =	vor.u32 v7, v5  }
0x32e: {  	v5 =	vor.u32 v8, v5  }
0x32f: {  	v7 =	vshll.u32 v12, $0x1;
	v5 =	vor.u32 v13, v5  }
0x330: {  	v5 =	vor.u32 v7, v5  }
0x331: {  	[tilespmem:s20+$0xFFFFFF10] =	vst v6;
	v6 =	vand.u32 $0xFFFFFF80, v5  }
0x332: {  	v4 =	vld.idx.msk [tilespmem:v4+s10+$0x0], $0xffff;
	v6 =	vadd.s32 v5, v6;
	_ =	sdelay $0x3  }
0x333: {  	v5 =	vand.u32 $0x7F, v5;
	v7 =	vand.u32 $0xFFFFFF80, v6  }
0x334: {  	s29 =	simm.s32 $0x87F0;
	v5 =	vor.u32 v5, v7;
	[tilespmem:s20+$0xFFFFFF90] =	vst v4;
	v4 =	vld.idx.msk [tilespmem:v6+s10+$0x0], $0xffff  }
0x335: {  	v14 =	vld [tilespmem:s29+$0xFFFFFCD0];
	v5 =	vadd.s32 $0x80, v5  }
0x336: {  	v13 =	vld [tilespmem:s29+$0xFFFFFC50]  }
0x337: {  	v6 =	vld [tilespmem:s26+$0xFFFFFC20]  }
0x338: {  	v7 =	vld [tilespmem:s26+$0xFFFFFCA0]  }
0x339: {  	v8 =	vld [tilespmem:s26+$0xFFFFFD20];
	[tilespmem:s20+$0xFFFFFF60] =	vst v4  }
0x33a: {  	v4 =	vld.idx.msk [tilespmem:v5+s10+$0x0], $0xffff  }
0x33b: {  	v9 =	vld [tilespmem:s26+$0xFFFFFDA0]  }
0x33c: {  	v10 =	vld [tilespmem:s26+$0xFFFFFE20]  }
0x33d: {  	v11 =	vld [tilespmem:s26+$0xFFFFFF20]  }
0x33e: {  	v12 =	vld [tilespmem:s26+$0xFFFFFFA0]  }
0x33f: {  	v5 =	vld [tilespmem:s26+$0xFFFFFEA0];
	[tilespmem:s20+$0xFFFFFFE0] =	vst v4  }
0x340: {  	v6 =	vshll.u32 v6, $0x7;
	v7 =	vshll.u32 v7, $0x6;
	v4 =	vld [tilespmem:s26+$0xFFFFFC70]  }
0x341: {  	v8 =	vshll.u32 v8, $0x5;
	v6 =	vor.u32 v6, v7;
	v15 =	vld [tilespmem:s26+$0xFFFFFCF0]  }
0x342: {  	v9 =	vshll.u32 v9, $0x4;
	v6 =	vor.u32 v8, v6;
	v7 =	vld [tilespmem:s26+$0xFFFFFD70]  }
0x343: {  	v10 =	vshll.u32 v10, $0x3;
	v6 =	vor.u32 v9, v6;
	v8 =	vld [tilespmem:s26+$0xFFFFFDF0]  }
0x344: {  	v6 =	vor.u32 v10, v6;
	v5 =	vshll.u32 v5, $0x2;
	v9 =	vld [tilespmem:s26+$0xFFFFFE70]  }
0x345: {  	v10 =	vld [tilespmem:s26+$0xFFFFFEF0];
	v5 =	vor.u32 v5, v6  }
0x346: {  	v11 =	vshll.u32 v11, $0x1;
	v6 =	vld [tilespmem:s26+$0xFFFFFF70];
	v5 =	vor.u32 v12, v5  }
0x347: {  	v5 =	vor.u32 v11, v5;
	v11 =	vld [tilespmem:s29+$0xFFFFFD50];
	v4 =	vshll.u32 v4, $0x7;
	v12 =	vshll.u32 v15, $0x6  }
0x348: {  	v15 =	vld [tilespmem:s26+$0xFFFFFFF0];
	v7 =	vshll.u32 v7, $0x5;
	v4 =	vor.u32 v4, v12  }
0x349: {  	v14 =	vshll.u32 v14, $0x6;
	v8 =	vshll.u32 v8, $0x4;
	v4 =	vor.u32 v7, v4;
	v7 =	vld [tilespmem:s29+$0xFFFFFDD0]  }
0x34a: {  	v13 =	vshll.u32 v13, $0x7;
	v9 =	vshll.u32 v9, $0x3;
	v4 =	vor.u32 v8, v4;
	v8 =	vld [tilespmem:s29+$0xFFFFFE50]  }
0x34b: {  	v13 =	vor.u32 v13, v14;
	v10 =	vshll.u32 v10, $0x2;
	v4 =	vor.u32 v9, v4;
	v9 =	vld [tilespmem:s29+$0xFFFFFED0]  }
0x34c: {  	v6 =	vshll.u32 v6, $0x1;
	v12 =	vand.u32 $0xFFFFFF80, v5;
	v4 =	vor.u32 v10, v4;
	v10 =	vld [tilespmem:s29+$0xFFFFFF50]  }
0x34d: {  	v12 =	vadd.s32 v5, v12;
	v11 =	vshll.u32 v11, $0x5;
	v4 =	vor.u32 v15, v4;
	v15 =	vld [tilespmem:s29+$0xFFFFFFD0]  }
0x34e: {  	v4 =	vor.u32 v6, v4;
	v6 =	vshll.u32 v7, $0x4;
	v7 =	vor.u32 v11, v13  }
0x34f: {  	v11 =	vand.u32 $0xFFFFFF80, v4;
	v8 =	vshll.u32 v8, $0x3;
	v6 =	vor.u32 v6, v7  }
0x350: {  	v7 =	vadd.s32 v4, v11;
	v9 =	vshll.u32 v9, $0x2;
	v6 =	vor.u32 v8, v6  }
0x351: {  	v16 =	vld [tilespmem:s29+$0xFFFFFE90];
	v6 =	vor.u32 v9, v6  }
0x352: {  	v8 =	vld.idx.msk [tilespmem:v12+s10+$0x0], $0xffff;
	v10 =	vshll.u32 v10, $0x1;
	v6 =	vor.u32 v15, v6  }
0x353: {  	v5 =	vand.u32 $0x7F, v5;
	v11 =	vld [tilespmem:s29+$0xFFFFFC10];
	v6 =	vor.u32 v10, v6  }
0x354: {  	v4 =	vand.u32 $0x7F, v4;
	v9 =	vld [tilespmem:s29+$0xFFFFFC90];
	v14 =	vand.u32 $0xFFFFFF80, v7;
	v13 =	vand.u32 $0xFFFFFF80, v6  }
0x355: {  	v12 =	vand.u32 $0xFFFFFF80, v12;
	v4 =	vor.u32 v4, v14;
	v7 =	vld.idx.msk [tilespmem:v7+s10+$0x0], $0xffff;
	v13 =	vadd.s32 v6, v13  }
0x356: {  	v5 =	vor.u32 v5, v12;
	v12 =	vld [tilespmem:s29+$0xFFFFFF10];
	v4 =	vadd.s32 $0x80, v4  }
0x357: {  	v10 =	vld [tilespmem:s29+$0xFFFFFD10]  }
0x358: {  	v14 =	vld [tilespmem:s29+$0xFFFFFD90]  }
0x359: {  	v15 =	vld [tilespmem:s29+$0xFFFFFE10];
	v6 =	vand.u32 $0x7F, v6;
	v17 =	vand.u32 $0xFFFFFF80, v13  }
0x35a: {  	v5 =	vadd.s32 $0x80, v5;
	v6 =	vor.u32 v6, v17;
	v13 =	vld.idx.msk [tilespmem:v13+s10+$0x0], $0xffff;
	[tilespmem:s20+$0xFFFFFF70] =	vst v7  }
0x35b: {  	v6 =	vadd.s32 $0x80, v6;
	v7 =	vshll.u32 v9, $0x6;
	v9 =	vshll.u32 v11, $0x7;
	v4 =	vld.idx.msk [tilespmem:v4+s10+$0x0], $0xffff  }
0x35c: {  	v10 =	vshll.u32 v10, $0x5;
	v11 =	vld [tilespmem:s29+$0xFFFFFF90];
	v7 =	vor.u32 v9, v7  }
0x35d: {  	v9 =	vshll.u32 v14, $0x4;
	v7 =	vor.u32 v10, v7  }
0x35e: {  	s21 =	simm.s32 $0x123F0;
	[tilespmem:s20+$0xFFFFFF20] =	vst v8;
	v8 =	vshll.u32 v15, $0x3;
	v7 =	vor.u32 v9, v7  }
0x35f: {  	v5 =	vld.idx.msk [tilespmem:v5+s10+$0x0], $0xffff;
	v9 =	vshll.u32 v16, $0x2;
	v7 =	vor.u32 v8, v7;
	[tilespmem:s21+$0xFFFFFF50] =	vst v13  }
0x360: {  	v7 =	vor.u32 v9, v7;
	v6 =	vld.idx.msk [tilespmem:v6+s10+$0x0], $0xffff;
	[tilespmem:s20+$0xFFFFFFF0] =	vst v4  }
0x361: {  	v4 =	vshll.u32 v12, $0x1;
	v7 =	vor.u32 v11, v7;
	v8 =	vld [tilespmem:s26+$0xFFFFFC80]  }
0x362: {  	v4 =	vor.u32 v4, v7;
	v7 =	vld [tilespmem:s26+$0xFFFFFD00]  }
0x363: {  	v10 =	vld [tilespmem:s26+$0xFFFFFD80]  }
0x364: {  	v11 =	vld [tilespmem:s26+$0xFFFFFE00]  }
0x365: {  	v12 =	vld [tilespmem:s26+$0xFFFFFE80]  }
0x366: {  	v13 =	vld [tilespmem:s26+$0xFFFFFF00];
	v9 =	vand.u32 $0xFFFFFF80, v4  }
0x367: {  	v14 =	vld [tilespmem:s26+$0xFFFFFF80];
	v9 =	vadd.s32 v4, v9  }
0x368: {  	v15 =	vld [tilespmem:s26+$0x0];
	[tilespmem:s21+$0xFFFFFFD0] =	vst v6  }
0x369: {  	v6 =	vld [tilespmem:s29+$0xFFFFFC60]  }
0x36a: {  	v17 =	vld [tilespmem:s29+$0xFFFFFCE0]  }
0x36b: {  	v4 =	vand.u32 $0x7F, v4;
	v35 =	vld [tilespmem:s29+$0xFFFFFD60]  }
0x36c: {  	v8 =	vshll.u32 v8, $0x7;
	v7 =	vshll.u32 v7, $0x6;
	v16 =	vld.idx.msk [tilespmem:v9+s10+$0x0], $0xffff;
	v9 =	vand.u32 $0xFFFFFF80, v9  }
0x36d: {  	v7 =	vor.u32 v8, v7;
	v8 =	vld [tilespmem:s29+$0xFFFFFDE0];
	v4 =	vor.u32 v4, v9;
	v9 =	vshll.u32 v10, $0x5  }
0x36e: {  	v10 =	vshll.u32 v11, $0x4;
	v11 =	vshll.u32 v12, $0x3;
	v7 =	vor.u32 v9, v7;
	v9 =	vld [tilespmem:s29+$0xFFFFFE60]  }
0x36f: {  	v12 =	vld [tilespmem:s29+$0xFFFFFEE0];
	v4 =	vadd.s32 $0x80, v4;
	v7 =	vor.u32 v10, v7;
	v10 =	vshll.u32 v13, $0x2  }
0x370: {  	v6 =	vshll.u32 v6, $0x7;
	v13 =	vshll.u32 v17, $0x6;
	v7 =	vor.u32 v11, v7;
	v11 =	vld [tilespmem:s29+$0xFFFFFF60]  }
0x371: {  	v17 =	vshll.u32 v35, $0x5;
	v6 =	vor.u32 v6, v13;
	v7 =	vor.u32 v10, v7;
	v10 =	vld [tilespmem:s29+$0xFFFFFFE0]  }
0x372: {  	s28 =	simm.s32 $0x8BF0;
	v13 =	vshll.u32 v14, $0x1;
	v8 =	vshll.u32 v8, $0x4;
	v6 =	vor.u32 v17, v6  }
0x373: {  	v41 =	vld [tilespmem:s28+$0xFFFFFC50];
	v7 =	vor.u32 v15, v7;
	v6 =	vor.u32 v8, v6;
	v9 =	vshll.u32 v9, $0x3  }
0x374: {  	v44 =	vld [tilespmem:s28+$0xFFFFFF50];
	[tilespmem:s20+$0xFFFFFFA0] =	vst v5;
	v5 =	vor.u32 v13, v7;
	v7 =	vshll.u32 v12, $0x2;
	v6 =	vor.u32 v9, v6  }
0x375: {  	v46 =	vld [tilespmem:s28+$0xFFFFFD90];
	v6 =	vor.u32 v7, v6  }
0x376: {  	s24 =	simm.s32 $0x8FF0;
	v50 =	vld [tilespmem:s28+$0xFFFFFF90];
	v11 =	vshll.u32 v11, $0x1;
	v6 =	vor.u32 v10, v6  }
0x377: {  	v28 =	vld [tilespmem:s24+$0xFFFFFC50];
	[tilespmem:s21+$0xFFFFFF10] =	vst v16;
	v6 =	vor.u32 v11, v6  }
0x378: {  	v10 =	vld.idx.msk [tilespmem:v4+s10+$0x0], $0xffff;
	v4 =	vand.u32 $0xFFFFFF80, v6  }
0x379: {  	v8 =	vld [tilespmem:s26+$0xFFFFFC30];
	v13 =	vadd.s32 v6, v4  }
0x37a: {  	v7 =	vld [tilespmem:s26+$0xFFFFFCB0]  }
0x37b: {  	v14 =	vld [tilespmem:s26+$0xFFFFFE30]  }
0x37c: {  	v12 =	vld [tilespmem:s26+$0xFFFFFDB0]  }
0x37d: {  	v11 =	vld [tilespmem:s26+$0xFFFFFD30];
	v6 =	vand.u32 $0x7F, v6;
	v16 =	vand.u32 $0xFFFFFF80, v13  }
0x37e: {  	v6 =	vor.u32 v6, v16;
	v13 =	vld.idx.msk [tilespmem:v13+s10+$0x0], $0xffff  }
0x37f: {  	v8 =	vshll.u32 v8, $0x7;
	v7 =	vshll.u32 v7, $0x6;
	[tilespmem:s21+$0xFFFFFF90] =	vst v10;
	v10 =	vld [tilespmem:s26+$0xFFFFFEB0];
	v6 =	vadd.s32 $0x80, v6  }
0x380: {  	v7 =	vor.u32 v8, v7;
	v8 =	vld [tilespmem:s28+$0xFFFFFCD0]  }
0x381: {  	v15 =	vld [tilespmem:s29+$0xFFFFFC20]  }
0x382: {  	v16 =	vld [tilespmem:s29+$0xFFFFFCA0]  }
0x383: {  	v17 =	vld [tilespmem:s29+$0xFFFFFD20];
	[tilespmem:s21+$0xFFFFFF60] =	vst v13  }
0x384: {  	v6 =	vld.idx.msk [tilespmem:v6+s10+$0x0], $0xffff  }
0x385: {  	v36 =	vld [tilespmem:s29+$0xFFFFFDA0]  }
0x386: {  	v37 =	vld [tilespmem:s29+$0xFFFFFE20]  }
0x387: {  	v38 =	vld [tilespmem:s29+$0xFFFFFEA0]  }
0x388: {  	v39 =	vld [tilespmem:s29+$0xFFFFFFA0]  }
0x389: {  	v11 =	vshll.u32 v11, $0x5;
	v13 =	vld [tilespmem:s29+$0xFFFFFF20];
	[tilespmem:s21+$0xFFFFFFE0] =	vst v6  }
0x38a: {  	v6 =	vor.u32 v11, v7;
	v7 =	vshll.u32 v12, $0x4;
	v11 =	vshll.u32 v14, $0x3;
	v12 =	vld [tilespmem:s29+$0xFFFFFC70]  }
0x38b: {  	v14 =	vshll.u32 v16, $0x6;
	v6 =	vor.u32 v7, v6;
	v7 =	vshll.u32 v15, $0x7;
	v15 =	vld [tilespmem:s29+$0xFFFFFCF0]  }
0x38c: {  	v42 =	vld [tilespmem:s29+$0xFFFFFEF0];
	v6 =	vor.u32 v11, v6;
	v11 =	vshll.u32 v17, $0x5;
	v7 =	vor.u32 v7, v14  }
0x38d: {  	v43 =	vshll.u32 v41, $0x7;
	v16 =	vshll.u32 v36, $0x4;
	v14 =	vld [tilespmem:s29+$0xFFFFFD70];
	v7 =	vor.u32 v11, v7  }
0x38e: {  	v9 =	vand.u32 $0xFFFFFF80, v5;
	v17 =	vshll.u32 v37, $0x3;
	v11 =	vld [tilespmem:s29+$0xFFFFFDF0];
	v7 =	vor.u32 v16, v7  }
0x38f: {  	v10 =	vshll.u32 v10, $0x2;
	v16 =	vld [tilespmem:s29+$0xFFFFFE70];
	v7 =	vor.u32 v17, v7;
	v17 =	vshll.u32 v38, $0x2  }
0x390: {  	v6 =	vor.u32 v10, v6;
	v10 =	vshll.u32 v13, $0x1;
	v13 =	vld [tilespmem:s29+$0xFFFFFF70];
	v7 =	vor.u32 v17, v7  }
0x391: {  	v12 =	vshll.u32 v12, $0x7;
	v15 =	vshll.u32 v15, $0x6;
	v17 =	vld [tilespmem:s29+$0xFFFFFFF0];
	v7 =	vor.u32 v39, v7  }
0x392: {  	v12 =	vor.u32 v12, v15;
	v7 =	vor.u32 v10, v7;
	v10 =	vshll.u32 v14, $0x5;
	v14 =	vld [tilespmem:s28+$0xFFFFFD50]  }
0x393: {  	v9 =	vadd.s32 v5, v9;
	v11 =	vshll.u32 v11, $0x4;
	v10 =	vor.u32 v10, v12;
	v12 =	vld [tilespmem:s28+$0xFFFFFDD0]  }
0x394: {  	v8 =	vshll.u32 v8, $0x6;
	v16 =	vshll.u32 v16, $0x3;
	v10 =	vor.u32 v11, v10;
	v11 =	vld [tilespmem:s28+$0xFFFFFE50]  }
0x395: {  	v8 =	vor.u32 v43, v8;
	v18 =	vshll.u32 v42, $0x2;
	v10 =	vor.u32 v16, v10;
	v16 =	vld [tilespmem:s28+$0xFFFFFED0]  }
0x396: {  	v29 =	vld [tilespmem:s24+$0xFFFFFCD0];
	v13 =	vshll.u32 v13, $0x1;
	v15 =	vand.u32 $0xFFFFFF80, v7;
	v10 =	vor.u32 v18, v10  }
0x397: {  	v15 =	vadd.s32 v7, v15;
	v10 =	vor.u32 v17, v10;
	v17 =	vld [tilespmem:s28+$0xFFFFFFD0];
	v14 =	vshll.u32 v14, $0x5  }
0x398: {  	v33 =	vld [tilespmem:s24+$0xFFFFFD50];
	v10 =	vor.u32 v13, v10;
	v12 =	vshll.u32 v12, $0x4;
	v8 =	vor.u32 v14, v8  }
0x399: {  	v40 =	vld [tilespmem:s26+$0xFFFFFF30];
	v14 =	vand.u32 $0xFFFFFF80, v10;
	v11 =	vshll.u32 v11, $0x3;
	v8 =	vor.u32 v12, v8  }
0x39a: {  	v45 =	vld [tilespmem:s26+$0xFFFFFFB0];
	v14 =	vadd.s32 v10, v14;
	v16 =	vshll.u32 v16, $0x2;
	v8 =	vor.u32 v11, v8  }
0x39b: {  	v4 =	vld.idx.msk [tilespmem:v9+s10+$0x0], $0xffff;
	v8 =	vor.u32 v16, v8  }
0x39c: {  	v5 =	vand.u32 $0x7F, v5;
	v13 =	vld.idx.msk [tilespmem:v15+s10+$0x0], $0xffff;
	v16 =	vshll.u32 v44, $0x1;
	v8 =	vor.u32 v17, v8  }
0x39d: {  	v9 =	vand.u32 $0xFFFFFF80, v9;
	v12 =	vld [tilespmem:s28+$0xFFFFFC90];
	v11 =	vand.u32 $0xFFFFFF80, v15;
	v8 =	vor.u32 v16, v8  }
0x39e: {  	v15 =	vld [tilespmem:s28+$0xFFFFFC10];
	v10 =	vand.u32 $0x7F, v10;
	v48 =	vand.u32 $0xFFFFFF80, v14;
	v47 =	vand.u32 $0xFFFFFF80, v8  }
0x39f: {  	v7 =	vand.u32 $0x7F, v7;
	v10 =	vor.u32 v10, v48;
	v14 =	vld.idx.msk [tilespmem:v14+s10+$0x0], $0xffff;
	v49 =	vadd.s32 v8, v47  }
0x3a0: {  	v5 =	vor.u32 v5, v9;
	v7 =	vor.u32 v7, v11;
	v11 =	vld [tilespmem:s28+$0xFFFFFD10];
	v10 =	vadd.s32 $0x80, v10  }
0x3a1: {  	v9 =	vld [tilespmem:s28+$0xFFFFFE90];
	v5 =	vadd.s32 $0x80, v5  }
0x3a2: {  	v16 =	vld [tilespmem:s28+$0xFFFFFE10];
	v12 =	vshll.u32 v12, $0x6  }
0x3a3: {  	[tilespmem:s21+$0xFFFFFF20] =	vst v13;
	v13 =	vld [tilespmem:s28+$0xFFFFFF10];
	v15 =	vshll.u32 v15, $0x7;
	v8 =	vand.u32 $0x7F, v8;
	v51 =	vand.u32 $0xFFFFFF80, v49  }
0x3a4: {  	v7 =	vadd.s32 $0x80, v7;
	v12 =	vor.u32 v15, v12;
	v8 =	vor.u32 v8, v51;
	v15 =	vld.idx.msk [tilespmem:v49+s10+$0x0], $0xffff;
	[tilespmem:s21+$0xFFFFFF70] =	vst v14  }
0x3a5: {  	[tilespmem:s20+$0xFFFFFF80] =	vst v4;
	v11 =	vshll.u32 v11, $0x5;
	v8 =	vadd.s32 $0x80, v8;
	v10 =	vld.idx.msk [tilespmem:v10+s10+$0x0], $0xffff  }
0x3a6: {  	v4 =	vld.idx.msk [tilespmem:v5+s10+$0x0], $0xffff;
	v11 =	vor.u32 v11, v12;
	v14 =	vshll.u32 v46, $0x4  }
0x3a7: {  	v43 =	vld [tilespmem:s24+$0xFFFFFF10];
	v5 =	vshll.u32 v16, $0x3;
	v11 =	vor.u32 v14, v11  }
0x3a8: {  	s22 =	simm.s32 $0x124F0;
	v9 =	vshll.u32 v9, $0x2;
	v37 =	vld [tilespmem:s24+$0xFFFFFC90];
	v5 =	vor.u32 v5, v11  }
0x3a9: {  	v7 =	vld.idx.msk [tilespmem:v7+s10+$0x0], $0xffff;
	v5 =	vor.u32 v9, v5;
	[tilespmem:s22+$0xFFFFFF50] =	vst v15  }
0x3aa: {  	v9 =	vshll.u32 v13, $0x1;
	v5 =	vor.u32 v50, v5;
	v8 =	vld.idx.msk [tilespmem:v8+s10+$0x0], $0xffff;
	[tilespmem:s21+$0xFFFFFFF0] =	vst v10  }
0x3ab: {  	v5 =	vor.u32 v9, v5;
	v10 =	vld [tilespmem:s29+$0xFFFFFC80]  }
0x3ac: {  	v9 =	vand.u32 $0xFFFFFF80, v5;
	v13 =	vld [tilespmem:s29+$0xFFFFFD00]  }
0x3ad: {  	v9 =	vadd.s32 v5, v9;
	v14 =	vld [tilespmem:s29+$0xFFFFFD80]  }
0x3ae: {  	v15 =	vld [tilespmem:s29+$0xFFFFFE00]  }
0x3af: {  	v16 =	vld [tilespmem:s29+$0xFFFFFE80]  }
0x3b0: {  	v53 =	vld [tilespmem:s29+$0xFFFFFF00]  }
0x3b1: {  	v54 =	vld [tilespmem:s29+$0xFFFFFF80]  }
0x3b2: {  	v5 =	vand.u32 $0x7F, v5;
	v52 =	vand.u32 $0xFFFFFF80, v9;
	v9 =	vld.idx.msk [tilespmem:v9+s10+$0x0], $0xffff  }
0x3b3: {  	v55 =	vld [tilespmem:s29+$0x0];
	v5 =	vor.u32 v5, v52;
	[tilespmem:s22+$0xFFFFFFD0] =	vst v8  }
0x3b4: {  	v6 =	vor.u32 v45, v6;
	v5 =	vadd.s32 $0x80, v5;
	v8 =	vld [tilespmem:s28+$0xFFFFFC60]  }
0x3b5: {  	v17 =	vshll.u32 v40, $0x1;
	v56 =	vld [tilespmem:s28+$0xFFFFFCE0];
	v10 =	vshll.u32 v10, $0x7;
	v13 =	vshll.u32 v13, $0x6  }
0x3b6: {  	v6 =	vor.u32 v17, v6;
	v10 =	vor.u32 v10, v13;
	v13 =	vld [tilespmem:s28+$0xFFFFFDE0]  }
0x3b7: {  	v17 =	vand.u32 $0xFFFFFF80, v6;
	v14 =	vshll.u32 v14, $0x5;
	[tilespmem:s22+$0xFFFFFF10] =	vst v9;
	v9 =	vld [tilespmem:s28+$0xFFFFFD60]  }
0x3b8: {  	v17 =	vadd.s32 v6, v17;
	v10 =	vor.u32 v14, v10;
	v14 =	vld [tilespmem:s28+$0xFFFFFE60]  }
0x3b9: {  	v15 =	vshll.u32 v15, $0x4;
	v5 =	vld.idx.msk [tilespmem:v5+s10+$0x0], $0xffff  }
0x3ba: {  	v16 =	vshll.u32 v16, $0x3;
	v57 =	vld [tilespmem:s28+$0xFFFFFEE0];
	v10 =	vor.u32 v15, v10;
	v15 =	vshll.u32 v53, $0x2  }
0x3bb: {  	v10 =	vor.u32 v16, v10;
	v16 =	vld [tilespmem:s28+$0xFFFFFF60];
	v8 =	vshll.u32 v8, $0x7;
	v21 =	vshll.u32 v56, $0x6  }
0x3bc: {  	v10 =	vor.u32 v15, v10;
	v15 =	vld [tilespmem:s28+$0xFFFFFFE0];
	v8 =	vor.u32 v8, v21;
	v9 =	vshll.u32 v9, $0x5  }
0x3bd: {  	v12 =	vld.idx.msk [tilespmem:v17+s10+$0x0], $0xffff;
	[tilespmem:s21+$0xFFFFFFA0] =	vst v7;
	v13 =	vshll.u32 v13, $0x4;
	v10 =	vor.u32 v55, v10;
	v8 =	vor.u32 v9, v8  }
0x3be: {  	v7 =	vld [tilespmem:s29+$0xFFFFFC30];
	v14 =	vshll.u32 v14, $0x3;
	[tilespmem:s22+$0xFFFFFF90] =	vst v5;
	v5 =	vshll.u32 v54, $0x1;
	v8 =	vor.u32 v13, v8  }
0x3bf: {  	v11 =	vld [tilespmem:s29+$0xFFFFFCB0];
	v5 =	vor.u32 v5, v10;
	v10 =	vshll.u32 v57, $0x2;
	v8 =	vor.u32 v14, v8  }
0x3c0: {  	v6 =	vand.u32 $0x7F, v6;
	v9 =	vld [tilespmem:s28+$0xFFFFFC20];
	v8 =	vor.u32 v10, v8  }
0x3c1: {  	v17 =	vand.u32 $0xFFFFFF80, v17;
	v16 =	vshll.u32 v16, $0x1;
	v13 =	vld [tilespmem:s28+$0xFFFFFCA0];
	v8 =	vor.u32 v15, v8  }
0x3c2: {  	v6 =	vor.u32 v6, v17;
	v14 =	vld [tilespmem:s28+$0xFFFFFD20];
	v17 =	vand.u32 $0xFFFFFF80, v5;
	v8 =	vor.u32 v16, v8  }
0x3c3: {  	v58 =	vld [tilespmem:s29+$0xFFFFFD30];
	v17 =	vadd.s32 v5, v17;
	v16 =	vand.u32 $0xFFFFFF80, v8  }
0x3c4: {  	v10 =	vld [tilespmem:s28+$0xFFFFFDA0];
	v16 =	vadd.s32 v8, v16  }
0x3c5: {  	v15 =	vld [tilespmem:s28+$0xFFFFFE20]  }
0x3c6: {  	v60 =	vld [tilespmem:s28+$0xFFFFFEA0];
	v9 =	vshll.u32 v9, $0x7;
	v13 =	vshll.u32 v13, $0x6  }
0x3c7: {  	v59 =	vand.u32 $0xFFFFFF80, v17;
	v14 =	vshll.u32 v14, $0x5;
	v9 =	vor.u32 v9, v13;
	v13 =	vld [tilespmem:s28+$0xFFFFFFA0]  }
0x3c8: {  	v8 =	vand.u32 $0x7F, v8;
	v9 =	vor.u32 v14, v9;
	v14 =	vld.idx.msk [tilespmem:v17+s10+$0x0], $0xffff;
	v17 =	vand.u32 $0xFFFFFF80, v16  }
0x3c9: {  	[tilespmem:s20+$0xFFFFFF30] =	vst v12;
	v10 =	vshll.u32 v10, $0x4;
	v8 =	vor.u32 v8, v17;
	v12 =	vld.idx.msk [tilespmem:v16+s10+$0x0], $0xffff  }
0x3ca: {  	v61 =	vld [tilespmem:s28+$0xFFFFFF20];
	v15 =	vshll.u32 v15, $0x3;
	v9 =	vor.u32 v10, v9;
	v8 =	vadd.s32 $0x80, v8  }
0x3cb: {  	v62 =	vshll.u32 v60, $0x2;
	v10 =	vld [tilespmem:s29+$0xFFFFFDB0];
	v9 =	vor.u32 v15, v9  }
0x3cc: {  	v15 =	vld [tilespmem:s29+$0xFFFFFE30];
	v9 =	vor.u32 v62, v9  }
0x3cd: {  	v9 =	vor.u32 v13, v9;
	v13 =	vld [tilespmem:s29+$0xFFFFFEB0]  }
0x3ce: {  	v7 =	vshll.u32 v7, $0x7;
	v11 =	vshll.u32 v11, $0x6;
	v17 =	vld [tilespmem:s29+$0xFFFFFFB0];
	[tilespmem:s22+$0xFFFFFF60] =	vst v12  }
0x3cf: {  	v18 =	vshll.u32 v58, $0x5;
	v7 =	vor.u32 v7, v11;
	v12 =	vld.idx.msk [tilespmem:v8+s10+$0x0], $0xffff  }
0x3d0: {  	v38 =	vld [tilespmem:s24+$0xFFFFFC10];
	v7 =	vor.u32 v18, v7;
	v10 =	vshll.u32 v10, $0x4  }
0x3d1: {  	v42 =	vld [tilespmem:s24+$0xFFFFFE90];
	v15 =	vshll.u32 v15, $0x3;
	v7 =	vor.u32 v10, v7  }
0x3d2: {  	v44 =	vld [tilespmem:s24+$0xFFFFFF90];
	v16 =	vshll.u32 v61, $0x1;
	v7 =	vor.u32 v15, v7;
	v13 =	vshll.u32 v13, $0x2  }
0x3d3: {  	v9 =	vor.u32 v16, v9;
	v16 =	vld [tilespmem:s29+$0xFFFFFF30];
	v7 =	vor.u32 v13, v7  }
0x3d4: {  	v7 =	vor.u32 v17, v7;
	v17 =	vld [tilespmem:s24+$0xFFFFFE50];
	[tilespmem:s22+$0xFFFFFFE0] =	vst v12  }
0x3d5: {  	v12 =	vld [tilespmem:s28+$0xFFFFFC70]  }
0x3d6: {  	v30 =	vld [tilespmem:s28+$0xFFFFFCF0]  }
0x3d7: {  	v6 =	vadd.s32 $0x80, v6;
	v11 =	vld [tilespmem:s28+$0xFFFFFD70]  }
0x3d8: {  	v31 =	vld [tilespmem:s28+$0xFFFFFDF0]  }
0x3d9: {  	v5 =	vand.u32 $0x7F, v5;
	[tilespmem:s21+$0xFFFFFF80] =	vst v14;
	v14 =	vand.u32 $0xFFFFFF80, v9;
	v10 =	vld [tilespmem:s28+$0xFFFFFE70]  }
0x3da: {  	v34 =	vshll.u32 v28, $0x7;
	v5 =	vor.u32 v5, v59;
	v14 =	vadd.s32 v9, v14;
	v15 =	vld [tilespmem:s28+$0xFFFFFEF0]  }
0x3db: {  	v35 =	vshll.u32 v29, $0x6;
	v5 =	vadd.s32 $0x80, v5;
	v9 =	vand.u32 $0x7F, v9;
	v32 =	vld [tilespmem:s28+$0xFFFFFF70]  }
0x3dc: {  	v6 =	vld.idx.msk [tilespmem:v6+s10+$0x0], $0xffff;
	v16 =	vshll.u32 v16, $0x1;
	v12 =	vshll.u32 v12, $0x7;
	v22 =	vshll.u32 v30, $0x6  }
0x3dd: {  	v7 =	vor.u32 v16, v7;
	v13 =	vld [tilespmem:s28+$0xFFFFFFF0];
	v11 =	vshll.u32 v11, $0x5;
	v12 =	vor.u32 v12, v22  }
0x3de: {  	v17 =	vshll.u32 v17, $0x3;
	v18 =	vshll.u32 v31, $0x4;
	v11 =	vor.u32 v11, v12;
	v12 =	vld [tilespmem:s24+$0xFFFFFDD0]  }
0x3df: {  	v63 =	vld.idx.msk [tilespmem:v14+s10+$0x0], $0xffff;
	v10 =	vshll.u32 v10, $0x3;
	v15 =	vshll.u32 v15, $0x2;
	v11 =	vor.u32 v18, v11  }
0x3e0: {  	v36 =	vshll.u32 v32, $0x1;
	v10 =	vor.u32 v10, v11;
	v11 =	vand.u32 $0xFFFFFF80, v14;
	v14 =	vld [tilespmem:s24+$0xFFFFFED0]  }
0x3e1: {  	v22 =	vshll.u32 v33, $0x5;
	v18 =	vor.u32 v34, v35;
	v10 =	vor.u32 v15, v10;
	v15 =	vld [tilespmem:s24+$0xFFFFFF50]  }
0x3e2: {  	v18 =	vor.u32 v22, v18;
	v9 =	vor.u32 v9, v11;
	v10 =	vor.u32 v13, v10;
	v13 =	vld [tilespmem:s24+$0xFFFFFFD0]  }
0x3e3: {  	v40 =	vld [tilespmem:s24+$0xFFFFFE10];
	[tilespmem:s20+$0xFFFFFFB0] =	vst v6;
	v11 =	vand.u32 $0xFFFFFF80, v7;
	v9 =	vadd.s32 $0x80, v9;
	v12 =	vshll.u32 v12, $0x4  }
0x3e4: {  	v6 =	vld [tilespmem:s26+$0xFFFFFC40];
	v41 =	vadd.s32 v7, v11;
	v10 =	vor.u32 v36, v10;
	v12 =	vor.u32 v12, v18  }
0x3e5: {  	v5 =	vld.idx.msk [tilespmem:v5+s10+$0x0], $0xffff;
	v21 =	vand.u32 $0xFFFFFF80, v10;
	v14 =	vshll.u32 v14, $0x2;
	v12 =	vor.u32 v17, v12  }
0x3e6: {  	v8 =	vld [tilespmem:s26+$0xFFFFFCC0];
	v39 =	vadd.s32 v10, v21;
	v12 =	vor.u32 v14, v12  }
0x3e7: {  	v16 =	vld [tilespmem:s24+$0xFFFFFD10];
	[tilespmem:s22+$0xFFFFFF20] =	vst v63;
	v14 =	vshll.u32 v15, $0x1;
	v12 =	vor.u32 v13, v12  }
0x3e8: {  	v9 =	vld.idx.msk [tilespmem:v9+s10+$0x0], $0xffff;
	v12 =	vor.u32 v14, v12  }
0x3e9: {  	v17 =	vld [tilespmem:s24+$0xFFFFFD90];
	v11 =	vand.u32 $0xFFFFFF80, v12  }
0x3ea: {  	v10 =	vand.u32 $0x7F, v10;
	v45 =	vld.idx.msk [tilespmem:v41+s10+$0x0], $0xffff;
	v14 =	vand.u32 $0xFFFFFF80, v39;
	v15 =	vadd.s32 v12, v11  }
0x3eb: {  	v10 =	vor.u32 v10, v14;
	v13 =	vld.idx.msk [tilespmem:v39+s10+$0x0], $0xffff;
	v12 =	vand.u32 $0x7F, v12;
	v14 =	vand.u32 $0xFFFFFF80, v15  }
0x3ec: {  	v11 =	vld [tilespmem:s26+$0xFFFFFD40];
	v12 =	vor.u32 v12, v14  }
0x3ed: {  	[tilespmem:s22+$0xFFFFFFA0] =	vst v9;
	v27 =	vadd.s32 $0x80, v12;
	v12 =	vld [tilespmem:s26+$0xFFFFFDC0]  }
0x3ee: {  	v10 =	vadd.s32 $0x80, v10;
	v54 =	vld [tilespmem:s28+$0xFFFFFD30]  }
0x3ef: {  	v56 =	vld [tilespmem:s28+$0xFFFFFDB0]  }
0x3f0: {  	v26 =	vld.idx.msk [tilespmem:v15+s10+$0x0], $0xffff  }
0x3f1: {  	[tilespmem:s22+$0xFFFFFF70] =	vst v13;
	v13 =	vshll.u32 v37, $0x6;
	v37 =	vld [tilespmem:s28+$0xFFFFFE30]  }
0x3f2: {  	v15 =	vshll.u32 v16, $0x5;
	v16 =	vshll.u32 v40, $0x3;
	v40 =	vld [tilespmem:s28+$0xFFFFFEB0]  }
0x3f3: {  	v14 =	vshll.u32 v38, $0x7;
	v10 =	vld.idx.msk [tilespmem:v10+s10+$0x0], $0xffff  }
0x3f4: {  	v14 =	vor.u32 v14, v13;
	v13 =	vld [tilespmem:s26+$0xFFFFFE40]  }
0x3f5: {  	v9 =	vshll.u32 v17, $0x4;
	v15 =	vor.u32 v15, v14;
	v14 =	vld [tilespmem:s28+$0xFFFFFC30]  }
0x3f6: {  	s25 =	simm.s32 $0x93F0;
	v9 =	vor.u32 v9, v15;
	v15 =	vld [tilespmem:s28+$0xFFFFFCB0]  }
0x3f7: {  	v17 =	vshll.u32 v42, $0x2;
	v9 =	vor.u32 v16, v9;
	v22 =	vshll.u32 v37, $0x3;
	v37 =	vld [tilespmem:s25+$0xFFFFFC10]  }
0x3f8: {  	v9 =	vor.u32 v17, v9;
	v23 =	vshll.u32 v40, $0x2;
	v40 =	vld [tilespmem:s25+$0xFFFFFD90];
	[tilespmem:s22+$0xFFFFFFF0] =	vst v10  }
0x3f9: {  	v17 =	vshll.u32 v43, $0x1;
	v9 =	vor.u32 v44, v9;
	v10 =	vld [tilespmem:s28+$0xFFFFFC80]  }
0x3fa: {  	s23 =	simm.s32 $0x125F0;
	v46 =	vld [tilespmem:s28+$0xFFFFFD00];
	v9 =	vor.u32 v17, v9  }
0x3fb: {  	[tilespmem:s23+$0xFFFFFF50] =	vst v26;
	v17 =	vld [tilespmem:s28+$0xFFFFFD80];
	v47 =	vand.u32 $0xFFFFFF80, v9  }
0x3fc: {  	v16 =	vld.idx.msk [tilespmem:v27+s10+$0x0], $0xffff;
	v19 =	vadd.s32 v9, v47  }
0x3fd: {  	v48 =	vld [tilespmem:s28+$0xFFFFFE00]  }
0x3fe: {  	v49 =	vld [tilespmem:s28+$0xFFFFFE80]  }
0x3ff: {  	v50 =	vld [tilespmem:s28+$0xFFFFFF00];
	v9 =	vand.u32 $0x7F, v9;
	v10 =	vshll.u32 v10, $0x7;
	v18 =	vshll.u32 v46, $0x6  }
0x400: {  	v51 =	vld [tilespmem:s28+$0xFFFFFF80];
	v53 =	vand.u32 $0xFFFFFF80, v19;
	v17 =	vshll.u32 v17, $0x5;
	v10 =	vor.u32 v10, v18  }
0x401: {  	v9 =	vor.u32 v9, v53;
	v10 =	vor.u32 v17, v10;
	v17 =	vld.idx.msk [tilespmem:v19+s10+$0x0], $0xffff  }
0x402: {  	v52 =	vld [tilespmem:s28+$0x0];
	[tilespmem:s23+$0xFFFFFFD0] =	vst v16;
	v20 =	vshll.u32 v48, $0x4;
	v9 =	vadd.s32 $0x80, v9  }
0x403: {  	v55 =	vshll.u32 v49, $0x3;
	v57 =	vld [tilespmem:s24+$0xFFFFFDE0];
	v10 =	vor.u32 v20, v10  }
0x404: {  	v16 =	vshll.u32 v50, $0x2;
	v59 =	vld [tilespmem:s24+$0xFFFFFCE0];
	v10 =	vor.u32 v55, v10  }
0x405: {  	v10 =	vor.u32 v16, v10;
	v16 =	vld [tilespmem:s24+$0xFFFFFC60]  }
0x406: {  	[tilespmem:s23+$0xFFFFFF10] =	vst v17;
	v17 =	vld [tilespmem:s24+$0xFFFFFD60]  }
0x407: {  	v9 =	vld.idx.msk [tilespmem:v9+s10+$0x0], $0xffff  }
0x408: {  	v60 =	vld [tilespmem:s24+$0xFFFFFE60]  }
0x409: {  	v58 =	vshll.u32 v51, $0x1;
	v61 =	vld [tilespmem:s24+$0xFFFFFEE0];
	v10 =	vor.u32 v52, v10  }
0x40a: {  	v62 =	vld [tilespmem:s24+$0xFFFFFF60];
	v21 =	vshll.u32 v59, $0x6;
	v10 =	vor.u32 v58, v10;
	v16 =	vshll.u32 v16, $0x7  }
0x40b: {  	v28 =	vld [tilespmem:s24+$0xFFFFFFE0];
	v19 =	vand.u32 $0xFFFFFF80, v10;
	v16 =	vor.u32 v16, v21;
	v17 =	vshll.u32 v17, $0x5  }
0x40c: {  	v47 =	vld [tilespmem:s28+$0xFFFFFFB0];
	v19 =	vadd.s32 v10, v19;
	[tilespmem:s23+$0xFFFFFF90] =	vst v9;
	v9 =	vshll.u32 v57, $0x4;
	v16 =	vor.u32 v17, v16  }
0x40d: {  	v51 =	vld [tilespmem:s25+$0xFFFFFC50];
	v30 =	vshll.u32 v60, $0x3;
	v9 =	vor.u32 v9, v16  }
0x40e: {  	v20 =	vshll.u32 v56, $0x4;
	v56 =	vld [tilespmem:s25+$0xFFFFFD50];
	v32 =	vshll.u32 v61, $0x2;
	v9 =	vor.u32 v30, v9  }
0x40f: {  	v59 =	vld [tilespmem:s25+$0xFFFFFE50];
	v9 =	vor.u32 v32, v9  }
0x410: {  	v35 =	vshll.u32 v62, $0x1;
	v61 =	vld [tilespmem:s25+$0xFFFFFED0];
	v9 =	vor.u32 v28, v9  }
0x411: {  	v10 =	vand.u32 $0x7F, v10;
	v63 =	vld.idx.msk [tilespmem:v19+s10+$0x0], $0xffff;
	v19 =	vand.u32 $0xFFFFFF80, v19;
	v9 =	vor.u32 v35, v9  }
0x412: {  	v58 =	vld [tilespmem:s25+$0xFFFFFDD0];
	v10 =	vor.u32 v10, v19;
	v19 =	vand.u32 $0xFFFFFF80, v9  }
0x413: {  	v17 =	vld [tilespmem:s24+$0xFFFFFC20];
	v19 =	vadd.s32 v9, v19  }
0x414: {  	v16 =	vld [tilespmem:s24+$0xFFFFFCA0]  }
0x415: {  	v33 =	vld [tilespmem:s24+$0xFFFFFD20]  }
0x416: {  	v34 =	vld [tilespmem:s24+$0xFFFFFDA0]  }
0x417: {  	v36 =	vld [tilespmem:s24+$0xFFFFFE20];
	v9 =	vand.u32 $0x7F, v9;
	v42 =	vand.u32 $0xFFFFFF80, v19  }
0x418: {  	v9 =	vor.u32 v9, v42;
	v44 =	vld.idx.msk [tilespmem:v19+s10+$0x0], $0xffff  }
0x419: {  	v38 =	vld [tilespmem:s24+$0xFFFFFEA0];
	v9 =	vadd.s32 $0x80, v9  }
0x41a: {  	v39 =	vld [tilespmem:s24+$0xFFFFFF20]  }
0x41b: {  	v29 =	vld [tilespmem:s24+$0xFFFFFFA0]  }
0x41c: {  	v30 =	vld [tilespmem:s25+$0xFFFFFCD0]  }
0x41d: {  	v35 =	vld [tilespmem:s25+$0xFFFFFFD0];
	[tilespmem:s23+$0xFFFFFF60] =	vst v44  }
0x41e: {  	v7 =	vand.u32 $0x7F, v7;
	v31 =	vand.u32 $0xFFFFFF80, v41;
	v10 =	vadd.s32 $0x80, v10;
	v24 =	vld.idx.msk [tilespmem:v9+s10+$0x0], $0xffff  }
0x41f: {  	v7 =	vor.u32 v7, v31;
	v17 =	vshll.u32 v17, $0x7;
	v16 =	vshll.u32 v16, $0x6;
	[tilespmem:s22+$0xFFFFFF80] =	vst v63;
	v63 =	vld [tilespmem:s25+$0xFFFFFF50]  }
0x420: {  	v18 =	vshll.u32 v33, $0x5;
	v41 =	vshll.u32 v36, $0x3;
	v36 =	vld [tilespmem:s25+$0xFFFFFC90];
	v16 =	vor.u32 v17, v16  }
0x421: {  	v62 =	vshll.u32 v51, $0x7;
	v33 =	vshll.u32 v30, $0x6;
	v16 =	vor.u32 v18, v16;
	v18 =	vld [tilespmem:s26+$0xFFFFFF40]  }
0x422: {  	v17 =	vadd.s32 $0x80, v7;
	v7 =	vshll.u32 v34, $0x4;
	v28 =	vor.u32 v62, v33;
	v33 =	vld [tilespmem:s25+$0xFFFFFF90]  }
0x423: {  	v16 =	vor.u32 v7, v16;
	v7 =	vld.idx.msk [tilespmem:v10+s10+$0x0], $0xffff;
	[tilespmem:s23+$0xFFFFFFE0] =	vst v24  }
0x424: {  	v14 =	vshll.u32 v14, $0x7;
	v15 =	vshll.u32 v15, $0x6;
	v24 =	vld [tilespmem:s24+$0xFFFFFC70]  }
0x425: {  	v27 =	vshll.u32 v54, $0x5;
	v14 =	vor.u32 v14, v15;
	v31 =	vld [tilespmem:s24+$0xFFFFFCF0]  }
0x426: {  	v14 =	vor.u32 v27, v14;
	v43 =	vshll.u32 v38, $0x2;
	v10 =	vor.u32 v41, v16;
	v15 =	vld [tilespmem:s24+$0xFFFFFD70]  }
0x427: {  	v14 =	vor.u32 v20, v14;
	v10 =	vor.u32 v43, v10;
	v52 =	vld [tilespmem:s24+$0xFFFFFDF0]  }
0x428: {  	[tilespmem:s21+$0xFFFFFF30] =	vst v45;
	v14 =	vor.u32 v22, v14;
	v45 =	vshll.u32 v39, $0x1;
	v10 =	vor.u32 v29, v10;
	v53 =	vld [tilespmem:s24+$0xFFFFFE70]  }
0x429: {  	v14 =	vor.u32 v23, v14;
	v48 =	vor.u32 v45, v10;
	v54 =	vld [tilespmem:s24+$0xFFFFFEF0]  }
0x42a: {  	v14 =	vor.u32 v47, v14;
	v25 =	vshll.u32 v59, $0x3;
	v10 =	vand.u32 $0xFFFFFF80, v48;
	v32 =	vld [tilespmem:s24+$0xFFFFFF70]  }
0x42b: {  	v42 =	vld [tilespmem:s25+$0xFFFFFE90];
	v49 =	vadd.s32 v48, v10;
	v24 =	vshll.u32 v24, $0x7;
	v31 =	vshll.u32 v31, $0x6  }
0x42c: {  	v26 =	vshll.u32 v58, $0x4;
	v55 =	vld [tilespmem:s24+$0xFFFFFFF0];
	v15 =	vshll.u32 v15, $0x5;
	v24 =	vor.u32 v24, v31  }
0x42d: {  	v16 =	vld [tilespmem:s28+$0xFFFFFF30];
	v57 =	vand.u32 $0x7F, v48;
	v27 =	vshll.u32 v52, $0x4;
	v15 =	vor.u32 v15, v24  }
0x42e: {  	v46 =	vld.idx.msk [tilespmem:v17+s10+$0x0], $0xffff;
	v60 =	vand.u32 $0xFFFFFF80, v49;
	v20 =	vshll.u32 v53, $0x3;
	v15 =	vor.u32 v27, v15  }
0x42f: {  	v41 =	vld [tilespmem:s25+$0xFFFFFE10];
	v22 =	vshll.u32 v54, $0x2;
	v34 =	vshll.u32 v32, $0x1;
	v15 =	vor.u32 v20, v15  }
0x430: {  	v50 =	vld.idx.msk [tilespmem:v49+s10+$0x0], $0xffff;
	v31 =	vshll.u32 v56, $0x5;
	v20 =	vor.u32 v57, v60;
	v15 =	vor.u32 v22, v15  }
0x431: {  	v19 =	vld [tilespmem:s26+$0xFFFFFEC0];
	v28 =	vor.u32 v31, v28;
	v20 =	vadd.s32 $0x80, v20;
	v15 =	vor.u32 v55, v15  }
0x432: {  	v17 =	vld [tilespmem:s26+$0xFFFFFFC0];
	v16 =	vshll.u32 v16, $0x1;
	v26 =	vor.u32 v26, v28;
	v15 =	vor.u32 v34, v15  }
0x433: {  	v45 =	vld [tilespmem:s25+$0xFFFFFF10];
	[tilespmem:s21+$0xFFFFFFB0] =	vst v46;
	v25 =	vor.u32 v25, v26;
	v22 =	vshll.u32 v63, $0x1;
	v30 =	vand.u32 $0xFFFFFF80, v15  }
0x434: {  	v9 =	vld [tilespmem:s29+$0xFFFFFC40];
	v38 =	vadd.s32 v15, v30;
	v30 =	vor.u32 v16, v14;
	v16 =	vshll.u32 v61, $0x2  }
0x435: {  	[tilespmem:s23+$0xFFFFFF20] =	vst v50;
	v14 =	vld [tilespmem:s25+$0xFFFFFD10];
	v15 =	vand.u32 $0x7F, v15;
	v39 =	vand.u32 $0xFFFFFF80, v30;
	v16 =	vor.u32 v16, v25  }
0x436: {  	v44 =	vand.u32 $0xFFFFFF80, v38;
	v20 =	vld.idx.msk [tilespmem:v20+s10+$0x0], $0xffff;
	v16 =	vor.u32 v35, v16;
	v23 =	vadd.s32 v30, v39  }
0x437: {  	v10 =	vld [tilespmem:s29+$0xFFFFFCC0];
	v15 =	vor.u32 v15, v44;
	v16 =	vor.u32 v22, v16  }
0x438: {  	v46 =	vadd.s32 $0x80, v15;
	v15 =	vld [tilespmem:s29+$0xFFFFFD40];
	v22 =	vand.u32 $0xFFFFFF80, v16  }
0x439: {  	v43 =	vld.idx.msk [tilespmem:v38+s10+$0x0], $0xffff;
	v22 =	vadd.s32 v16, v22  }
0x43a: {  	v48 =	vshll.u32 v36, $0x6;
	v49 =	vshll.u32 v37, $0x7;
	v51 =	vshll.u32 v14, $0x5;
	v14 =	vld [tilespmem:s29+$0xFFFFFE40]  }
0x43b: {  	v21 =	vor.u32 v49, v48;
	[tilespmem:s23+$0xFFFFFFA0] =	vst v20;
	v25 =	vld.idx.msk [tilespmem:v23+s10+$0x0], $0xffff  }
0x43c: {  	v26 =	vshll.u32 v40, $0x4;
	v21 =	vor.u32 v51, v21;
	v20 =	vld [tilespmem:s24+$0xFFFFFC30]  }
0x43d: {  	v26 =	vor.u32 v26, v21;
	v21 =	vld [tilespmem:s24+$0xFFFFFCB0]  }
0x43e: {  	v16 =	vand.u32 $0x7F, v16;
	v34 =	vld.idx.msk [tilespmem:v22+s10+$0x0], $0xffff;
	v22 =	vand.u32 $0xFFFFFF80, v22  }
0x43f: {  	v27 =	vshll.u32 v41, $0x3;
	v24 =	vld [tilespmem:s24+$0xFFFFFD30];
	[tilespmem:s23+$0xFFFFFF70] =	vst v43;
	v16 =	vor.u32 v16, v22  }
0x440: {  	v52 =	vshll.u32 v42, $0x2;
	v26 =	vor.u32 v27, v26;
	v47 =	vld.idx.msk [tilespmem:v46+s10+$0x0], $0xffff;
	v50 =	vadd.s32 $0x80, v16  }
0x441: {  	v49 =	vld [tilespmem:s24+$0xFFFFFEB0];
	v26 =	vor.u32 v52, v26  }
0x442: {  	v54 =	vshll.u32 v45, $0x1;
	v27 =	vld [tilespmem:s24+$0xFFFFFE30];
	v26 =	vor.u32 v33, v26  }
0x443: {  	s26 =	simm.s32 $0x126F0;
	v22 =	vor.u32 v54, v26;
	v54 =	vld [tilespmem:s24+$0xFFFFFF30]  }
0x444: {  	v16 =	vld [tilespmem:s29+$0xFFFFFDC0];
	[tilespmem:s26+$0xFFFFFF50] =	vst v34  }
0x445: {  	[tilespmem:s23+$0xFFFFFFF0] =	vst v47;
	v53 =	vld.idx.msk [tilespmem:v50+s10+$0x0], $0xffff  }
0x446: {  	v55 =	vld [tilespmem:s24+$0xFFFFFC80]  }
0x447: {  	v56 =	vld [tilespmem:s24+$0xFFFFFD00]  }
0x448: {  	v57 =	vand.u32 $0xFFFFFF80, v22;
	v58 =	vld [tilespmem:s24+$0xFFFFFD80]  }
0x449: {  	v29 =	vadd.s32 v22, v57;
	v59 =	vld [tilespmem:s24+$0xFFFFFE00]  }
0x44a: {  	v60 =	vld [tilespmem:s24+$0xFFFFFE80]  }
0x44b: {  	v61 =	vld [tilespmem:s24+$0xFFFFFF00]  }
0x44c: {  	v35 =	vld [tilespmem:s24+$0xFFFFFF80]  }
0x44d: {  	v22 =	vand.u32 $0x7F, v22;
	v62 =	vand.u32 $0xFFFFFF80, v29;
	v36 =	vld [tilespmem:s24+$0x0]  }
0x44e: {  	v6 =	vshll.u32 v6, $0x7;
	v22 =	vor.u32 v22, v62;
	v29 =	vld.idx.msk [tilespmem:v29+s10+$0x0], $0xffff  }
0x44f: {  	v8 =	vshll.u32 v8, $0x6;
	v22 =	vadd.s32 $0x80, v22;
	v26 =	vshll.u32 v56, $0x6;
	[tilespmem:s26+$0xFFFFFFD0] =	vst v53;
	v56 =	vld [tilespmem:s24+$0xFFFFFFB0]  }
0x450: {  	v6 =	vor.u32 v6, v8;
	v8 =	vshll.u32 v11, $0x5;
	v38 =	vld [tilespmem:s25+$0xFFFFFDE0]  }
0x451: {  	v6 =	vor.u32 v8, v6;
	v28 =	vshll.u32 v55, $0x7;
	v39 =	vld [tilespmem:s25+$0xFFFFFC60]  }
0x452: {  	v8 =	vshll.u32 v12, $0x4;
	v31 =	vshll.u32 v58, $0x5;
	v26 =	vor.u32 v28, v26;
	v41 =	vld [tilespmem:s25+$0xFFFFFCE0]  }
0x453: {  	v6 =	vor.u32 v8, v6;
	v32 =	vshll.u32 v59, $0x4;
	[tilespmem:s26+$0xFFFFFF10] =	vst v29;
	v42 =	vld [tilespmem:s25+$0xFFFFFD60];
	v26 =	vor.u32 v31, v26  }
0x454: {  	v12 =	vshll.u32 v13, $0x3;
	v63 =	vshll.u32 v60, $0x3;
	v22 =	vld.idx.msk [tilespmem:v22+s10+$0x0], $0xffff;
	v26 =	vor.u32 v32, v26  }
0x455: {  	v6 =	vor.u32 v12, v6;
	v37 =	vshll.u32 v61, $0x2;
	v11 =	vld [tilespmem:s25+$0xFFFFFE60];
	v26 =	vor.u32 v63, v26  }
0x456: {  	v18 =	vshll.u32 v18, $0x1;
	v40 =	vshll.u32 v35, $0x1;
	v13 =	vld [tilespmem:s25+$0xFFFFFEE0];
	v26 =	vor.u32 v37, v26  }
0x457: {  	v8 =	vld [tilespmem:s25+$0xFFFFFF60];
	v26 =	vor.u32 v36, v26;
	v32 =	vshll.u32 v39, $0x7;
	v34 =	vshll.u32 v41, $0x6  }
0x458: {  	v12 =	vld [tilespmem:s25+$0xFFFFFFE0];
	v29 =	vshll.u32 v42, $0x5;
	v26 =	vor.u32 v40, v26;
	v32 =	vor.u32 v32, v34  }
0x459: {  	v28 =	vld [tilespmem:s24+$0xFFFFFDB0];
	v31 =	vshll.u32 v38, $0x4;
	[tilespmem:s26+$0xFFFFFF90] =	vst v22;
	v33 =	vand.u32 $0xFFFFFF80, v26;
	v29 =	vor.u32 v29, v32  }
0x45a: {  	v11 =	vshll.u32 v11, $0x3;
	v45 =	vld [tilespmem:s25+$0xFFFFFC20];
	v33 =	vadd.s32 v26, v33;
	v44 =	vor.u32 v31, v29  }
0x45b: {  	v19 =	vshll.u32 v19, $0x2;
	v13 =	vshll.u32 v13, $0x2;
	v46 =	vld [tilespmem:s25+$0xFFFFFCA0];
	v11 =	vor.u32 v11, v44  }
0x45c: {  	v30 =	vand.u32 $0x7F, v30;
	v23 =	vand.u32 $0xFFFFFF80, v23;
	v48 =	vld [tilespmem:s25+$0xFFFFFE20];
	v11 =	vor.u32 v13, v11  }
0x45d: {  	v8 =	vshll.u32 v8, $0x1;
	v26 =	vand.u32 $0x7F, v26;
	v13 =	vld [tilespmem:s25+$0xFFFFFD20];
	v11 =	vor.u32 v12, v11  }
0x45e: {  	v47 =	vand.u32 $0xFFFFFF80, v33;
	v12 =	vld [tilespmem:s25+$0xFFFFFDA0];
	v11 =	vor.u32 v8, v11;
	v8 =	vor.u32 v30, v23  }
0x45f: {  	v6 =	vor.u32 v19, v6;
	v26 =	vor.u32 v26, v47;
	v43 =	vld.idx.msk [tilespmem:v33+s10+$0x0], $0xffff;
	v52 =	vadd.s32 $0x80, v8  }
0x460: {  	v6 =	vor.u32 v17, v6;
	v51 =	vld [tilespmem:s25+$0xFFFFFEA0];
	v26 =	vadd.s32 $0x80, v26;
	v50 =	vand.u32 $0xFFFFFF80, v11  }
0x461: {  	v17 =	vld [tilespmem:s25+$0xFFFFFF20];
	v29 =	vshll.u32 v45, $0x7;
	v22 =	vshll.u32 v46, $0x6;
	v23 =	vadd.s32 v11, v50  }
0x462: {  	v53 =	vld [tilespmem:s25+$0xFFFFFFA0];
	v22 =	vor.u32 v29, v22;
	v11 =	vand.u32 $0x7F, v11;
	v13 =	vshll.u32 v13, $0x5  }
0x463: {  	[tilespmem:s22+$0xFFFFFF30] =	vst v25;
	v12 =	vshll.u32 v12, $0x4;
	v13 =	vor.u32 v13, v22;
	v22 =	vor.u32 v18, v6;
	v18 =	vld [tilespmem:s29+$0xFFFFFEC0]  }
0x464: {  	v55 =	vand.u32 $0xFFFFFF80, v23;
	v6 =	vshll.u32 v48, $0x3;
	v12 =	vor.u32 v12, v13;
	[tilespmem:s23+$0xFFFFFF80] =	vst v43;
	v29 =	vld.idx.msk [tilespmem:v52+s10+$0x0], $0xffff  }
0x465: {  	v30 =	vshll.u32 v51, $0x2;
	v11 =	vor.u32 v11, v55;
	v6 =	vor.u32 v6, v12;
	v8 =	vld.idx.msk [tilespmem:v26+s10+$0x0], $0xffff  }
0x466: {  	v13 =	vand.u32 $0xFFFFFF80, v22;
	v57 =	vadd.s32 $0x80, v11;
	v12 =	vld.idx.msk [tilespmem:v23+s10+$0x0], $0xffff;
	v6 =	vor.u32 v30, v6  }
0x467: {  	v23 =	vadd.s32 v22, v13;
	v13 =	vshll.u32 v17, $0x1;
	v17 =	vld [tilespmem:s29+$0xFFFFFFC0];
	v6 =	vor.u32 v53, v6  }
0x468: {  	v58 =	vor.u32 v13, v6;
	v13 =	vld [tilespmem:s29+$0xFFFFFF40];
	s29 =	simm.s32 $0x97F0  }
0x469: {  	v60 =	vld [tilespmem:s29+$0xFFFFFC50]  }
0x46a: {  	v61 =	vld [tilespmem:s29+$0xFFFFFCD0]  }
0x46b: {  	v45 =	vld [tilespmem:s29+$0xFFFFFD50];
	[tilespmem:s26+$0xFFFFFF60] =	vst v12  }
0x46c: {  	v30 =	vld.idx.msk [tilespmem:v57+s10+$0x0], $0xffff  }
0x46d: {  	v47 =	vld [tilespmem:s29+$0xFFFFFDD0]  }
0x46e: {  	v48 =	vld [tilespmem:s29+$0xFFFFFE50]  }
0x46f: {  	v50 =	vld [tilespmem:s29+$0xFFFFFED0]  }
0x470: {  	v20 =	vshll.u32 v20, $0x7;
	v21 =	vshll.u32 v21, $0x6;
	v52 =	vld [tilespmem:s29+$0xFFFFFF50]  }
0x471: {  	v24 =	vshll.u32 v24, $0x5;
	v20 =	vor.u32 v20, v21;
	v55 =	vld [tilespmem:s29+$0xFFFFFFD0];
	[tilespmem:s26+$0xFFFFFFE0] =	vst v30  }
0x472: {  	v20 =	vor.u32 v24, v20;
	v39 =	vshll.u32 v28, $0x4;
	v30 =	vld [tilespmem:s25+$0xFFFFFC70]  }
0x473: {  	v27 =	vshll.u32 v27, $0x3;
	v20 =	vor.u32 v39, v20;
	v62 =	vld [tilespmem:s25+$0xFFFFFCF0]  }
0x474: {  	v19 =	vshll.u32 v49, $0x2;
	v20 =	vor.u32 v27, v20;
	v63 =	vld [tilespmem:s25+$0xFFFFFD70]  }
0x475: {  	v19 =	vor.u32 v19, v20;
	v6 =	vand.u32 $0xFFFFFF80, v58;
	v40 =	vld [tilespmem:s25+$0xFFFFFDF0]  }
0x476: {  	v19 =	vor.u32 v56, v19;
	v26 =	vshll.u32 v54, $0x1;
	v59 =	vadd.s32 v58, v6;
	v41 =	vld [tilespmem:s25+$0xFFFFFE70]  }
0x477: {  	v26 =	vor.u32 v26, v19;
	v46 =	vand.u32 $0x7F, v58;
	v49 =	vand.u32 $0xFFFFFF80, v59;
	v42 =	vld [tilespmem:s25+$0xFFFFFEF0]  }
0x478: {  	v51 =	vshll.u32 v60, $0x7;
	v43 =	vld [tilespmem:s25+$0xFFFFFF70];
	v30 =	vshll.u32 v30, $0x7;
	v35 =	vshll.u32 v62, $0x6  }
0x479: {  	v53 =	vshll.u32 v61, $0x6;
	v44 =	vld [tilespmem:s25+$0xFFFFFFF0];
	v21 =	vshll.u32 v63, $0x5;
	v30 =	vor.u32 v30, v35  }
0x47a: {  	v56 =	vld [tilespmem:s29+$0xFFFFFC90];
	v31 =	vshll.u32 v47, $0x4;
	v28 =	vshll.u32 v40, $0x4;
	v21 =	vor.u32 v21, v30  }
0x47b: {  	[tilespmem:s22+$0xFFFFFFB0] =	vst v29;
	v11 =	vld.idx.msk [tilespmem:v23+s10+$0x0], $0xffff;
	v32 =	vor.u32 v51, v53;
	v24 =	vshll.u32 v41, $0x3;
	v21 =	vor.u32 v28, v21  }
0x47c: {  	v6 =	vld [tilespmem:s28+$0xFFFFFC40];
	v27 =	vshll.u32 v42, $0x2;
	v35 =	vshll.u32 v45, $0x5;
	v21 =	vor.u32 v24, v21  }
0x47d: {  	v12 =	vld [tilespmem:s28+$0xFFFFFCC0];
	v25 =	vshll.u32 v48, $0x3;
	v32 =	vor.u32 v35, v32;
	v21 =	vor.u32 v27, v21  }
0x47e: {  	v57 =	vld [tilespmem:s29+$0xFFFFFC10];
	v54 =	vshll.u32 v43, $0x1;
	v31 =	vor.u32 v31, v32;
	v20 =	vor.u32 v44, v21  }
0x47f: {  	v60 =	vshll.u32 v50, $0x2;
	v29 =	vld.idx.msk [tilespmem:v59+s10+$0x0], $0xffff;
	v25 =	vor.u32 v25, v31;
	v20 =	vor.u32 v54, v20  }
0x480: {  	v59 =	vld [tilespmem:s29+$0xFFFFFD10];
	v24 =	vor.u32 v46, v49;
	v19 =	vor.u32 v60, v25;
	v34 =	vand.u32 $0xFFFFFF80, v20  }
0x481: {  	v62 =	vld [tilespmem:s29+$0xFFFFFD90];
	v27 =	vshll.u32 v52, $0x1;
	v19 =	vor.u32 v55, v19;
	v58 =	vadd.s32 v20, v34  }
0x482: {  	v61 =	vand.u32 $0xFFFFFF80, v26;
	v63 =	vld [tilespmem:s29+$0xFFFFFE10];
	v24 =	vadd.s32 $0x80, v24;
	v21 =	vor.u32 v27, v19  }
0x483: {  	v40 =	vld [tilespmem:s29+$0xFFFFFE90];
	v28 =	vadd.s32 v26, v61;
	v19 =	vand.u32 $0xFFFFFF80, v21  }
0x484: {  	v42 =	vld [tilespmem:s29+$0xFFFFFF10];
	v37 =	vadd.s32 v21, v19  }
0x485: {  	v44 =	vld [tilespmem:s29+$0xFFFFFF90];
	v20 =	vand.u32 $0x7F, v20;
	v32 =	vand.u32 $0xFFFFFF80, v58  }
0x486: {  	[tilespmem:s26+$0xFFFFFF20] =	vst v29;
	v43 =	vor.u32 v20, v32;
	v41 =	vld.idx.msk [tilespmem:v58+s10+$0x0], $0xffff  }
0x487: {  	v24 =	vld.idx.msk [tilespmem:v24+s10+$0x0], $0xffff;
	v20 =	vadd.s32 $0x80, v43  }
0x488: {  	v19 =	vld.idx.msk [tilespmem:v28+s10+$0x0], $0xffff  }
0x489: {  	v21 =	vand.u32 $0x7F, v21;
	v45 =	vld.idx.msk [tilespmem:v37+s10+$0x0], $0xffff;
	v37 =	vand.u32 $0xFFFFFF80, v37  }
0x48a: {  	v32 =	vld [tilespmem:s28+$0xFFFFFD40];
	v21 =	vor.u32 v21, v37  }
0x48b: {  	v49 =	vadd.s32 $0x80, v21;
	v21 =	vld [tilespmem:s28+$0xFFFFFDC0];
	[tilespmem:s26+$0xFFFFFF70] =	vst v41  }
0x48c: {  	v47 =	vshll.u32 v56, $0x6;
	v48 =	vshll.u32 v57, $0x7;
	[tilespmem:s26+$0xFFFFFFA0] =	vst v24;
	v46 =	vld.idx.msk [tilespmem:v20+s10+$0x0], $0xffff  }
0x48d: {  	v33 =	vor.u32 v48, v47;
	v34 =	vshll.u32 v59, $0x5;
	v52 =	vld [tilespmem:s25+$0xFFFFFC30]  }
0x48e: {  	v50 =	vshll.u32 v62, $0x4;
	v51 =	vor.u32 v34, v33;
	v53 =	vld [tilespmem:s25+$0xFFFFFCB0]  }
0x48f: {  	s30 =	simm.s32 $0x127F0;
	v25 =	vshll.u32 v63, $0x3;
	v24 =	vor.u32 v50, v51;
	v54 =	vld [tilespmem:s25+$0xFFFFFD30]  }
0x490: {  	v31 =	vshll.u32 v40, $0x2;
	v24 =	vor.u32 v25, v24;
	v39 =	vld [tilespmem:s25+$0xFFFFFDB0];
	[tilespmem:s30+$0xFFFFFF50] =	vst v45  }
0x491: {  	v24 =	vor.u32 v31, v24;
	v27 =	vld.idx.msk [tilespmem:v49+s10+$0x0], $0xffff;
	[tilespmem:s26+$0xFFFFFFF0] =	vst v46  }
0x492: {  	v55 =	vshll.u32 v42, $0x1;
	v24 =	vor.u32 v44, v24;
	v56 =	vld [tilespmem:s25+$0xFFFFFC80]  }
0x493: {  	v24 =	vor.u32 v55, v24;
	v57 =	vld [tilespmem:s25+$0xFFFFFD00]  }
0x494: {  	v9 =	vshll.u32 v9, $0x7;
	v10 =	vshll.u32 v10, $0x6;
	v58 =	vand.u32 $0xFFFFFF80, v24;
	v59 =	vld [tilespmem:s25+$0xFFFFFD80]  }
0x495: {  	v9 =	vor.u32 v9, v10;
	v10 =	vshll.u32 v15, $0x5;
	v15 =	vadd.s32 v24, v58;
	v60 =	vld [tilespmem:s25+$0xFFFFFE00]  }
0x496: {  	v9 =	vor.u32 v10, v9;
	v14 =	vshll.u32 v14, $0x3;
	v10 =	vshll.u32 v16, $0x4;
	v16 =	vld [tilespmem:s25+$0xFFFFFE80]  }
0x497: {  	v9 =	vor.u32 v10, v9;
	v22 =	vand.u32 $0x7F, v22;
	v23 =	vand.u32 $0xFFFFFF80, v23;
	v10 =	vld [tilespmem:s25+$0xFFFFFF00]  }
0x498: {  	v9 =	vor.u32 v14, v9;
	v22 =	vor.u32 v22, v23;
	v61 =	vand.u32 $0x7F, v24;
	v62 =	vld [tilespmem:s25+$0xFFFFFF80]  }
0x499: {  	v63 =	vand.u32 $0xFFFFFF80, v15;
	v38 =	vld [tilespmem:s25+$0x0];
	v29 =	vshll.u32 v56, $0x7;
	v31 =	vshll.u32 v57, $0x6  }
0x49a: {  	v23 =	vor.u32 v61, v63;
	v15 =	vld.idx.msk [tilespmem:v15+s10+$0x0], $0xffff;
	v35 =	vshll.u32 v59, $0x5;
	v29 =	vor.u32 v29, v31  }
0x49b: {  	v40 =	vld [tilespmem:s25+$0xFFFFFE30];
	v23 =	vadd.s32 $0x80, v23;
	[tilespmem:s30+$0xFFFFFFD0] =	vst v27;
	v34 =	vshll.u32 v60, $0x4;
	v29 =	vor.u32 v35, v29  }
0x49c: {  	v14 =	vshll.u32 v18, $0x2;
	v41 =	vld [tilespmem:s29+$0xFFFFFDE0];
	v16 =	vshll.u32 v16, $0x3;
	v29 =	vor.u32 v34, v29  }
0x49d: {  	v9 =	vor.u32 v14, v9;
	v14 =	vld [tilespmem:s29+$0xFFFFFC60];
	v10 =	vshll.u32 v10, $0x2;
	v16 =	vor.u32 v16, v29  }
0x49e: {  	v9 =	vor.u32 v17, v9;
	v13 =	vshll.u32 v13, $0x1;
	v17 =	vld [tilespmem:s29+$0xFFFFFCE0];
	v10 =	vor.u32 v10, v16  }
0x49f: {  	v9 =	vor.u32 v13, v9;
	v13 =	vld [tilespmem:s29+$0xFFFFFD60];
	[tilespmem:s30+$0xFFFFFF10] =	vst v15;
	v16 =	vshll.u32 v62, $0x1;
	v10 =	vor.u32 v38, v10  }
0x4a0: {  	v6 =	vshll.u32 v6, $0x7;
	v12 =	vshll.u32 v12, $0x6;
	v23 =	vld.idx.msk [tilespmem:v23+s10+$0x0], $0xffff;
	v10 =	vor.u32 v16, v10  }
0x4a1: {  	v22 =	vadd.s32 $0x80, v22;
	v6 =	vor.u32 v6, v12;
	v20 =	vld [tilespmem:s28+$0xFFFFFE40];
	v15 =	vand.u32 $0xFFFFFF80, v10  }
0x4a2: {  	v42 =	vand.u32 $0xFFFFFF80, v28;
	v43 =	vand.u32 $0xFFFFFF80, v9;
	v45 =	vld [tilespmem:s29+$0xFFFFFE60];
	v15 =	vadd.s32 v10, v15  }
0x4a3: {  	v51 =	vshll.u32 v32, $0x5;
	v47 =	vld [tilespmem:s29+$0xFFFFFEE0];
	v14 =	vshll.u32 v14, $0x7;
	v17 =	vshll.u32 v17, $0x6  }
0x4a4: {  	v44 =	vand.u32 $0x7F, v9;
	v12 =	vld [tilespmem:s29+$0xFFFFFF60];
	v13 =	vshll.u32 v13, $0x5;
	v14 =	vor.u32 v14, v17  }
0x4a5: {  	v9 =	vadd.s32 v9, v43;
	v17 =	vld [tilespmem:s29+$0xFFFFFFE0];
	v13 =	vor.u32 v13, v14;
	v14 =	vshll.u32 v41, $0x4;
	[tilespmem:s30+$0xFFFFFF90] =	vst v23  }
0x4a6: {  	v25 =	vshll.u32 v54, $0x5;
	v46 =	vand.u32 $0xFFFFFF80, v9;
	v13 =	vor.u32 v14, v13;
	v14 =	vld [tilespmem:s29+$0xFFFFFC20]  }
0x4a7: {  	v49 =	vshll.u32 v45, $0x3;
	v10 =	vand.u32 $0x7F, v10;
	v48 =	vld.idx.msk [tilespmem:v15+s10+$0x0], $0xffff;
	v15 =	vand.u32 $0xFFFFFF80, v15  }
0x4a8: {  	v13 =	vor.u32 v49, v13;
	v50 =	vld [tilespmem:s29+$0xFFFFFCA0];
	v10 =	vor.u32 v10, v15;
	v15 =	vshll.u32 v47, $0x2  }
0x4a9: {  	v16 =	vand.u32 $0x7F, v26;
	v10 =	vadd.s32 $0x80, v10;
	v13 =	vor.u32 v15, v13;
	v15 =	vld [tilespmem:s29+$0xFFFFFD20]  }
0x4aa: {  	v26 =	vor.u32 v51, v6;
	v6 =	vshll.u32 v12, $0x1;
	v12 =	vor.u32 v17, v13;
	v13 =	vld [tilespmem:s29+$0xFFFFFDA0]  }
0x4ab: {  	v58 =	vshll.u32 v40, $0x3;
	v24 =	vor.u32 v44, v46;
	v56 =	vld [tilespmem:s29+$0xFFFFFEA0];
	v16 =	vor.u32 v16, v42  }
0x4ac: {  	v17 =	vshll.u32 v52, $0x7;
	v52 =	vshll.u32 v53, $0x6;
	v53 =	vld [tilespmem:s25+$0xFFFFFEB0];
	v6 =	vor.u32 v6, v12  }
0x4ad: {  	v14 =	vshll.u32 v14, $0x7;
	v23 =	vshll.u32 v50, $0x6;
	v12 =	vld [tilespmem:s29+$0xFFFFFE20];
	v54 =	vand.u32 $0xFFFFFF80, v6;
	[tilespmem:s26+$0xFFFFFF80] =	vst v48  }
0x4ae: {  	v14 =	vor.u32 v14, v23;
	v55 =	vadd.s32 v6, v54;
	v57 =	vld.idx.msk [tilespmem:v10+s10+$0x0], $0xffff;
	v10 =	vshll.u32 v15, $0x5  }
0x4af: {  	v15 =	vadd.s32 $0x80, v16;
	v10 =	vor.u32 v10, v14;
	v14 =	vld [tilespmem:s29+$0xFFFFFF20];
	v13 =	vshll.u32 v13, $0x4  }
0x4b0: {  	v59 =	vshll.u32 v56, $0x2;
	v17 =	vor.u32 v17, v52;
	v10 =	vor.u32 v13, v10;
	v13 =	vld [tilespmem:s29+$0xFFFFFFA0]  }
0x4b1: {  	v60 =	vld [tilespmem:s25+$0xFFFFFFB0];
	v17 =	vor.u32 v25, v17;
	v6 =	vand.u32 $0x7F, v6;
	v16 =	vshll.u32 v39, $0x4  }
0x4b2: {  	v18 =	vand.u32 $0xFFFFFF80, v55;
	v16 =	vor.u32 v16, v17;
	v17 =	vld [tilespmem:s25+$0xFFFFFF30];
	v12 =	vshll.u32 v12, $0x3  }
0x4b3: {  	[tilespmem:s23+$0xFFFFFF30] =	vst v19;
	v18 =	vor.u32 v6, v18;
	v6 =	vadd.s32 $0x80, v24;
	v10 =	vor.u32 v12, v10;
	v12 =	vld.idx.msk [tilespmem:v55+s10+$0x0], $0xffff  }
0x4b4: {  	[tilespmem:s20+$0x0] =	vst v4;
	v4 =	vshll.u32 v53, $0x2;
	v18 =	vadd.s32 $0x80, v18;
	v10 =	vor.u32 v59, v10;
	v61 =	vld.idx.msk [tilespmem:v15+s10+$0x0], $0xffff  }
0x4b5: {  	v62 =	vld [tilespmem:s28+$0xFFFFFEC0];
	v16 =	vor.u32 v58, v16;
	v14 =	vshll.u32 v14, $0x1;
	v10 =	vor.u32 v13, v10  }
0x4b6: {  	[tilespmem:s21+$0x0] =	vst v5;
	v4 =	vor.u32 v4, v16;
	v16 =	vld [tilespmem:s28+$0xFFFFFFC0];
	v15 =	vshll.u32 v21, $0x4;
	v10 =	vor.u32 v14, v10  }
0x4b7: {  	[tilespmem:s20+$0xFFFFFF40] =	vst v11;
	v19 =	vor.u32 v60, v4;
	v4 =	vld.idx.msk [tilespmem:v9+s10+$0x0], $0xffff;
	v5 =	vor.u32 v15, v26;
	v15 =	vand.u32 $0xFFFFFF80, v10  }
0x4b8: {  	v13 =	vshll.u32 v20, $0x3;
	v14 =	vld [tilespmem:s28+$0xFFFFFF40];
	[tilespmem:s30+$0xFFFFFF60] =	vst v12;
	v12 =	vshll.u32 v17, $0x1;
	v17 =	vadd.s32 v10, v15  }
0x4b9: {  	v9 =	vand.u32 $0x7F, v10;
	v15 =	vld.idx.msk [tilespmem:v18+s10+$0x0], $0xffff;
	v11 =	vor.u32 v12, v19;
	[tilespmem:s23+$0xFFFFFFB0] =	vst v61;
	v10 =	vand.u32 $0xFFFFFF80, v17  }
0x4ba: {  	v5 =	vor.u32 v13, v5;
	v13 =	vld [tilespmem:s24+$0xFFFFFC40];
	v12 =	vor.u32 v9, v10;
	v10 =	vand.u32 $0xFFFFFF80, v11  }
0x4bb: {  	[tilespmem:s22+$0x0] =	vst v7;
	v7 =	vand.u32 $0x7F, v11;
	v9 =	vld.idx.msk [tilespmem:v22+s10+$0x0], $0xffff;
	v10 =	vadd.s32 v11, v10;
	v11 =	vshll.u32 v62, $0x2  }
0x4bc: {  	[tilespmem:s23+$0x0] =	vst v8;
	v8 =	vadd.s32 $0x80, v12;
	v12 =	vld [tilespmem:s24+$0xFFFFFCC0];
	v63 =	vand.u32 $0xFFFFFF80, v10;
	v11 =	vor.u32 v11, v5  }
0x4bd: {  	s31 =	simm.s32 $0x9BF0;
	[tilespmem:s26+$0x0] =	vst v57;
	s28 =	simm.s32 $0x4A;
	v5 =	vshll.u32 v14, $0x1;
	v14 =	vld.idx.msk [tilespmem:v17+s10+$0x0], $0xffff;
	v7 =	vor.u32 v7, v63;
	v11 =	vor.u32 v16, v11  }
.LBB2_4:
0x4be: {  	v16 =	vld [tilespmem:s31+$0xFFFFFC50];
	v7 =	vadd.s32 $0x80, v7;
	v5 =	vor.u32 v5, v11;
	[tilespmem:s21+$0xFFFFFF40] =	vst v4  }
0x4bf: {  	v11 =	vld [tilespmem:s31+$0xFFFFFCD0];
	[tilespmem:s30+$0xFFFFFFE0] =	vst v15;
	v4 =	vand.u32 $0xFFFFFF80, v5;
	v15 =	vand.u32 $0x7F, v5  }
0x4c0: {  	v17 =	vld [tilespmem:s29+$0xFFFFFC70];
	v13 =	vshll.u32 v13, $0x7;
	v4 =	vadd.s32 v5, v4;
	[tilespmem:s20+$0xFFFFFFC0] =	vst v9;
	s20 =	smov.u32 s21;
	s21 =	smov.u32 s22;
	s22 =	smov.u32 s23  }
0x4c1: {  	s23 =	smov.u32 s26;
	s26 =	smov.u32 s30;
	v9 =	vld [tilespmem:s29+$0xFFFFFCF0];
	v5 =	vshll.u32 v12, $0x6;
	v12 =	vand.u32 $0xFFFFFF80, v4  }
0x4c2: {  	v18 =	vld [tilespmem:s29+$0xFFFFFD70];
	v13 =	vor.u32 v13, v5;
	v5 =	vor.u32 v15, v12  }
0x4c3: {  	[tilespmem:s30+$0xFFFFFF20] =	vst v14;
	v12 =	vld [tilespmem:s29+$0xFFFFFDF0];
	v5 =	vadd.s32 $0x80, v5  }
0x4c4: {  	v14 =	vld [tilespmem:s29+$0xFFFFFE70]  }
0x4c5: {  	v15 =	vld [tilespmem:s29+$0xFFFFFEF0]  }
0x4c6: {  	v17 =	vshll.u32 v17, $0x7;
	v19 =	vld [tilespmem:s29+$0xFFFFFF70];
	v9 =	vshll.u32 v9, $0x6  }
0x4c7: {  	v20 =	vld [tilespmem:s29+$0xFFFFFFF0];
	v18 =	vshll.u32 v18, $0x5;
	v9 =	vor.u32 v17, v9  }
0x4c8: {  	v17 =	vld [tilespmem:s31+$0xFFFFFD50];
	v12 =	vshll.u32 v12, $0x4;
	v9 =	vor.u32 v18, v9  }
0x4c9: {  	v18 =	vld [tilespmem:s31+$0xFFFFFDD0];
	v14 =	vshll.u32 v14, $0x3;
	v9 =	vor.u32 v12, v9  }
0x4ca: {  	v12 =	vld [tilespmem:s31+$0xFFFFFE50];
	v15 =	vshll.u32 v15, $0x2;
	v9 =	vor.u32 v14, v9  }
0x4cb: {  	v16 =	vshll.u32 v16, $0x7;
	v14 =	vld [tilespmem:s31+$0xFFFFFED0];
	v9 =	vor.u32 v15, v9  }
0x4cc: {  	v11 =	vshll.u32 v11, $0x6;
	v19 =	vshll.u32 v19, $0x1;
	v15 =	vld [tilespmem:s31+$0xFFFFFF50];
	v9 =	vor.u32 v20, v9  }
0x4cd: {  	v11 =	vor.u32 v16, v11;
	v20 =	vld [tilespmem:s31+$0xFFFFFFD0];
	v17 =	vshll.u32 v17, $0x5;
	v9 =	vor.u32 v19, v9  }
0x4ce: {  	v16 =	vld [tilespmem:s31+$0xFFFFFC90];
	v18 =	vshll.u32 v18, $0x4;
	v11 =	vor.u32 v17, v11;
	v17 =	vand.u32 $0xFFFFFF80, v9  }
0x4cf: {  	v19 =	vld [tilespmem:s31+$0xFFFFFC10];
	v12 =	vshll.u32 v12, $0x3;
	v11 =	vor.u32 v18, v11;
	v17 =	vadd.s32 v9, v17  }
0x4d0: {  	s28 =	sadd.s32 $0x2, s28;
	v18 =	vld [tilespmem:s31+$0xFFFFFD10];
	v14 =	vshll.u32 v14, $0x2;
	v11 =	vor.u32 v12, v11  }
0x4d1: {  	p0 =	slt.u32 s28, $0x7E;
	v12 =	vld [tilespmem:s31+$0xFFFFFD90];
	v11 =	vor.u32 v14, v11  }
0x4d2: {  	v15 =	vshll.u32 v15, $0x1;
	v14 =	vld [tilespmem:s31+$0xFFFFFE10];
	v11 =	vor.u32 v20, v11  }
0x4d3: {  	v20 =	vld [tilespmem:s31+$0xFFFFFE90];
	v16 =	vshll.u32 v16, $0x6;
	v11 =	vor.u32 v15, v11  }
0x4d4: {  	v9 =	vand.u32 $0x7F, v9;
	v15 =	vand.u32 $0xFFFFFF80, v11;
	v21 =	vld.idx.msk [tilespmem:v17+s10+$0x0], $0xffff;
	v17 =	vand.u32 $0xFFFFFF80, v17  }
0x4d5: {  	v19 =	vshll.u32 v19, $0x7;
	v22 =	vld [tilespmem:s31+$0xFFFFFF10];
	v15 =	vadd.s32 v11, v15;
	v9 =	vor.u32 v9, v17  }
0x4d6: {  	v18 =	vshll.u32 v18, $0x5;
	v16 =	vor.u32 v19, v16;
	v17 =	vld [tilespmem:s31+$0xFFFFFF90];
	v9 =	vadd.s32 $0x80, v9  }
0x4d7: {  	v12 =	vshll.u32 v12, $0x4;
	v16 =	vor.u32 v18, v16;
	v14 =	vshll.u32 v14, $0x3;
	v8 =	vld.idx.msk [tilespmem:v8+s10+$0x0], $0xffff  }
0x4d8: {  	v12 =	vor.u32 v12, v16;
	v18 =	vshll.u32 v20, $0x2;
	v10 =	vld.idx.msk [tilespmem:v10+s10+$0x0], $0xffff  }
0x4d9: {  	v12 =	vor.u32 v14, v12;
	v14 =	vld [tilespmem:s24+$0xFFFFFD40]  }
0x4da: {  	v11 =	vand.u32 $0x7F, v11;
	v12 =	vor.u32 v18, v12;
	v16 =	vld.idx.msk [tilespmem:v15+s10+$0x0], $0xffff;
	v15 =	vand.u32 $0xFFFFFF80, v15;
	[tilespmem:s30+$0xFFFFFF70] =	vst v21  }
0x4db: {  	v18 =	vshll.u32 v22, $0x1;
	v12 =	vor.u32 v17, v12;
	v11 =	vor.u32 v11, v15;
	v9 =	vld.idx.msk [tilespmem:v9+s10+$0x0], $0xffff  }
0x4dc: {  	v12 =	vor.u32 v18, v12;
	v11 =	vadd.s32 $0x80, v11;
	v15 =	vld [tilespmem:s24+$0xFFFFFDC0]  }
0x4dd: {  	v17 =	vand.u32 $0xFFFFFF80, v12;
	v18 =	vand.u32 $0x7F, v12;
	[tilespmem:s30+$0xFFFFFFA0] =	vst v8;
	v8 =	vld [tilespmem:s24+$0xFFFFFE40]  }
0x4de: {  	v12 =	vadd.s32 v12, v17;
	v17 =	vld [tilespmem:s29+$0xFFFFFC30];
	[tilespmem:s23+$0xFFFFFF30] =	vst v10;
	v10 =	vshll.u32 v14, $0x5  }
0x4df: {  	s30 =	sadd.s32 $0x100, s30;
	v14 =	vand.u32 $0xFFFFFF80, v12;
	v19 =	vld [tilespmem:s29+$0xFFFFFCB0];
	v10 =	vor.u32 v10, v13  }
0x4e0: {  	v13 =	vor.u32 v18, v14;
	[tilespmem:s30+$0xFFFFFF50] =	vst v16;
	v14 =	vld [tilespmem:s29+$0xFFFFFD30]  }
0x4e1: {  	v13 =	vadd.s32 $0x80, v13;
	v16 =	vld.idx.msk [tilespmem:v11+s10+$0x0], $0xffff;
	[tilespmem:s26+$0xFFFFFFF0] =	vst v9;
	v9 =	vshll.u32 v15, $0x4  }
0x4e2: {  	v15 =	vld [tilespmem:s29+$0xFFFFFC80];
	v8 =	vshll.u32 v8, $0x3;
	v9 =	vor.u32 v9, v10  }
0x4e3: {  	v10 =	vshll.u32 v17, $0x7;
	v17 =	vld [tilespmem:s29+$0xFFFFFD00];
	v11 =	vor.u32 v8, v9  }
0x4e4: {  	v8 =	vshll.u32 v19, $0x6;
	v9 =	vld [tilespmem:s29+$0xFFFFFD80]  }
0x4e5: {  	v14 =	vshll.u32 v14, $0x5;
	v8 =	vor.u32 v10, v8;
	v10 =	vld [tilespmem:s29+$0xFFFFFE00]  }
0x4e6: {  	v8 =	vor.u32 v14, v8;
	v14 =	vld [tilespmem:s29+$0xFFFFFE80]  }
0x4e7: {  	v18 =	vld [tilespmem:s29+$0xFFFFFF00]  }
0x4e8: {  	v15 =	vshll.u32 v15, $0x7;
	v19 =	vld [tilespmem:s29+$0xFFFFFF80];
	v17 =	vshll.u32 v17, $0x6  }
0x4e9: {  	v20 =	vld [tilespmem:s29+$0x0];
	v9 =	vshll.u32 v9, $0x5;
	v15 =	vor.u32 v15, v17  }
0x4ea: {  	v12 =	vld.idx.msk [tilespmem:v12+s10+$0x0], $0xffff;
	v10 =	vshll.u32 v10, $0x4;
	v9 =	vor.u32 v9, v15  }
0x4eb: {  	v15 =	vld [tilespmem:s29+$0xFFFFFDB0];
	v14 =	vshll.u32 v14, $0x3;
	v9 =	vor.u32 v10, v9  }
0x4ec: {  	[tilespmem:s30+$0xFFFFFFD0] =	vst v16;
	v10 =	vld [tilespmem:s29+$0xFFFFFE30];
	v16 =	vshll.u32 v18, $0x2;
	v9 =	vor.u32 v14, v9  }
0x4ed: {  	v14 =	vld [tilespmem:s31+$0xFFFFFDE0];
	v9 =	vor.u32 v16, v9  }
0x4ee: {  	v17 =	vshll.u32 v19, $0x1;
	v16 =	vld [tilespmem:s31+$0xFFFFFC60];
	v9 =	vor.u32 v20, v9  }
0x4ef: {  	v18 =	vld [tilespmem:s31+$0xFFFFFCE0];
	v9 =	vor.u32 v17, v9  }
0x4f0: {  	[tilespmem:s30+$0xFFFFFF10] =	vst v12;
	v12 =	vld [tilespmem:s31+$0xFFFFFD60];
	v15 =	vshll.u32 v15, $0x4;
	v17 =	vand.u32 $0xFFFFFF80, v9  }
0x4f1: {  	v13 =	vld.idx.msk [tilespmem:v13+s10+$0x0], $0xffff;
	v10 =	vshll.u32 v10, $0x3;
	v8 =	vor.u32 v15, v8;
	v15 =	vadd.s32 v9, v17  }
0x4f2: {  	v17 =	vld [tilespmem:s31+$0xFFFFFE60];
	v8 =	vor.u32 v10, v8  }
0x4f3: {  	v10 =	vld [tilespmem:s31+$0xFFFFFEE0]  }
0x4f4: {  	v16 =	vshll.u32 v16, $0x7;
	v19 =	vld [tilespmem:s31+$0xFFFFFF60];
	v18 =	vshll.u32 v18, $0x6  }
0x4f5: {  	v14 =	vshll.u32 v14, $0x4;
	v20 =	vld [tilespmem:s31+$0xFFFFFFE0];
	v12 =	vshll.u32 v12, $0x5;
	v16 =	vor.u32 v16, v18  }
0x4f6: {  	v9 =	vand.u32 $0x7F, v9;
	v12 =	vor.u32 v12, v16;
	v16 =	vld.idx.msk [tilespmem:v15+s10+$0x0], $0xffff;
	v15 =	vand.u32 $0xFFFFFF80, v15  }
0x4f7: {  	[tilespmem:s30+$0xFFFFFF90] =	vst v13;
	v13 =	vshll.u32 v17, $0x3;
	v12 =	vor.u32 v14, v12;
	v14 =	vld [tilespmem:s29+$0xFFFFFEB0];
	v9 =	vor.u32 v9, v15  }
0x4f8: {  	v15 =	vld [tilespmem:s31+$0xFFFFFC20];
	v10 =	vshll.u32 v10, $0x2;
	v12 =	vor.u32 v13, v12;
	v9 =	vadd.s32 $0x80, v9  }
0x4f9: {  	v13 =	vld [tilespmem:s31+$0xFFFFFCA0];
	v10 =	vor.u32 v10, v12  }
0x4fa: {  	v17 =	vshll.u32 v19, $0x1;
	v12 =	vld [tilespmem:s31+$0xFFFFFD20];
	v10 =	vor.u32 v20, v10  }
0x4fb: {  	v18 =	vld [tilespmem:s31+$0xFFFFFDA0];
	v10 =	vor.u32 v17, v10  }
0x4fc: {  	v17 =	vld [tilespmem:s31+$0xFFFFFE20];
	v19 =	vand.u32 $0xFFFFFF80, v10;
	v14 =	vshll.u32 v14, $0x2;
	[tilespmem:s26+$0xFFFFFF80] =	vst v16  }
0x4fd: {  	v15 =	vshll.u32 v15, $0x7;
	v16 =	vadd.s32 v10, v19;
	v8 =	vor.u32 v14, v8;
	v9 =	vld.idx.msk [tilespmem:v9+s10+$0x0], $0xffff  }
0x4fe: {  	v14 =	vld [tilespmem:s31+$0xFFFFFEA0];
	v13 =	vshll.u32 v13, $0x6  }
0x4ff: {  	v19 =	vld [tilespmem:s31+$0xFFFFFF20];
	v12 =	vshll.u32 v12, $0x5;
	v13 =	vor.u32 v15, v13  }
0x500: {  	v15 =	vld [tilespmem:s31+$0xFFFFFFA0];
	v18 =	vshll.u32 v18, $0x4;
	v12 =	vor.u32 v12, v13  }
0x501: {  	v13 =	vshll.u32 v17, $0x3;
	v12 =	vor.u32 v18, v12;
	v17 =	vld [tilespmem:s29+$0xFFFFFF30]  }
0x502: {  	v10 =	vand.u32 $0x7F, v10;
	v12 =	vor.u32 v13, v12;
	v13 =	vld.idx.msk [tilespmem:v16+s10+$0x0], $0xffff;
	v16 =	vand.u32 $0xFFFFFF80, v16  }
0x503: {  	v14 =	vshll.u32 v14, $0x2;
	v10 =	vor.u32 v10, v16;
	v16 =	vld [tilespmem:s29+$0xFFFFFFB0];
	[tilespmem:s26+$0x0] =	vst v9  }
0x504: {  	v9 =	vshll.u32 v19, $0x1;
	v12 =	vor.u32 v14, v12;
	v10 =	vadd.s32 $0x80, v10;
	v7 =	vld.idx.msk [tilespmem:v7+s10+$0x0], $0xffff  }
0x505: {  	v12 =	vor.u32 v15, v12;
	v14 =	vld [tilespmem:s24+$0xFFFFFEC0]  }
0x506: {  	v9 =	vor.u32 v9, v12;
	v12 =	vshll.u32 v17, $0x1;
	v17 =	vld [tilespmem:s24+$0xFFFFFF40]  }
0x507: {  	v15 =	vand.u32 $0xFFFFFF80, v9;
	v18 =	vand.u32 $0x7F, v9;
	v19 =	vld [tilespmem:s24+$0xFFFFFFC0];
	s24 =	smov.u32 s25;
	s25 =	smov.u32 s29;
	s29 =	smov.u32 s31  }
0x508: {  	v20 =	vadd.s32 v9, v15;
	[tilespmem:s30+$0xFFFFFF60] =	vst v13;
	v8 =	vor.u32 v16, v8;
	v4 =	vld.idx.msk [tilespmem:v4+s10+$0x0], $0xffff  }
.Ltmp1:
0x509: {  	v9 =	vand.u32 $0xFFFFFF80, v20;
	v15 =	vld.idx.msk [tilespmem:v10+s10+$0x0], $0xffff;
	v10 =	vor.u32 v12, v8;
	(pc) =	sbr.rel @p0 .LBB2_4-.Ltmp1, $4  }
0x50a: {  	v8 =	vor.u32 v18, v9;
	v12 =	vand.u32 $0xFFFFFF80, v10;
	v16 =	vand.u32 $0x7F, v10;
	[tilespmem:s23+$0xFFFFFFB0] =	vst v7;
	v9 =	vld.idx.msk [tilespmem:v6+s10+$0x0], $0xffff;
	v6 =	vmovc v5  }
0x50b: {  	v7 =	vshll.u32 v14, $0x2;
	v8 =	vadd.s32 $0x80, v8;
	v10 =	vadd.s32 v10, v12;
	v13 =	vld [tilespmem:s24+$0xFFFFFC40]  }
0x50c: {  	v5 =	vshll.u32 v17, $0x1;
	v11 =	vor.u32 v7, v11;
	v18 =	vand.u32 $0xFFFFFF80, v10;
	v12 =	vld [tilespmem:s24+$0xFFFFFCC0]  }
0x50d: {  	s31 =	sadd.s32 $0x400, s31;
	v11 =	vor.u32 v19, v11;
	v14 =	vld.idx.msk [tilespmem:v20+s10+$0x0], $0xffff;
	v7 =	vor.u32 v16, v18  }
0x50e: {  	[tilespmem:s30+$0xFFFFFFE0] =	vst v15  }
0x50f: {  	v15 =	vld [tilespmem:s29+$0xFFFFFC70]  }
0x510: {  	v16 =	vld [tilespmem:s29+$0xFFFFFCF0]  }
0x511: {  	v17 =	vld [tilespmem:s29+$0xFFFFFD70]  }
0x512: {  	v18 =	vld [tilespmem:s29+$0xFFFFFDF0]  }
0x513: {  	v19 =	vld [tilespmem:s29+$0xFFFFFE70]  }
0x514: {  	v20 =	vld [tilespmem:s29+$0xFFFFFEF0]  }
0x515: {  	v21 =	vld [tilespmem:s29+$0xFFFFFF70];
	v15 =	vshll.u32 v15, $0x7;
	v16 =	vshll.u32 v16, $0x6  }
0x516: {  	v22 =	vld [tilespmem:s29+$0xFFFFFFF0];
	v17 =	vshll.u32 v17, $0x5;
	v15 =	vor.u32 v15, v16  }
0x517: {  	v27 =	vshll.u32 v18, $0x4;
	v15 =	vor.u32 v17, v15  }
0x518: {  	v28 =	vshll.u32 v19, $0x3;
	v15 =	vor.u32 v27, v15  }
0x519: {  	v29 =	vshll.u32 v20, $0x2;
	v15 =	vor.u32 v28, v15  }
0x51a: {  	[tilespmem:s30+$0xFFFFFF20] =	vst v14;
	v15 =	vor.u32 v29, v15  }
0x51b: {  	v8 =	vld.idx.msk [tilespmem:v8+s10+$0x0], $0xffff;
	v30 =	vshll.u32 v21, $0x1;
	v15 =	vor.u32 v22, v15  }
0x51c: {  	v15 =	vor.u32 v30, v15  }
0x51d: {  	v16 =	vand.u32 $0xFFFFFF80, v15  }
0x51e: {  	v16 =	vadd.s32 v15, v16  }
0x51f: {  	v10 =	vld.idx.msk [tilespmem:v10+s10+$0x0], $0xffff  }
0x520: {  	v40 =	vld [tilespmem:s24+$0xFFFFFD40];
	[tilespmem:s30+$0xFFFFFFA0] =	vst v8  }
0x521: {  	v8 =	vld [tilespmem:s29+$0xFFFFFC30]  }
0x522: {  	v33 =	vld [tilespmem:s29+$0xFFFFFCB0];
	v15 =	vand.u32 $0x7F, v15;
	v31 =	vand.u32 $0xFFFFFF80, v16  }
0x523: {  	v15 =	vor.u32 v15, v31;
	v32 =	vld.idx.msk [tilespmem:v16+s10+$0x0], $0xffff  }
0x524: {  	v34 =	vld [tilespmem:s29+$0xFFFFFD30];
	v15 =	vadd.s32 $0x80, v15  }
0x525: {  	v35 =	vld [tilespmem:s29+$0xFFFFFDB0]  }
0x526: {  	v7 =	vadd.s32 $0x80, v7;
	v36 =	vld [tilespmem:s29+$0xFFFFFE30]  }
0x527: {  	v37 =	vld [tilespmem:s29+$0xFFFFFEB0]  }
0x528: {  	v38 =	vld [tilespmem:s29+$0xFFFFFF30];
	[tilespmem:s30+$0xFFFFFF70] =	vst v32  }
0x529: {  	v8 =	vshll.u32 v8, $0x7;
	v14 =	vld.idx.msk [tilespmem:v15+s10+$0x0], $0xffff;
	v15 =	vshll.u32 v33, $0x6  }
0x52a: {  	[tilespmem:s26+$0xFFFFFF30] =	vst v10;
	v39 =	vld [tilespmem:s29+$0xFFFFFFB0];
	v16 =	vshll.u32 v34, $0x5;
	v8 =	vor.u32 v8, v15  }
0x52b: {  	v7 =	vld.idx.msk [tilespmem:v7+s10+$0x0], $0xffff;
	v41 =	vshll.u32 v35, $0x4;
	v8 =	vor.u32 v16, v8  }
0x52c: {  	v42 =	vld [tilespmem:s24+$0xFFFFFDC0];
	v18 =	vshll.u32 v36, $0x3;
	v8 =	vor.u32 v41, v8  }
0x52d: {  	v43 =	vld [tilespmem:s24+$0xFFFFFE40];
	v44 =	vshll.u32 v37, $0x2;
	v8 =	vor.u32 v18, v8  }
0x52e: {  	v53 =	vld [tilespmem:s24+$0xFFFFFEC0];
	v8 =	vor.u32 v44, v8  }
0x52f: {  	v26 =	vld [tilespmem:s24+$0xFFFFFF40];
	v47 =	vshll.u32 v38, $0x1;
	v8 =	vor.u32 v39, v8  }
0x530: {  	v27 =	vld [tilespmem:s24+$0xFFFFFFC0];
	[tilespmem:s26+$0xFFFFFFB0] =	vst v7;
	v8 =	vor.u32 v47, v8  }
0x531: {  	v55 =	vld [tilespmem:s25+$0xFFFFFC40];
	v50 =	vand.u32 $0xFFFFFF80, v8  }
0x532: {  	v56 =	vld [tilespmem:s25+$0xFFFFFCC0];
	v20 =	vadd.s32 v8, v50  }
0x533: {  	v61 =	vld [tilespmem:s25+$0xFFFFFD40]  }
0x534: {  	v63 =	vld [tilespmem:s25+$0xFFFFFDC0]  }
0x535: {  	v22 =	vld [tilespmem:s25+$0xFFFFFE40]  }
0x536: {  	v28 =	vld [tilespmem:s25+$0xFFFFFFC0];
	v8 =	vand.u32 $0x7F, v8;
	v25 =	vand.u32 $0xFFFFFF80, v20  }
0x537: {  	v8 =	vor.u32 v8, v25;
	v20 =	vld.idx.msk [tilespmem:v20+s10+$0x0], $0xffff  }
0x538: {  	v41 =	vld [tilespmem:s25+$0xFFFFFF40];
	[tilespmem:s30+$0xFFFFFFF0] =	vst v14;
	v8 =	vadd.s32 $0x80, v8  }
0x539: {  	v45 =	vld [tilespmem:s29+$0xFFFFFC80]  }
0x53a: {  	v54 =	vshll.u32 v13, $0x7;
	v12 =	vshll.u32 v12, $0x6;
	v46 =	vld [tilespmem:s29+$0xFFFFFD00]  }
0x53b: {  	v59 =	vshll.u32 v40, $0x5;
	v7 =	vor.u32 v54, v12;
	v48 =	vld [tilespmem:s29+$0xFFFFFD80]  }
0x53c: {  	v17 =	vshll.u32 v42, $0x4;
	v7 =	vor.u32 v59, v7;
	v23 =	vld [tilespmem:s29+$0xFFFFFF00];
	[tilespmem:s30+$0xFFFFFF30] =	vst v20  }
0x53d: {  	v5 =	vor.u32 v5, v11;
	v29 =	vshll.u32 v53, $0x2;
	v7 =	vor.u32 v17, v7;
	v8 =	vld.idx.msk [tilespmem:v8+s10+$0x0], $0xffff  }
0x53e: {  	v38 =	vshll.u32 v26, $0x1;
	v13 =	vshll.u32 v55, $0x7;
	v16 =	vshll.u32 v43, $0x3;
	v49 =	vld [tilespmem:s29+$0xFFFFFE00]  }
0x53f: {  	v30 =	vshll.u32 v56, $0x6;
	v35 =	vshll.u32 v63, $0x4;
	v7 =	vor.u32 v16, v7;
	v51 =	vld [tilespmem:s29+$0xFFFFFE80]  }
0x540: {  	v32 =	vor.u32 v13, v30;
	v33 =	vshll.u32 v61, $0x5;
	v7 =	vor.u32 v29, v7;
	v52 =	vld [tilespmem:s29+$0xFFFFFF80]  }
0x541: {  	v15 =	vshll.u32 v22, $0x3;
	v7 =	vor.u32 v27, v7;
	v44 =	vand.u32 $0xFFFFFF80, v5;
	v24 =	vld [tilespmem:s29+$0x0]  }
0x542: {  	v18 =	vshll.u32 v45, $0x7;
	v14 =	vshll.u32 v46, $0x6;
	v21 =	vshll.u32 v23, $0x2;
	v23 =	vld [tilespmem:s25+$0xFFFFFEC0];
	[tilespmem:s30+$0xFFFFFFB0] =	vst v8  }
0x543: {  	v7 =	vor.u32 v38, v7;
	v58 =	vshll.u32 v48, $0x5;
	v57 =	vor.u32 v18, v14;
	v31 =	vld [tilespmem:s29+$0xFFFFFC40]  }
0x544: {  	v11 =	vshll.u32 v41, $0x1;
	v60 =	vshll.u32 v49, $0x4;
	v12 =	vor.u32 v58, v57;
	v34 =	vld [tilespmem:s29+$0xFFFFFCC0]  }
0x545: {  	v62 =	vshll.u32 v51, $0x3;
	v10 =	vshll.u32 v52, $0x1;
	v12 =	vor.u32 v60, v12;
	v36 =	vld [tilespmem:s29+$0xFFFFFD40]  }
0x546: {  	v51 =	vand.u32 $0xFFFFFF80, v7;
	v18 =	vadd.s32 v5, v44;
	v12 =	vor.u32 v62, v12;
	v37 =	vld [tilespmem:s29+$0xFFFFFDC0]  }
0x547: {  	v5 =	vand.u32 $0x7F, v5;
	v52 =	vadd.s32 v7, v51;
	v12 =	vor.u32 v21, v12;
	v40 =	vld [tilespmem:s29+$0xFFFFFE40]  }
0x548: {  	v7 =	vand.u32 $0x7F, v7;
	v39 =	vshll.u32 v23, $0x2;
	v24 =	vor.u32 v24, v12;
	v43 =	vld [tilespmem:s29+$0xFFFFFEC0]  }
0x549: {  	v10 =	vor.u32 v10, v24;
	v46 =	vld [tilespmem:s29+$0xFFFFFF40];
	v42 =	vshll.u32 v31, $0x7;
	v14 =	vshll.u32 v34, $0x6  }
0x54a: {  	v8 =	vor.u32 v33, v32;
	v47 =	vld [tilespmem:s29+$0xFFFFFFC0];
	v45 =	vshll.u32 v36, $0x5;
	v12 =	vor.u32 v42, v14  }
0x54b: {  	v8 =	vor.u32 v35, v8;
	v13 =	vshll.u32 v37, $0x4;
	v12 =	vor.u32 v45, v12  }
0x54c: {  	v8 =	vor.u32 v15, v8;
	v17 =	vshll.u32 v40, $0x3;
	v12 =	vor.u32 v13, v12  }
0x54d: {  	v8 =	vor.u32 v39, v8;
	v15 =	vshll.u32 v43, $0x2;
	v12 =	vor.u32 v17, v12  }
0x54e: {  	v49 =	vand.u32 $0xFFFFFF80, v10;
	v8 =	vor.u32 v28, v8;
	v12 =	vor.u32 v15, v12  }
0x54f: {  	v8 =	vor.u32 v11, v8;
	v16 =	vshll.u32 v46, $0x1;
	v12 =	vor.u32 v47, v12  }
0x550: {  	v53 =	vand.u32 $0xFFFFFF80, v8;
	v17 =	vadd.s32 v10, v49;
	v12 =	vor.u32 v16, v12  }
0x551: {  	v48 =	vand.u32 $0xFFFFFF80, v18;
	v15 =	vadd.s32 v8, v53;
	v16 =	vand.u32 $0xFFFFFF80, v12  }
0x552: {  	v56 =	vand.u32 $0xFFFFFF80, v52;
	v5 =	vor.u32 v5, v48;
	v55 =	vadd.s32 v12, v16  }
0x553: {  	v7 =	vor.u32 v7, v56;
	v57 =	vld.idx.msk [tilespmem:v18+s10+$0x0], $0xffff;
	v10 =	vand.u32 $0x7F, v10;
	v50 =	vand.u32 $0xFFFFFF80, v17  }
0x554: {  	v5 =	vadd.s32 $0x80, v5;
	v7 =	vadd.s32 $0x80, v7;
	v14 =	vld.idx.msk [tilespmem:v52+s10+$0x0], $0xffff;
	v10 =	vor.u32 v10, v50  }
0x555: {  	v8 =	vand.u32 $0x7F, v8;
	v58 =	vand.u32 $0xFFFFFF80, v15;
	v10 =	vadd.s32 $0x80, v10;
	v54 =	vld.idx.msk [tilespmem:v17+s10+$0x0], $0xffff  }
0x556: {  	[tilespmem:s21+$0xFFFFFF40] =	vst v4;
	v4 =	vor.u32 v8, v58;
	v12 =	vand.u32 $0x7F, v12;
	v59 =	vld.idx.msk [tilespmem:v15+s10+$0x0], $0xffff;
	v60 =	vand.u32 $0xFFFFFF80, v55  }
0x557: {  	[tilespmem:s20+$0xFFFFFFC0] =	vst v9;
	v4 =	vadd.s32 $0x80, v4;
	v12 =	vor.u32 v12, v60;
	v11 =	vld.idx.msk [tilespmem:v55+s10+$0x0], $0xffff  }
0x558: {  	v6 =	vld.idx.msk [tilespmem:v6+s10+$0x0], $0xffff;
	[tilespmem:s22+$0xFFFFFF40] =	vst v57;
	v62 =	vadd.s32 $0x80, v12  }
0x559: {  	v5 =	vld.idx.msk [tilespmem:v5+s10+$0x0], $0xffff;
	[tilespmem:s23+$0xFFFFFF40] =	vst v14  }
0x55a: {  	v7 =	vld.idx.msk [tilespmem:v7+s10+$0x0], $0xffff;
	[tilespmem:s30+$0xFFFFFF80] =	vst v54  }
0x55b: {  	v61 =	vld.idx.msk [tilespmem:v10+s10+$0x0], $0xffff;
	[tilespmem:s26+$0xFFFFFF40] =	vst v59  }
0x55c: {  	v4 =	vld.idx.msk [tilespmem:v4+s10+$0x0], $0xffff;
	[tilespmem:s30+$0xFFFFFF40] =	vst v11  }
0x55d: {  	[tilespmem:s21+$0xFFFFFFC0] =	vst v6;
	v63 =	vld.idx.msk [tilespmem:v62+s10+$0x0], $0xffff  }
0x55e: {  	[tilespmem:s22+$0xFFFFFFC0] =	vst v5  }
0x55f: {  	[tilespmem:s23+$0xFFFFFFC0] =	vst v7  }
0x560: {  	[tilespmem:s30+$0x0] =	vst v61  }
0x561: {  	[tilespmem:s26+$0xFFFFFFC0] =	vst v4  }
0x562: {  	s19 =	sadd.s32 $0x1, s19;
	[tilespmem:s30+$0xFFFFFFC0] =	vst v63  }
0x563: {  	[hbm4b:s7+s2] =	stream.linear.scatter [tilespmem:s16], [sflag:$0x4], $0x2000, $0x38;
	[tilespmem:$0x14280] =	vst v63  }
0x564: {  	p0 =	sne.s32 s19, s8;
	_ =	swait.ge [sflag:s17], $0x2000  }
.Ltmp2:
0x565: {  	[sflag:s17] =	ssyncset.done $0x0;
	(pc) =	sbr.rel @p0 .LBB2_1-.Ltmp2, $4  }
0x566: {  	[sflag:s17] =	ssyncadd.s32 $0xFFFFE000  }
0x567: {  	_ =	swait.ge [sflag:s18], $0x2000  }
0x568: {  	[sflag:s18] =	ssyncset.done $0x0  }
0x569: {  	[sflag:s18] =	ssyncadd.s32 $0xFFFFE000  }
0x56a: {  	_ =	sfence.sel $0x180000  }
0x56b: {  	[bflag:$0x0] =	sbarrier.arrive $0xFFFF  }
0x56c: {  	p0 =	sne.s32 s3, $0x0;
	_ =	strace $0x90000047  }
0x56d: {  	s0 =	sadd.s32 @!p0 $0x100000, s0;
	[bflag:$0x2] =	sbarrier.arrive $0xFFFF  }
0x56e: {  	[sflag:s0] =	ssyncadd.tile.s32 @!p0 $0x1;
	_ =	shalt  }
.Lfunc_end2:
_tile_overlayer_lowered:
.L_overlay_start_2:
0x56f: {  	(tag) =	ssettag $0x2  }
0x570: {  	s0 =	rddreg [dreg:$0x0];
	s2 =	stileid.u32  }
0x571: {  	s1 =	rddreg [dreg:$0x1];
	p0 =	sne.s32 s2, $0x0  }
0x572: {  	s3 =	rddreg [dreg:$0x2];
	[bflag:$0x3] =	sbarrier.arrive $0xFFFF;
	s2 =	simm.s32 @!p0 $0x1C05  }
0x573: {  	[timem:s3], [sflag:s2] =	dma.local @!p0 [hbm:s0], s1  }
0x574: {  	s0 =	simm.s32 @!p0 $0x5  }
0x575: {  	_ =	swait.ge @!p0 [sflag:s0], s1  }
0x576: {  	s1 =	ssub.s32 @!p0 $0x0, s1;
	[sflag:s0] =	ssyncset.done @!p0 $0x0  }
0x577: {  	[sflag:s0] =	ssyncadd.s32 @!p0 s1  }
0x578: {  	[bflag:$0x3] =	sbarrier.arrive $0xFFFF  }
0x579: {  	_ =	shalt  }

</sc_bundles>
